<compile_context>
chip_gen: v7x
topology: tpu7x:2x2x1
jax: 0.10.2.dev20260603
libtpu: 0.0.44.dev20260713+nightly
codegen_flags: <defaults>
</compile_context>

<pallas_src>
import jax
import jax.numpy as jnp
from jax import lax
from jax.experimental import pallas as pl
from jax.experimental.pallas import tpu as pltpu
from jax.experimental.pallas import tpu_sc as plsc

B0, B1, N = 32, 32, 32768
ROWS = B0 * B1
L = 16
NC, NS = 2, 16
NW = NC * NS
RPW = ROWS // NW
CHUNKS = N // L
NSETS = 4
UNROLL = 16

_NEG = float("-inf")


_GDN = lax.GatherDimensionNumbers(
    offset_dims=(), collapsed_slice_dims=(0,), start_index_map=(0,))


def _shuf(v, s):
    idx = lax.iota(jnp.int32, L) ^ s
    return lax.gather(v, idx[:, None], _GDN, (1,),
                      mode=lax.GatherScatterMode.PROMISE_IN_BOUNDS)


def _splat_max(v):
    for s in (8, 4, 2, 1):
        v = jnp.maximum(v, _shuf(v, s))
    return v


def _splat_sum(v):
    for s in (8, 4, 2, 1):
        v = v + _shuf(v, s)
    return v


def _vmax_splat(vs):
    m = vs[0]
    for v in vs[1:]:
        m = jnp.maximum(m, v)
    return _splat_max(m)


def _count_eq(vs, mv):
    one = jnp.full((L,), 1.0, jnp.float32)
    zero = jnp.full((L,), 0.0, jnp.float32)
    c = jnp.where(vs[0] == mv, one, zero)
    for v in vs[1:]:
        c = c + jnp.where(v == mv, one, zero)
    return _splat_sum(c)


def _row_threshold_and_scale(buf, lane):
    neg = jnp.full((L,), _NEG, jnp.float32)

    def p1(i, regs):
        regs = list(regs)
        base = i * (L * UNROLL)
        for u in range(UNROLL):
            s = 3 * (u % NSETS)
            x = buf[pl.ds(base + u * L, L)]
            t1, t2, t3 = regs[s], regs[s + 1], regs[s + 2]
            b1 = jnp.maximum(t1, x)
            r1 = jnp.minimum(t1, x)
            b2 = jnp.maximum(t2, r1)
            r2 = jnp.minimum(t2, r1)
            b3 = jnp.maximum(t3, r2)
            regs[s], regs[s + 1], regs[s + 2] = b1, b2, b3
        return tuple(regs)

    cands = list(lax.fori_loop(
        0, CHUNKS // UNROLL, p1, tuple(neg for _ in range(3 * NSETS))))

    m1v = _vmax_splat(cands)
    c1 = _count_eq(cands, m1v)
    mask1 = [jnp.where(v < m1v, v, neg) for v in cands]
    m2v = _vmax_splat(mask1)
    c2 = _count_eq(cands, m2v)
    mask2 = [jnp.where(v < m2v, v, neg) for v in mask1]
    m3v = _vmax_splat(mask2)
    three = jnp.full((L,), 3.0, jnp.float32)
    kv = jnp.where(c1 >= three, m1v,
                   jnp.where(c1 + c2 >= three, m2v, m3v))

    zero = jnp.zeros((L,), jnp.float32)

    one = jnp.full((L,), 1.0, jnp.float32)
    risk = zero
    for s in range(NSETS):
        risk = jnp.maximum(risk, jnp.where(cands[3 * s + 2] == kv, one, zero))
    risky = _splat_max(risk)[0] > 0.0

    def full_sum():
        def p2(i, accs):
            accs = list(accs)
            base = i * (L * UNROLL)
            for u in range(UNROLL):
                x = buf[pl.ds(base + u * L, L)]
                accs[u % NSETS] = accs[u % NSETS] + jnp.where(x >= kv, x, 0.0)
            return tuple(accs)

        accs = lax.fori_loop(0, CHUNKS // UNROLL, p2,
                             tuple(zero for _ in range(NSETS)))
        total = accs[0]
        for a in accs[1:]:
            total = total + a
        lane[0:L] = total

    def cand_sum():
        total = zero
        for v in cands:
            total = total + jnp.where(v >= kv, v, 0.0)
        lane[0:L] = total

    lax.cond(risky, full_sum, cand_sum)
    iv = 1.0 / _splat_sum(lane[0:L])
    return kv, iv


def _mask_normalize(buf, outb, kv, iv):
    def p3(i, c):
        base = i * (L * UNROLL)
        for u in range(UNROLL):
            sl = pl.ds(base + u * L, L)
            x = buf[sl]
            outb[sl] = jnp.where(x >= kv, x * iv, 0.0)
        return c

    lax.fori_loop(0, CHUNKS // UNROLL, p3, 0)


def _sc_body(x_hbm, out_hbm, in0, in1, outb, lane, sem0, sem1, sem_out):
    wid = lax.axis_index("s") * NC + lax.axis_index("c")
    base = wid * RPW
    bufs, sems = (in0, in1), (sem0, sem1)

    pltpu.async_copy(x_hbm.at[base], in0, sem0)
    pltpu.async_copy(x_hbm.at[base + 1], in1, sem1)

    def group(g, c):
        for j in (0, 1):
            r = 2 * g + j
            buf, sem = bufs[j], sems[j]
            pltpu.make_async_copy(x_hbm.at[base + r], buf, sem).wait()
            kv, iv = _row_threshold_and_scale(buf, lane)

            @pl.when(r > 0)
            def _():
                pltpu.make_async_copy(
                    outb, out_hbm.at[base + r - 1], sem_out).wait()

            _mask_normalize(buf, outb, kv, iv)
            pltpu.async_copy(outb, out_hbm.at[base + r], sem_out)

            @pl.when(r + 2 < RPW)
            def _():
                pltpu.async_copy(x_hbm.at[base + r + 2], buf, sem)
        return c

    lax.fori_loop(0, RPW // 2, group, 0)
    pltpu.make_async_copy(outb, out_hbm.at[base + RPW - 1], sem_out).wait()


def _make_kmax_sc():
    mesh = plsc.VectorSubcoreMesh(
        core_axis_name="c", subcore_axis_name="s",
        num_cores=NC, num_subcores=NS)
    return pl.kernel(
        _sc_body,
        out_type=jax.ShapeDtypeStruct((ROWS, N), jnp.float32),
        mesh=mesh,
        scratch_types=[
            pltpu.VMEM((N,), jnp.float32),
            pltpu.VMEM((N,), jnp.float32),
            pltpu.VMEM((N,), jnp.float32),
            pltpu.VMEM((L,), jnp.float32),
            pltpu.SemaphoreType.DMA,
            pltpu.SemaphoreType.DMA,
            pltpu.SemaphoreType.DMA,
        ],
    )


@jax.jit
def kernel(inputs):
    x = inputs.reshape(ROWS, N)
    out = _make_kmax_sc()(x)
    return out.reshape(B0, B1, N)

# --- scband reference (transcript-rebuilt; emitter-appended) ---
"""Pipeline reference for scband-kmax-layer-32246614458534 (READ-ONLY COPY).

The authoritative reference and input builder live on the scoring server;
editing this copy changes nothing except your own understanding.
"""

import jax, jax.numpy as jnp
import numpy as np

K_TOP = 3

def setup_inputs(seed: int = 0) -> dict:
    key = jax.random.key(seed)
    inputs = jax.random.uniform(key, (32, 32, 32768), dtype=jnp.float32)
    return {"inputs": inputs}

def reference(inputs):
    # top-k over last axis (sorted flag irrelevant: we only need the min of the top-k)
    a_top, _ = jax.lax.top_k(inputs, K_TOP)
    kth = jnp.min(a_top, axis=2, keepdims=True)
    # mask: keep entries >= kth largest value
    mask = (inputs >= kth).astype(jnp.float32)
    v = inputs * mask
    # normalize kept entries to sum to 1 along the last axis
    s = 1.0 / jnp.sum(v, axis=2, keepdims=True)
    norms = v * s
    return norms

if __name__ == "__main__":
    import jax
    _d = setup_inputs()
    print(jax.jit(kernel)(*tuple(_d.values())))

</pallas_src>

<mosaic_0001>
#map = affine_map<(d0, d1) -> (0, 0)>
module attributes {stable_mosaic.version = 14 : i64} {
  func.func @_sc_body(%arg0: i32, %arg1: i32, %arg2: memref<1024x32768xf32, #tpu.memory_space<hbm>>, %arg3: memref<1024x32768xf32, #tpu.memory_space<hbm>>, %arg4: memref<32768xf32, #tpu.memory_space<vmem>>, %arg5: memref<32768xf32, #tpu.memory_space<vmem>>, %arg6: memref<32768xf32, #tpu.memory_space<vmem>>, %arg7: memref<16xf32, #tpu.memory_space<vmem>>, %arg8: memref<!tpu.dma_semaphore, #tpu.memory_space<semaphore_mem>>, %arg9: memref<!tpu.dma_semaphore, #tpu.memory_space<semaphore_mem>>, %arg10: memref<!tpu.dma_semaphore, #tpu.memory_space<semaphore_mem>>) attributes {dimension_semantics = [#tpu.dimension_semantics<core_parallel>, #tpu.dimension_semantics<subcore_parallel>], iteration_bounds = array<i64: 2, 16>, scalar_prefetch = 0 : i64, scratch_operands = 7 : i64, tpu.core_type = #tpu.core_type<sc_vector_subcore>, window_params = [{transform_indices = #map}, {transform_indices = #map}]} {
    %mul3A = arith.constant 2 : i32
    %mul3A_0 = arith.muli %arg1, %mul3A : i32
    %add3A = arith.addi %mul3A_0, %arg0 : i32
    %mul3A_1 = arith.constant 32 : i32
    %mul3A_2 = arith.muli %add3A, %mul3A_1 : i32
    %dma_start3A = arith.constant 0 : i32
    %dma_start3A_3 = tpu.memref_slice %arg2[%mul3A_2, %dma_start3A] : memref<1024x32768xf32, #tpu.memory_space<hbm>> -> memref<1x32768xf32, #tpu.memory_space<hbm>>
    %dma_start3A_4 = tpu.memref_squeeze %dma_start3A_3 : memref<1x32768xf32, #tpu.memory_space<hbm>> -> memref<32768xf32, #tpu.memory_space<hbm>>
    %dma_start3A_5 = arith.constant 0 : i32
    %dma_start3A_6 = tpu.memref_slice %arg2[%mul3A_2, %dma_start3A_5] : memref<1024x32768xf32, #tpu.memory_space<hbm>> -> memref<1x32768xf32, #tpu.memory_space<hbm>>
    %dma_start3A_7 = tpu.memref_squeeze %dma_start3A_6 : memref<1x32768xf32, #tpu.memory_space<hbm>> -> memref<32768xf32, #tpu.memory_space<hbm>>
    tpu.enqueue_dma source(%dma_start3A_7 : memref<32768xf32, #tpu.memory_space<hbm>>) target(%arg4 : memref<32768xf32, #tpu.memory_space<vmem>>) target_semaphore(%arg8 : memref<!tpu.dma_semaphore, #tpu.memory_space<semaphore_mem>>)
    %add3A_8 = arith.constant 1 : i32
    %add3A_9 = arith.addi %mul3A_2, %add3A_8 : i32
    %dma_start3A_10 = arith.constant 0 : i32
    %dma_start3A_11 = tpu.memref_slice %arg2[%add3A_9, %dma_start3A_10] : memref<1024x32768xf32, #tpu.memory_space<hbm>> -> memref<1x32768xf32, #tpu.memory_space<hbm>>
    %dma_start3A_12 = tpu.memref_squeeze %dma_start3A_11 : memref<1x32768xf32, #tpu.memory_space<hbm>> -> memref<32768xf32, #tpu.memory_space<hbm>>
    %dma_start3A_13 = arith.constant 0 : i32
    %dma_start3A_14 = tpu.memref_slice %arg2[%add3A_9, %dma_start3A_13] : memref<1024x32768xf32, #tpu.memory_space<hbm>> -> memref<1x32768xf32, #tpu.memory_space<hbm>>
    %dma_start3A_15 = tpu.memref_squeeze %dma_start3A_14 : memref<1x32768xf32, #tpu.memory_space<hbm>> -> memref<32768xf32, #tpu.memory_space<hbm>>
    tpu.enqueue_dma source(%dma_start3A_15 : memref<32768xf32, #tpu.memory_space<hbm>>) target(%arg5 : memref<32768xf32, #tpu.memory_space<vmem>>) target_semaphore(%arg9 : memref<!tpu.dma_semaphore, #tpu.memory_space<semaphore_mem>>)
    %scan3A = arith.constant 0 : i32
    %scan3A_16 = arith.constant 0 : i32
    %scan3A_17 = arith.constant 16 : i32
    %scan3A_18 = arith.addi %scan3A_16, %scan3A_17 : i32
    %scan3A_19 = arith.constant 1 : i32
    scf.for %scan3A_29 = %scan3A_16 to %scan3A_18 step %scan3A_19  : i32 {
      %mul3A_30 = arith.constant 2 : i32
      %mul3A_31 = arith.muli %mul3A_30, %scan3A_29 : i32
      %add3A_32 = arith.constant 0 : i32
      %add3A_33 = arith.addi %mul3A_31, %add3A_32 : i32
      %add3A_34 = arith.addi %mul3A_2, %add3A_33 : i32
      %dma_wait3A_35 = arith.constant 0 : i32
      %dma_wait3A_36 = tpu.memref_slice %arg2[%add3A_34, %dma_wait3A_35] : memref<1024x32768xf32, #tpu.memory_space<hbm>> -> memref<1x32768xf32, #tpu.memory_space<hbm>>
      %dma_wait3A_37 = tpu.memref_squeeze %dma_wait3A_36 : memref<1x32768xf32, #tpu.memory_space<hbm>> -> memref<32768xf32, #tpu.memory_space<hbm>>
      %dma_wait3A_38 = arith.constant 0 : i32
      %dma_wait3A_39 = tpu.memref_slice %arg2[%add3A_34, %dma_wait3A_38] : memref<1024x32768xf32, #tpu.memory_space<hbm>> -> memref<1x32768xf32, #tpu.memory_space<hbm>>
      %dma_wait3A_40 = tpu.memref_squeeze %dma_wait3A_39 : memref<1x32768xf32, #tpu.memory_space<hbm>> -> memref<32768xf32, #tpu.memory_space<hbm>>
      tpu.wait_dma2 semaphore(%arg8 : memref<!tpu.dma_semaphore, #tpu.memory_space<semaphore_mem>>) src(%dma_wait3A_40 : memref<32768xf32, #tpu.memory_space<hbm>>) dst(%arg4 : memref<32768xf32, #tpu.memory_space<vmem>>)
      %broadcast_in_dim3A = arith.constant 0xFF800000 : f32
      %broadcast_in_dim3A_41 = vector.broadcast %broadcast_in_dim3A : f32 to vector<16xf32>
      %scan3A_42 = arith.constant 0 : i32
      %scan3A_43 = arith.constant 128 : i32
      %scan3A_44 = arith.addi %scan3A_42, %scan3A_43 : i32
      %scan3A_45 = arith.constant 1 : i32
      %scan3A_46:12 = scf.for %scan3A_940 = %scan3A_42 to %scan3A_44 step %scan3A_45 iter_args(%scan3A_941 = %broadcast_in_dim3A_41, %scan3A_942 = %broadcast_in_dim3A_41, %scan3A_943 = %broadcast_in_dim3A_41, %scan3A_944 = %broadcast_in_dim3A_41, %scan3A_945 = %broadcast_in_dim3A_41, %scan3A_946 = %broadcast_in_dim3A_41, %scan3A_947 = %broadcast_in_dim3A_41, %scan3A_948 = %broadcast_in_dim3A_41, %scan3A_949 = %broadcast_in_dim3A_41, %scan3A_950 = %broadcast_in_dim3A_41, %scan3A_951 = %broadcast_in_dim3A_41, %scan3A_952 = %broadcast_in_dim3A_41) -> (vector<16xf32>, vector<16xf32>, vector<16xf32>, vector<16xf32>, vector<16xf32>, vector<16xf32>, vector<16xf32>, vector<16xf32>, vector<16xf32>, vector<16xf32>, vector<16xf32>, vector<16xf32>)  : i32 {
        %mul3A_953 = arith.constant 256 : i32
        %mul3A_954 = arith.muli %scan3A_940, %mul3A_953 : i32
        %add3A_955 = arith.constant 0 : i32
        %add3A_956 = arith.addi %mul3A_954, %add3A_955 : i32
        %get3A_957 = arith.index_cast %add3A_956 : i32 to index
        %get3A_958 = tpu.vector_load %arg4[%get3A_957] {strides = array<i32>} : memref<32768xf32, #tpu.memory_space<vmem>>, vector<16xf32>,
        %get3A_959 = vector.shape_cast %get3A_958 : vector<16xf32> to vector<16xf32>
        %max3A_960 = arith.maximumf %scan3A_941, %get3A_959 : vector<16xf32>
        %min3A = arith.minimumf %scan3A_941, %get3A_959 : vector<16xf32>
        %max3A_961 = arith.maximumf %scan3A_942, %min3A : vector<16xf32>
        %min3A_962 = arith.minimumf %scan3A_942, %min3A : vector<16xf32>
        %max3A_963 = arith.maximumf %scan3A_943, %min3A_962 : vector<16xf32>
        %add3A_964 = arith.constant 16 : i32
        %add3A_965 = arith.addi %mul3A_954, %add3A_964 : i32
        %get3A_966 = arith.index_cast %add3A_965 : i32 to index
        %get3A_967 = tpu.vector_load %arg4[%get3A_966] {strides = array<i32>} : memref<32768xf32, #tpu.memory_space<vmem>>, vector<16xf32>,
        %get3A_968 = vector.shape_cast %get3A_967 : vector<16xf32> to vector<16xf32>
        %max3A_969 = arith.maximumf %scan3A_944, %get3A_968 : vector<16xf32>
        %min3A_970 = arith.minimumf %scan3A_944, %get3A_968 : vector<16xf32>
        %max3A_971 = arith.maximumf %scan3A_945, %min3A_970 : vector<16xf32>
        %min3A_972 = arith.minimumf %scan3A_945, %min3A_970 : vector<16xf32>
        %max3A_973 = arith.maximumf %scan3A_946, %min3A_972 : vector<16xf32>
        %add3A_974 = arith.constant 32 : i32
        %add3A_975 = arith.addi %mul3A_954, %add3A_974 : i32
        %get3A_976 = arith.index_cast %add3A_975 : i32 to index
        %get3A_977 = tpu.vector_load %arg4[%get3A_976] {strides = array<i32>} : memref<32768xf32, #tpu.memory_space<vmem>>, vector<16xf32>,
        %get3A_978 = vector.shape_cast %get3A_977 : vector<16xf32> to vector<16xf32>
        %max3A_979 = arith.maximumf %scan3A_947, %get3A_978 : vector<16xf32>
        %min3A_980 = arith.minimumf %scan3A_947, %get3A_978 : vector<16xf32>
        %max3A_981 = arith.maximumf %scan3A_948, %min3A_980 : vector<16xf32>
        %min3A_982 = arith.minimumf %scan3A_948, %min3A_980 : vector<16xf32>
        %max3A_983 = arith.maximumf %scan3A_949, %min3A_982 : vector<16xf32>
        %add3A_984 = arith.constant 48 : i32
        %add3A_985 = arith.addi %mul3A_954, %add3A_984 : i32
        %get3A_986 = arith.index_cast %add3A_985 : i32 to index
        %get3A_987 = tpu.vector_load %arg4[%get3A_986] {strides = array<i32>} : memref<32768xf32, #tpu.memory_space<vmem>>, vector<16xf32>,
        %get3A_988 = vector.shape_cast %get3A_987 : vector<16xf32> to vector<16xf32>
        %max3A_989 = arith.maximumf %scan3A_950, %get3A_988 : vector<16xf32>
        %min3A_990 = arith.minimumf %scan3A_950, %get3A_988 : vector<16xf32>
        %max3A_991 = arith.maximumf %scan3A_951, %min3A_990 : vector<16xf32>
        %min3A_992 = arith.minimumf %scan3A_951, %min3A_990 : vector<16xf32>
        %max3A_993 = arith.maximumf %scan3A_952, %min3A_992 : vector<16xf32>
        %add3A_994 = arith.constant 64 : i32
        %add3A_995 = arith.addi %mul3A_954, %add3A_994 : i32
        %get3A_996 = arith.index_cast %add3A_995 : i32 to index
        %get3A_997 = tpu.vector_load %arg4[%get3A_996] {strides = array<i32>} : memref<32768xf32, #tpu.memory_space<vmem>>, vector<16xf32>,
        %get3A_998 = vector.shape_cast %get3A_997 : vector<16xf32> to vector<16xf32>
        %max3A_999 = arith.maximumf %max3A_960, %get3A_998 : vector<16xf32>
        %min3A_1000 = arith.minimumf %max3A_960, %get3A_998 : vector<16xf32>
        %max3A_1001 = arith.maximumf %max3A_961, %min3A_1000 : vector<16xf32>
        %min3A_1002 = arith.minimumf %max3A_961, %min3A_1000 : vector<16xf32>
        %max3A_1003 = arith.maximumf %max3A_963, %min3A_1002 : vector<16xf32>
        %add3A_1004 = arith.constant 80 : i32
        %add3A_1005 = arith.addi %mul3A_954, %add3A_1004 : i32
        %get3A_1006 = arith.index_cast %add3A_1005 : i32 to index
        %get3A_1007 = tpu.vector_load %arg4[%get3A_1006] {strides = array<i32>} : memref<32768xf32, #tpu.memory_space<vmem>>, vector<16xf32>,
        %get3A_1008 = vector.shape_cast %get3A_1007 : vector<16xf32> to vector<16xf32>
        %max3A_1009 = arith.maximumf %max3A_969, %get3A_1008 : vector<16xf32>
        %min3A_1010 = arith.minimumf %max3A_969, %get3A_1008 : vector<16xf32>
        %max3A_1011 = arith.maximumf %max3A_971, %min3A_1010 : vector<16xf32>
        %min3A_1012 = arith.minimumf %max3A_971, %min3A_1010 : vector<16xf32>
        %max3A_1013 = arith.maximumf %max3A_973, %min3A_1012 : vector<16xf32>
        %add3A_1014 = arith.constant 96 : i32
        %add3A_1015 = arith.addi %mul3A_954, %add3A_1014 : i32
        %get3A_1016 = arith.index_cast %add3A_1015 : i32 to index
        %get3A_1017 = tpu.vector_load %arg4[%get3A_1016] {strides = array<i32>} : memref<32768xf32, #tpu.memory_space<vmem>>, vector<16xf32>,
        %get3A_1018 = vector.shape_cast %get3A_1017 : vector<16xf32> to vector<16xf32>
        %max3A_1019 = arith.maximumf %max3A_979, %get3A_1018 : vector<16xf32>
        %min3A_1020 = arith.minimumf %max3A_979, %get3A_1018 : vector<16xf32>
        %max3A_1021 = arith.maximumf %max3A_981, %min3A_1020 : vector<16xf32>
        %min3A_1022 = arith.minimumf %max3A_981, %min3A_1020 : vector<16xf32>
        %max3A_1023 = arith.maximumf %max3A_983, %min3A_1022 : vector<16xf32>
        %add3A_1024 = arith.constant 112 : i32
        %add3A_1025 = arith.addi %mul3A_954, %add3A_1024 : i32
        %get3A_1026 = arith.index_cast %add3A_1025 : i32 to index
        %get3A_1027 = tpu.vector_load %arg4[%get3A_1026] {strides = array<i32>} : memref<32768xf32, #tpu.memory_space<vmem>>, vector<16xf32>,
        %get3A_1028 = vector.shape_cast %get3A_1027 : vector<16xf32> to vector<16xf32>
        %max3A_1029 = arith.maximumf %max3A_989, %get3A_1028 : vector<16xf32>
        %min3A_1030 = arith.minimumf %max3A_989, %get3A_1028 : vector<16xf32>
        %max3A_1031 = arith.maximumf %max3A_991, %min3A_1030 : vector<16xf32>
        %min3A_1032 = arith.minimumf %max3A_991, %min3A_1030 : vector<16xf32>
        %max3A_1033 = arith.maximumf %max3A_993, %min3A_1032 : vector<16xf32>
        %add3A_1034 = arith.constant 128 : i32
        %add3A_1035 = arith.addi %mul3A_954, %add3A_1034 : i32
        %get3A_1036 = arith.index_cast %add3A_1035 : i32 to index
        %get3A_1037 = tpu.vector_load %arg4[%get3A_1036] {strides = array<i32>} : memref<32768xf32, #tpu.memory_space<vmem>>, vector<16xf32>,
        %get3A_1038 = vector.shape_cast %get3A_1037 : vector<16xf32> to vector<16xf32>
        %max3A_1039 = arith.maximumf %max3A_999, %get3A_1038 : vector<16xf32>
        %min3A_1040 = arith.minimumf %max3A_999, %get3A_1038 : vector<16xf32>
        %max3A_1041 = arith.maximumf %max3A_1001, %min3A_1040 : vector<16xf32>
        %min3A_1042 = arith.minimumf %max3A_1001, %min3A_1040 : vector<16xf32>
        %max3A_1043 = arith.maximumf %max3A_1003, %min3A_1042 : vector<16xf32>
        %add3A_1044 = arith.constant 144 : i32
        %add3A_1045 = arith.addi %mul3A_954, %add3A_1044 : i32
        %get3A_1046 = arith.index_cast %add3A_1045 : i32 to index
        %get3A_1047 = tpu.vector_load %arg4[%get3A_1046] {strides = array<i32>} : memref<32768xf32, #tpu.memory_space<vmem>>, vector<16xf32>,
        %get3A_1048 = vector.shape_cast %get3A_1047 : vector<16xf32> to vector<16xf32>
        %max3A_1049 = arith.maximumf %max3A_1009, %get3A_1048 : vector<16xf32>
        %min3A_1050 = arith.minimumf %max3A_1009, %get3A_1048 : vector<16xf32>
        %max3A_1051 = arith.maximumf %max3A_1011, %min3A_1050 : vector<16xf32>
        %min3A_1052 = arith.minimumf %max3A_1011, %min3A_1050 : vector<16xf32>
        %max3A_1053 = arith.maximumf %max3A_1013, %min3A_1052 : vector<16xf32>
        %add3A_1054 = arith.constant 160 : i32
        %add3A_1055 = arith.addi %mul3A_954, %add3A_1054 : i32
        %get3A_1056 = arith.index_cast %add3A_1055 : i32 to index
        %get3A_1057 = tpu.vector_load %arg4[%get3A_1056] {strides = array<i32>} : memref<32768xf32, #tpu.memory_space<vmem>>, vector<16xf32>,
        %get3A_1058 = vector.shape_cast %get3A_1057 : vector<16xf32> to vector<16xf32>
        %max3A_1059 = arith.maximumf %max3A_1019, %get3A_1058 : vector<16xf32>
        %min3A_1060 = arith.minimumf %max3A_1019, %get3A_1058 : vector<16xf32>
        %max3A_1061 = arith.maximumf %max3A_1021, %min3A_1060 : vector<16xf32>
        %min3A_1062 = arith.minimumf %max3A_1021, %min3A_1060 : vector<16xf32>
        %max3A_1063 = arith.maximumf %max3A_1023, %min3A_1062 : vector<16xf32>
        %add3A_1064 = arith.constant 176 : i32
        %add3A_1065 = arith.addi %mul3A_954, %add3A_1064 : i32
        %get3A_1066 = arith.index_cast %add3A_1065 : i32 to index
        %get3A_1067 = tpu.vector_load %arg4[%get3A_1066] {strides = array<i32>} : memref<32768xf32, #tpu.memory_space<vmem>>, vector<16xf32>,
        %get3A_1068 = vector.shape_cast %get3A_1067 : vector<16xf32> to vector<16xf32>
        %max3A_1069 = arith.maximumf %max3A_1029, %get3A_1068 : vector<16xf32>
        %min3A_1070 = arith.minimumf %max3A_1029, %get3A_1068 : vector<16xf32>
        %max3A_1071 = arith.maximumf %max3A_1031, %min3A_1070 : vector<16xf32>
        %min3A_1072 = arith.minimumf %max3A_1031, %min3A_1070 : vector<16xf32>
        %max3A_1073 = arith.maximumf %max3A_1033, %min3A_1072 : vector<16xf32>
        %add3A_1074 = arith.constant 192 : i32
        %add3A_1075 = arith.addi %mul3A_954, %add3A_1074 : i32
        %get3A_1076 = arith.index_cast %add3A_1075 : i32 to index
        %get3A_1077 = tpu.vector_load %arg4[%get3A_1076] {strides = array<i32>} : memref<32768xf32, #tpu.memory_space<vmem>>, vector<16xf32>,
        %get3A_1078 = vector.shape_cast %get3A_1077 : vector<16xf32> to vector<16xf32>
        %max3A_1079 = arith.maximumf %max3A_1039, %get3A_1078 : vector<16xf32>
        %min3A_1080 = arith.minimumf %max3A_1039, %get3A_1078 : vector<16xf32>
        %max3A_1081 = arith.maximumf %max3A_1041, %min3A_1080 : vector<16xf32>
        %min3A_1082 = arith.minimumf %max3A_1041, %min3A_1080 : vector<16xf32>
        %max3A_1083 = arith.maximumf %max3A_1043, %min3A_1082 : vector<16xf32>
        %add3A_1084 = arith.constant 208 : i32
        %add3A_1085 = arith.addi %mul3A_954, %add3A_1084 : i32
        %get3A_1086 = arith.index_cast %add3A_1085 : i32 to index
        %get3A_1087 = tpu.vector_load %arg4[%get3A_1086] {strides = array<i32>} : memref<32768xf32, #tpu.memory_space<vmem>>, vector<16xf32>,
        %get3A_1088 = vector.shape_cast %get3A_1087 : vector<16xf32> to vector<16xf32>
        %max3A_1089 = arith.maximumf %max3A_1049, %get3A_1088 : vector<16xf32>
        %min3A_1090 = arith.minimumf %max3A_1049, %get3A_1088 : vector<16xf32>
        %max3A_1091 = arith.maximumf %max3A_1051, %min3A_1090 : vector<16xf32>
        %min3A_1092 = arith.minimumf %max3A_1051, %min3A_1090 : vector<16xf32>
        %max3A_1093 = arith.maximumf %max3A_1053, %min3A_1092 : vector<16xf32>
        %add3A_1094 = arith.constant 224 : i32
        %add3A_1095 = arith.addi %mul3A_954, %add3A_1094 : i32
        %get3A_1096 = arith.index_cast %add3A_1095 : i32 to index
        %get3A_1097 = tpu.vector_load %arg4[%get3A_1096] {strides = array<i32>} : memref<32768xf32, #tpu.memory_space<vmem>>, vector<16xf32>,
        %get3A_1098 = vector.shape_cast %get3A_1097 : vector<16xf32> to vector<16xf32>
        %max3A_1099 = arith.maximumf %max3A_1059, %get3A_1098 : vector<16xf32>
        %min3A_1100 = arith.minimumf %max3A_1059, %get3A_1098 : vector<16xf32>
        %max3A_1101 = arith.maximumf %max3A_1061, %min3A_1100 : vector<16xf32>
        %min3A_1102 = arith.minimumf %max3A_1061, %min3A_1100 : vector<16xf32>
        %max3A_1103 = arith.maximumf %max3A_1063, %min3A_1102 : vector<16xf32>
        %add3A_1104 = arith.constant 240 : i32
        %add3A_1105 = arith.addi %mul3A_954, %add3A_1104 : i32
        %get3A_1106 = arith.index_cast %add3A_1105 : i32 to index
        %get3A_1107 = tpu.vector_load %arg4[%get3A_1106] {strides = array<i32>} : memref<32768xf32, #tpu.memory_space<vmem>>, vector<16xf32>,
        %get3A_1108 = vector.shape_cast %get3A_1107 : vector<16xf32> to vector<16xf32>
        %max3A_1109 = arith.maximumf %max3A_1069, %get3A_1108 : vector<16xf32>
        %min3A_1110 = arith.minimumf %max3A_1069, %get3A_1108 : vector<16xf32>
        %max3A_1111 = arith.maximumf %max3A_1071, %min3A_1110 : vector<16xf32>
        %min3A_1112 = arith.minimumf %max3A_1071, %min3A_1110 : vector<16xf32>
        %max3A_1113 = arith.maximumf %max3A_1073, %min3A_1112 : vector<16xf32>
        scf.yield %max3A_1079, %max3A_1081, %max3A_1083, %max3A_1089, %max3A_1091, %max3A_1093, %max3A_1099, %max3A_1101, %max3A_1103, %max3A_1109, %max3A_1111, %max3A_1113 : vector<16xf32>, vector<16xf32>, vector<16xf32>, vector<16xf32>, vector<16xf32>, vector<16xf32>, vector<16xf32>, vector<16xf32>, vector<16xf32>, vector<16xf32>, vector<16xf32>, vector<16xf32>
      }
      %scan3A_47 = arith.constant 128 : i32
      %max3A = arith.maximumf %scan3A_46#0, %scan3A_46#1 : vector<16xf32>
      %max3A_48 = arith.maximumf %max3A, %scan3A_46#2 : vector<16xf32>
      %max3A_49 = arith.maximumf %max3A_48, %scan3A_46#3 : vector<16xf32>
      %max3A_50 = arith.maximumf %max3A_49, %scan3A_46#4 : vector<16xf32>
      %max3A_51 = arith.maximumf %max3A_50, %scan3A_46#5 : vector<16xf32>
      %max3A_52 = arith.maximumf %max3A_51, %scan3A_46#6 : vector<16xf32>
      %max3A_53 = arith.maximumf %max3A_52, %scan3A_46#7 : vector<16xf32>
      %max3A_54 = arith.maximumf %max3A_53, %scan3A_46#8 : vector<16xf32>
      %max3A_55 = arith.maximumf %max3A_54, %scan3A_46#9 : vector<16xf32>
      %max3A_56 = arith.maximumf %max3A_55, %scan3A_46#10 : vector<16xf32>
      %max3A_57 = arith.maximumf %max3A_56, %scan3A_46#11 : vector<16xf32>
      %iota3A = tpu.iota {dimensions = array<i32: 0>} : vector<16xi32>
      %xor3A = arith.constant 8 : i32
      %xor3A_58 = vector.broadcast %xor3A : i32 to vector<16xi32>
      %xor3A_59 = arith.xori %iota3A, %xor3A_58 : vector<16xi32>
      %broadcast_in_dim3A_60 = vector.shape_cast %xor3A_59 : vector<16xi32> to vector<16x1xi32>
      %gather3A = vector.shape_cast %broadcast_in_dim3A_60 : vector<16x1xi32> to vector<16xi32>
      %gather3A_61 = tpu.dynamic_gather %max3A_57[%gather3A] in [0] : vector<16xf32>, vector<16xi32> -> vector<16xf32>
      %max3A_62 = arith.maximumf %max3A_57, %gather3A_61 : vector<16xf32>
      %iota3A_63 = tpu.iota {dimensions = array<i32: 0>} : vector<16xi32>
      %xor3A_64 = arith.constant 4 : i32
      %xor3A_65 = vector.broadcast %xor3A_64 : i32 to vector<16xi32>
      %xor3A_66 = arith.xori %iota3A_63, %xor3A_65 : vector<16xi32>
      %broadcast_in_dim3A_67 = vector.shape_cast %xor3A_66 : vector<16xi32> to vector<16x1xi32>
      %gather3A_68 = vector.shape_cast %broadcast_in_dim3A_67 : vector<16x1xi32> to vector<16xi32>
      %gather3A_69 = tpu.dynamic_gather %max3A_62[%gather3A_68] in [0] : vector<16xf32>, vector<16xi32> -> vector<16xf32>
      %max3A_70 = arith.maximumf %max3A_62, %gather3A_69 : vector<16xf32>
      %iota3A_71 = tpu.iota {dimensions = array<i32: 0>} : vector<16xi32>
      %xor3A_72 = arith.constant 2 : i32
      %xor3A_73 = vector.broadcast %xor3A_72 : i32 to vector<16xi32>
      %xor3A_74 = arith.xori %iota3A_71, %xor3A_73 : vector<16xi32>
      %broadcast_in_dim3A_75 = vector.shape_cast %xor3A_74 : vector<16xi32> to vector<16x1xi32>
      %gather3A_76 = vector.shape_cast %broadcast_in_dim3A_75 : vector<16x1xi32> to vector<16xi32>
      %gather3A_77 = tpu.dynamic_gather %max3A_70[%gather3A_76] in [0] : vector<16xf32>, vector<16xi32> -> vector<16xf32>
      %max3A_78 = arith.maximumf %max3A_70, %gather3A_77 : vector<16xf32>
      %iota3A_79 = tpu.iota {dimensions = array<i32: 0>} : vector<16xi32>
      %xor3A_80 = arith.constant 1 : i32
      %xor3A_81 = vector.broadcast %xor3A_80 : i32 to vector<16xi32>
      %xor3A_82 = arith.xori %iota3A_79, %xor3A_81 : vector<16xi32>
      %broadcast_in_dim3A_83 = vector.shape_cast %xor3A_82 : vector<16xi32> to vector<16x1xi32>
      %gather3A_84 = vector.shape_cast %broadcast_in_dim3A_83 : vector<16x1xi32> to vector<16xi32>
      %gather3A_85 = tpu.dynamic_gather %max3A_78[%gather3A_84] in [0] : vector<16xf32>, vector<16xi32> -> vector<16xf32>
      %max3A_86 = arith.maximumf %max3A_78, %gather3A_85 : vector<16xf32>
      %broadcast_in_dim3A_87 = arith.constant 1.000000e+00 : f32
      %broadcast_in_dim3A_88 = vector.broadcast %broadcast_in_dim3A_87 : f32 to vector<16xf32>
      %broadcast_in_dim3A_89 = arith.constant 0.000000e+00 : f32
      %broadcast_in_dim3A_90 = vector.broadcast %broadcast_in_dim3A_89 : f32 to vector<16xf32>
      %eq3A = arith.cmpf oeq, %scan3A_46#0, %max3A_86 : vector<16xf32>
      %select_n3A = arith.select %eq3A, %broadcast_in_dim3A_88, %broadcast_in_dim3A_90 : vector<16xi1>, vector<16xf32>
      %eq3A_91 = arith.cmpf oeq, %scan3A_46#1, %max3A_86 : vector<16xf32>
      %select_n3A_92 = arith.select %eq3A_91, %broadcast_in_dim3A_88, %broadcast_in_dim3A_90 : vector<16xi1>, vector<16xf32>
      %add3A_93 = arith.addf %select_n3A, %select_n3A_92 : vector<16xf32>
      %eq3A_94 = arith.cmpf oeq, %scan3A_46#2, %max3A_86 : vector<16xf32>
      %select_n3A_95 = arith.select %eq3A_94, %broadcast_in_dim3A_88, %broadcast_in_dim3A_90 : vector<16xi1>, vector<16xf32>
      %add3A_96 = arith.addf %add3A_93, %select_n3A_95 : vector<16xf32>
      %eq3A_97 = arith.cmpf oeq, %scan3A_46#3, %max3A_86 : vector<16xf32>
      %select_n3A_98 = arith.select %eq3A_97, %broadcast_in_dim3A_88, %broadcast_in_dim3A_90 : vector<16xi1>, vector<16xf32>
      %add3A_99 = arith.addf %add3A_96, %select_n3A_98 : vector<16xf32>
      %eq3A_100 = arith.cmpf oeq, %scan3A_46#4, %max3A_86 : vector<16xf32>
      %select_n3A_101 = arith.select %eq3A_100, %broadcast_in_dim3A_88, %broadcast_in_dim3A_90 : vector<16xi1>, vector<16xf32>
      %add3A_102 = arith.addf %add3A_99, %select_n3A_101 : vector<16xf32>
      %eq3A_103 = arith.cmpf oeq, %scan3A_46#5, %max3A_86 : vector<16xf32>
      %select_n3A_104 = arith.select %eq3A_103, %broadcast_in_dim3A_88, %broadcast_in_dim3A_90 : vector<16xi1>, vector<16xf32>
      %add3A_105 = arith.addf %add3A_102, %select_n3A_104 : vector<16xf32>
      %eq3A_106 = arith.cmpf oeq, %scan3A_46#6, %max3A_86 : vector<16xf32>
      %select_n3A_107 = arith.select %eq3A_106, %broadcast_in_dim3A_88, %broadcast_in_dim3A_90 : vector<16xi1>, vector<16xf32>
      %add3A_108 = arith.addf %add3A_105, %select_n3A_107 : vector<16xf32>
      %eq3A_109 = arith.cmpf oeq, %scan3A_46#7, %max3A_86 : vector<16xf32>
      %select_n3A_110 = arith.select %eq3A_109, %broadcast_in_dim3A_88, %broadcast_in_dim3A_90 : vector<16xi1>, vector<16xf32>
      %add3A_111 = arith.addf %add3A_108, %select_n3A_110 : vector<16xf32>
      %eq3A_112 = arith.cmpf oeq, %scan3A_46#8, %max3A_86 : vector<16xf32>
      %select_n3A_113 = arith.select %eq3A_112, %broadcast_in_dim3A_88, %broadcast_in_dim3A_90 : vector<16xi1>, vector<16xf32>
      %add3A_114 = arith.addf %add3A_111, %select_n3A_113 : vector<16xf32>
      %eq3A_115 = arith.cmpf oeq, %scan3A_46#9, %max3A_86 : vector<16xf32>
      %select_n3A_116 = arith.select %eq3A_115, %broadcast_in_dim3A_88, %broadcast_in_dim3A_90 : vector<16xi1>, vector<16xf32>
      %add3A_117 = arith.addf %add3A_114, %select_n3A_116 : vector<16xf32>
      %eq3A_118 = arith.cmpf oeq, %scan3A_46#10, %max3A_86 : vector<16xf32>
      %select_n3A_119 = arith.select %eq3A_118, %broadcast_in_dim3A_88, %broadcast_in_dim3A_90 : vector<16xi1>, vector<16xf32>
      %add3A_120 = arith.addf %add3A_117, %select_n3A_119 : vector<16xf32>
      %eq3A_121 = arith.cmpf oeq, %scan3A_46#11, %max3A_86 : vector<16xf32>
      %select_n3A_122 = arith.select %eq3A_121, %broadcast_in_dim3A_88, %broadcast_in_dim3A_90 : vector<16xi1>, vector<16xf32>
      %add3A_123 = arith.addf %add3A_120, %select_n3A_122 : vector<16xf32>
      %iota3A_124 = tpu.iota {dimensions = array<i32: 0>} : vector<16xi32>
      %xor3A_125 = arith.constant 8 : i32
      %xor3A_126 = vector.broadcast %xor3A_125 : i32 to vector<16xi32>
      %xor3A_127 = arith.xori %iota3A_124, %xor3A_126 : vector<16xi32>
      %broadcast_in_dim3A_128 = vector.shape_cast %xor3A_127 : vector<16xi32> to vector<16x1xi32>
      %gather3A_129 = vector.shape_cast %broadcast_in_dim3A_128 : vector<16x1xi32> to vector<16xi32>
      %gather3A_130 = tpu.dynamic_gather %add3A_123[%gather3A_129] in [0] : vector<16xf32>, vector<16xi32> -> vector<16xf32>
      %add3A_131 = arith.addf %add3A_123, %gather3A_130 : vector<16xf32>
      %iota3A_132 = tpu.iota {dimensions = array<i32: 0>} : vector<16xi32>
      %xor3A_133 = arith.constant 4 : i32
      %xor3A_134 = vector.broadcast %xor3A_133 : i32 to vector<16xi32>
      %xor3A_135 = arith.xori %iota3A_132, %xor3A_134 : vector<16xi32>
      %broadcast_in_dim3A_136 = vector.shape_cast %xor3A_135 : vector<16xi32> to vector<16x1xi32>
      %gather3A_137 = vector.shape_cast %broadcast_in_dim3A_136 : vector<16x1xi32> to vector<16xi32>
      %gather3A_138 = tpu.dynamic_gather %add3A_131[%gather3A_137] in [0] : vector<16xf32>, vector<16xi32> -> vector<16xf32>
      %add3A_139 = arith.addf %add3A_131, %gather3A_138 : vector<16xf32>
      %iota3A_140 = tpu.iota {dimensions = array<i32: 0>} : vector<16xi32>
      %xor3A_141 = arith.constant 2 : i32
      %xor3A_142 = vector.broadcast %xor3A_141 : i32 to vector<16xi32>
      %xor3A_143 = arith.xori %iota3A_140, %xor3A_142 : vector<16xi32>
      %broadcast_in_dim3A_144 = vector.shape_cast %xor3A_143 : vector<16xi32> to vector<16x1xi32>
      %gather3A_145 = vector.shape_cast %broadcast_in_dim3A_144 : vector<16x1xi32> to vector<16xi32>
      %gather3A_146 = tpu.dynamic_gather %add3A_139[%gather3A_145] in [0] : vector<16xf32>, vector<16xi32> -> vector<16xf32>
      %add3A_147 = arith.addf %add3A_139, %gather3A_146 : vector<16xf32>
      %iota3A_148 = tpu.iota {dimensions = array<i32: 0>} : vector<16xi32>
      %xor3A_149 = arith.constant 1 : i32
      %xor3A_150 = vector.broadcast %xor3A_149 : i32 to vector<16xi32>
      %xor3A_151 = arith.xori %iota3A_148, %xor3A_150 : vector<16xi32>
      %broadcast_in_dim3A_152 = vector.shape_cast %xor3A_151 : vector<16xi32> to vector<16x1xi32>
      %gather3A_153 = vector.shape_cast %broadcast_in_dim3A_152 : vector<16x1xi32> to vector<16xi32>
      %gather3A_154 = tpu.dynamic_gather %add3A_147[%gather3A_153] in [0] : vector<16xf32>, vector<16xi32> -> vector<16xf32>
      %add3A_155 = arith.addf %add3A_147, %gather3A_154 : vector<16xf32>
      %lt3A = arith.cmpf olt, %scan3A_46#0, %max3A_86 : vector<16xf32>
      %select_n3A_156 = arith.select %lt3A, %scan3A_46#0, %broadcast_in_dim3A_41 : vector<16xi1>, vector<16xf32>
      %lt3A_157 = arith.cmpf olt, %scan3A_46#1, %max3A_86 : vector<16xf32>
      %select_n3A_158 = arith.select %lt3A_157, %scan3A_46#1, %broadcast_in_dim3A_41 : vector<16xi1>, vector<16xf32>
      %lt3A_159 = arith.cmpf olt, %scan3A_46#2, %max3A_86 : vector<16xf32>
      %select_n3A_160 = arith.select %lt3A_159, %scan3A_46#2, %broadcast_in_dim3A_41 : vector<16xi1>, vector<16xf32>
      %lt3A_161 = arith.cmpf olt, %scan3A_46#3, %max3A_86 : vector<16xf32>
      %select_n3A_162 = arith.select %lt3A_161, %scan3A_46#3, %broadcast_in_dim3A_41 : vector<16xi1>, vector<16xf32>
      %lt3A_163 = arith.cmpf olt, %scan3A_46#4, %max3A_86 : vector<16xf32>
      %select_n3A_164 = arith.select %lt3A_163, %scan3A_46#4, %broadcast_in_dim3A_41 : vector<16xi1>, vector<16xf32>
      %lt3A_165 = arith.cmpf olt, %scan3A_46#5, %max3A_86 : vector<16xf32>
      %select_n3A_166 = arith.select %lt3A_165, %scan3A_46#5, %broadcast_in_dim3A_41 : vector<16xi1>, vector<16xf32>
      %lt3A_167 = arith.cmpf olt, %scan3A_46#6, %max3A_86 : vector<16xf32>
      %select_n3A_168 = arith.select %lt3A_167, %scan3A_46#6, %broadcast_in_dim3A_41 : vector<16xi1>, vector<16xf32>
      %lt3A_169 = arith.cmpf olt, %scan3A_46#7, %max3A_86 : vector<16xf32>
      %select_n3A_170 = arith.select %lt3A_169, %scan3A_46#7, %broadcast_in_dim3A_41 : vector<16xi1>, vector<16xf32>
      %lt3A_171 = arith.cmpf olt, %scan3A_46#8, %max3A_86 : vector<16xf32>
      %select_n3A_172 = arith.select %lt3A_171, %scan3A_46#8, %broadcast_in_dim3A_41 : vector<16xi1>, vector<16xf32>
      %lt3A_173 = arith.cmpf olt, %scan3A_46#9, %max3A_86 : vector<16xf32>
      %select_n3A_174 = arith.select %lt3A_173, %scan3A_46#9, %broadcast_in_dim3A_41 : vector<16xi1>, vector<16xf32>
      %lt3A_175 = arith.cmpf olt, %scan3A_46#10, %max3A_86 : vector<16xf32>
      %select_n3A_176 = arith.select %lt3A_175, %scan3A_46#10, %broadcast_in_dim3A_41 : vector<16xi1>, vector<16xf32>
      %lt3A_177 = arith.cmpf olt, %scan3A_46#11, %max3A_86 : vector<16xf32>
      %select_n3A_178 = arith.select %lt3A_177, %scan3A_46#11, %broadcast_in_dim3A_41 : vector<16xi1>, vector<16xf32>
      %max3A_179 = arith.maximumf %select_n3A_156, %select_n3A_158 : vector<16xf32>
      %max3A_180 = arith.maximumf %max3A_179, %select_n3A_160 : vector<16xf32>
      %max3A_181 = arith.maximumf %max3A_180, %select_n3A_162 : vector<16xf32>
      %max3A_182 = arith.maximumf %max3A_181, %select_n3A_164 : vector<16xf32>
      %max3A_183 = arith.maximumf %max3A_182, %select_n3A_166 : vector<16xf32>
      %max3A_184 = arith.maximumf %max3A_183, %select_n3A_168 : vector<16xf32>
      %max3A_185 = arith.maximumf %max3A_184, %select_n3A_170 : vector<16xf32>
      %max3A_186 = arith.maximumf %max3A_185, %select_n3A_172 : vector<16xf32>
      %max3A_187 = arith.maximumf %max3A_186, %select_n3A_174 : vector<16xf32>
      %max3A_188 = arith.maximumf %max3A_187, %select_n3A_176 : vector<16xf32>
      %max3A_189 = arith.maximumf %max3A_188, %select_n3A_178 : vector<16xf32>
      %iota3A_190 = tpu.iota {dimensions = array<i32: 0>} : vector<16xi32>
      %xor3A_191 = arith.constant 8 : i32
      %xor3A_192 = vector.broadcast %xor3A_191 : i32 to vector<16xi32>
      %xor3A_193 = arith.xori %iota3A_190, %xor3A_192 : vector<16xi32>
      %broadcast_in_dim3A_194 = vector.shape_cast %xor3A_193 : vector<16xi32> to vector<16x1xi32>
      %gather3A_195 = vector.shape_cast %broadcast_in_dim3A_194 : vector<16x1xi32> to vector<16xi32>
      %gather3A_196 = tpu.dynamic_gather %max3A_189[%gather3A_195] in [0] : vector<16xf32>, vector<16xi32> -> vector<16xf32>
      %max3A_197 = arith.maximumf %max3A_189, %gather3A_196 : vector<16xf32>
      %iota3A_198 = tpu.iota {dimensions = array<i32: 0>} : vector<16xi32>
      %xor3A_199 = arith.constant 4 : i32
      %xor3A_200 = vector.broadcast %xor3A_199 : i32 to vector<16xi32>
      %xor3A_201 = arith.xori %iota3A_198, %xor3A_200 : vector<16xi32>
      %broadcast_in_dim3A_202 = vector.shape_cast %xor3A_201 : vector<16xi32> to vector<16x1xi32>
      %gather3A_203 = vector.shape_cast %broadcast_in_dim3A_202 : vector<16x1xi32> to vector<16xi32>
      %gather3A_204 = tpu.dynamic_gather %max3A_197[%gather3A_203] in [0] : vector<16xf32>, vector<16xi32> -> vector<16xf32>
      %max3A_205 = arith.maximumf %max3A_197, %gather3A_204 : vector<16xf32>
      %iota3A_206 = tpu.iota {dimensions = array<i32: 0>} : vector<16xi32>
      %xor3A_207 = arith.constant 2 : i32
      %xor3A_208 = vector.broadcast %xor3A_207 : i32 to vector<16xi32>
      %xor3A_209 = arith.xori %iota3A_206, %xor3A_208 : vector<16xi32>
      %broadcast_in_dim3A_210 = vector.shape_cast %xor3A_209 : vector<16xi32> to vector<16x1xi32>
      %gather3A_211 = vector.shape_cast %broadcast_in_dim3A_210 : vector<16x1xi32> to vector<16xi32>
      %gather3A_212 = tpu.dynamic_gather %max3A_205[%gather3A_211] in [0] : vector<16xf32>, vector<16xi32> -> vector<16xf32>
      %max3A_213 = arith.maximumf %max3A_205, %gather3A_212 : vector<16xf32>
      %iota3A_214 = tpu.iota {dimensions = array<i32: 0>} : vector<16xi32>
      %xor3A_215 = arith.constant 1 : i32
      %xor3A_216 = vector.broadcast %xor3A_215 : i32 to vector<16xi32>
      %xor3A_217 = arith.xori %iota3A_214, %xor3A_216 : vector<16xi32>
      %broadcast_in_dim3A_218 = vector.shape_cast %xor3A_217 : vector<16xi32> to vector<16x1xi32>
      %gather3A_219 = vector.shape_cast %broadcast_in_dim3A_218 : vector<16x1xi32> to vector<16xi32>
      %gather3A_220 = tpu.dynamic_gather %max3A_213[%gather3A_219] in [0] : vector<16xf32>, vector<16xi32> -> vector<16xf32>
      %max3A_221 = arith.maximumf %max3A_213, %gather3A_220 : vector<16xf32>
      %broadcast_in_dim3A_222 = arith.constant 1.000000e+00 : f32
      %broadcast_in_dim3A_223 = vector.broadcast %broadcast_in_dim3A_222 : f32 to vector<16xf32>
      %broadcast_in_dim3A_224 = arith.constant 0.000000e+00 : f32
      %broadcast_in_dim3A_225 = vector.broadcast %broadcast_in_dim3A_224 : f32 to vector<16xf32>
      %eq3A_226 = arith.cmpf oeq, %scan3A_46#0, %max3A_221 : vector<16xf32>
      %select_n3A_227 = arith.select %eq3A_226, %broadcast_in_dim3A_223, %broadcast_in_dim3A_225 : vector<16xi1>, vector<16xf32>
      %eq3A_228 = arith.cmpf oeq, %scan3A_46#1, %max3A_221 : vector<16xf32>
      %select_n3A_229 = arith.select %eq3A_228, %broadcast_in_dim3A_223, %broadcast_in_dim3A_225 : vector<16xi1>, vector<16xf32>
      %add3A_230 = arith.addf %select_n3A_227, %select_n3A_229 : vector<16xf32>
      %eq3A_231 = arith.cmpf oeq, %scan3A_46#2, %max3A_221 : vector<16xf32>
      %select_n3A_232 = arith.select %eq3A_231, %broadcast_in_dim3A_223, %broadcast_in_dim3A_225 : vector<16xi1>, vector<16xf32>
      %add3A_233 = arith.addf %add3A_230, %select_n3A_232 : vector<16xf32>
      %eq3A_234 = arith.cmpf oeq, %scan3A_46#3, %max3A_221 : vector<16xf32>
      %select_n3A_235 = arith.select %eq3A_234, %broadcast_in_dim3A_223, %broadcast_in_dim3A_225 : vector<16xi1>, vector<16xf32>
      %add3A_236 = arith.addf %add3A_233, %select_n3A_235 : vector<16xf32>
      %eq3A_237 = arith.cmpf oeq, %scan3A_46#4, %max3A_221 : vector<16xf32>
      %select_n3A_238 = arith.select %eq3A_237, %broadcast_in_dim3A_223, %broadcast_in_dim3A_225 : vector<16xi1>, vector<16xf32>
      %add3A_239 = arith.addf %add3A_236, %select_n3A_238 : vector<16xf32>
      %eq3A_240 = arith.cmpf oeq, %scan3A_46#5, %max3A_221 : vector<16xf32>
      %select_n3A_241 = arith.select %eq3A_240, %broadcast_in_dim3A_223, %broadcast_in_dim3A_225 : vector<16xi1>, vector<16xf32>
      %add3A_242 = arith.addf %add3A_239, %select_n3A_241 : vector<16xf32>
      %eq3A_243 = arith.cmpf oeq, %scan3A_46#6, %max3A_221 : vector<16xf32>
      %select_n3A_244 = arith.select %eq3A_243, %broadcast_in_dim3A_223, %broadcast_in_dim3A_225 : vector<16xi1>, vector<16xf32>
      %add3A_245 = arith.addf %add3A_242, %select_n3A_244 : vector<16xf32>
      %eq3A_246 = arith.cmpf oeq, %scan3A_46#7, %max3A_221 : vector<16xf32>
      %select_n3A_247 = arith.select %eq3A_246, %broadcast_in_dim3A_223, %broadcast_in_dim3A_225 : vector<16xi1>, vector<16xf32>
      %add3A_248 = arith.addf %add3A_245, %select_n3A_247 : vector<16xf32>
      %eq3A_249 = arith.cmpf oeq, %scan3A_46#8, %max3A_221 : vector<16xf32>
      %select_n3A_250 = arith.select %eq3A_249, %broadcast_in_dim3A_223, %broadcast_in_dim3A_225 : vector<16xi1>, vector<16xf32>
      %add3A_251 = arith.addf %add3A_248, %select_n3A_250 : vector<16xf32>
      %eq3A_252 = arith.cmpf oeq, %scan3A_46#9, %max3A_221 : vector<16xf32>
      %select_n3A_253 = arith.select %eq3A_252, %broadcast_in_dim3A_223, %broadcast_in_dim3A_225 : vector<16xi1>, vector<16xf32>
      %add3A_254 = arith.addf %add3A_251, %select_n3A_253 : vector<16xf32>
      %eq3A_255 = arith.cmpf oeq, %scan3A_46#10, %max3A_221 : vector<16xf32>
      %select_n3A_256 = arith.select %eq3A_255, %broadcast_in_dim3A_223, %broadcast_in_dim3A_225 : vector<16xi1>, vector<16xf32>
      %add3A_257 = arith.addf %add3A_254, %select_n3A_256 : vector<16xf32>
      %eq3A_258 = arith.cmpf oeq, %scan3A_46#11, %max3A_221 : vector<16xf32>
      %select_n3A_259 = arith.select %eq3A_258, %broadcast_in_dim3A_223, %broadcast_in_dim3A_225 : vector<16xi1>, vector<16xf32>
      %add3A_260 = arith.addf %add3A_257, %select_n3A_259 : vector<16xf32>
      %iota3A_261 = tpu.iota {dimensions = array<i32: 0>} : vector<16xi32>
      %xor3A_262 = arith.constant 8 : i32
      %xor3A_263 = vector.broadcast %xor3A_262 : i32 to vector<16xi32>
      %xor3A_264 = arith.xori %iota3A_261, %xor3A_263 : vector<16xi32>
      %broadcast_in_dim3A_265 = vector.shape_cast %xor3A_264 : vector<16xi32> to vector<16x1xi32>
      %gather3A_266 = vector.shape_cast %broadcast_in_dim3A_265 : vector<16x1xi32> to vector<16xi32>
      %gather3A_267 = tpu.dynamic_gather %add3A_260[%gather3A_266] in [0] : vector<16xf32>, vector<16xi32> -> vector<16xf32>
      %add3A_268 = arith.addf %add3A_260, %gather3A_267 : vector<16xf32>
      %iota3A_269 = tpu.iota {dimensions = array<i32: 0>} : vector<16xi32>
      %xor3A_270 = arith.constant 4 : i32
      %xor3A_271 = vector.broadcast %xor3A_270 : i32 to vector<16xi32>
      %xor3A_272 = arith.xori %iota3A_269, %xor3A_271 : vector<16xi32>
      %broadcast_in_dim3A_273 = vector.shape_cast %xor3A_272 : vector<16xi32> to vector<16x1xi32>
      %gather3A_274 = vector.shape_cast %broadcast_in_dim3A_273 : vector<16x1xi32> to vector<16xi32>
      %gather3A_275 = tpu.dynamic_gather %add3A_268[%gather3A_274] in [0] : vector<16xf32>, vector<16xi32> -> vector<16xf32>
      %add3A_276 = arith.addf %add3A_268, %gather3A_275 : vector<16xf32>
      %iota3A_277 = tpu.iota {dimensions = array<i32: 0>} : vector<16xi32>
      %xor3A_278 = arith.constant 2 : i32
      %xor3A_279 = vector.broadcast %xor3A_278 : i32 to vector<16xi32>
      %xor3A_280 = arith.xori %iota3A_277, %xor3A_279 : vector<16xi32>
      %broadcast_in_dim3A_281 = vector.shape_cast %xor3A_280 : vector<16xi32> to vector<16x1xi32>
      %gather3A_282 = vector.shape_cast %broadcast_in_dim3A_281 : vector<16x1xi32> to vector<16xi32>
      %gather3A_283 = tpu.dynamic_gather %add3A_276[%gather3A_282] in [0] : vector<16xf32>, vector<16xi32> -> vector<16xf32>
      %add3A_284 = arith.addf %add3A_276, %gather3A_283 : vector<16xf32>
      %iota3A_285 = tpu.iota {dimensions = array<i32: 0>} : vector<16xi32>
      %xor3A_286 = arith.constant 1 : i32
      %xor3A_287 = vector.broadcast %xor3A_286 : i32 to vector<16xi32>
      %xor3A_288 = arith.xori %iota3A_285, %xor3A_287 : vector<16xi32>
      %broadcast_in_dim3A_289 = vector.shape_cast %xor3A_288 : vector<16xi32> to vector<16x1xi32>
      %gather3A_290 = vector.shape_cast %broadcast_in_dim3A_289 : vector<16x1xi32> to vector<16xi32>
      %gather3A_291 = tpu.dynamic_gather %add3A_284[%gather3A_290] in [0] : vector<16xf32>, vector<16xi32> -> vector<16xf32>
      %add3A_292 = arith.addf %add3A_284, %gather3A_291 : vector<16xf32>
      %lt3A_293 = arith.cmpf olt, %select_n3A_156, %max3A_221 : vector<16xf32>
      %select_n3A_294 = arith.select %lt3A_293, %select_n3A_156, %broadcast_in_dim3A_41 : vector<16xi1>, vector<16xf32>
      %lt3A_295 = arith.cmpf olt, %select_n3A_158, %max3A_221 : vector<16xf32>
      %select_n3A_296 = arith.select %lt3A_295, %select_n3A_158, %broadcast_in_dim3A_41 : vector<16xi1>, vector<16xf32>
      %lt3A_297 = arith.cmpf olt, %select_n3A_160, %max3A_221 : vector<16xf32>
      %select_n3A_298 = arith.select %lt3A_297, %select_n3A_160, %broadcast_in_dim3A_41 : vector<16xi1>, vector<16xf32>
      %lt3A_299 = arith.cmpf olt, %select_n3A_162, %max3A_221 : vector<16xf32>
      %select_n3A_300 = arith.select %lt3A_299, %select_n3A_162, %broadcast_in_dim3A_41 : vector<16xi1>, vector<16xf32>
      %lt3A_301 = arith.cmpf olt, %select_n3A_164, %max3A_221 : vector<16xf32>
      %select_n3A_302 = arith.select %lt3A_301, %select_n3A_164, %broadcast_in_dim3A_41 : vector<16xi1>, vector<16xf32>
      %lt3A_303 = arith.cmpf olt, %select_n3A_166, %max3A_221 : vector<16xf32>
      %select_n3A_304 = arith.select %lt3A_303, %select_n3A_166, %broadcast_in_dim3A_41 : vector<16xi1>, vector<16xf32>
      %lt3A_305 = arith.cmpf olt, %select_n3A_168, %max3A_221 : vector<16xf32>
      %select_n3A_306 = arith.select %lt3A_305, %select_n3A_168, %broadcast_in_dim3A_41 : vector<16xi1>, vector<16xf32>
      %lt3A_307 = arith.cmpf olt, %select_n3A_170, %max3A_221 : vector<16xf32>
      %select_n3A_308 = arith.select %lt3A_307, %select_n3A_170, %broadcast_in_dim3A_41 : vector<16xi1>, vector<16xf32>
      %lt3A_309 = arith.cmpf olt, %select_n3A_172, %max3A_221 : vector<16xf32>
      %select_n3A_310 = arith.select %lt3A_309, %select_n3A_172, %broadcast_in_dim3A_41 : vector<16xi1>, vector<16xf32>
      %lt3A_311 = arith.cmpf olt, %select_n3A_174, %max3A_221 : vector<16xf32>
      %select_n3A_312 = arith.select %lt3A_311, %select_n3A_174, %broadcast_in_dim3A_41 : vector<16xi1>, vector<16xf32>
      %lt3A_313 = arith.cmpf olt, %select_n3A_176, %max3A_221 : vector<16xf32>
      %select_n3A_314 = arith.select %lt3A_313, %select_n3A_176, %broadcast_in_dim3A_41 : vector<16xi1>, vector<16xf32>
      %lt3A_315 = arith.cmpf olt, %select_n3A_178, %max3A_221 : vector<16xf32>
      %select_n3A_316 = arith.select %lt3A_315, %select_n3A_178, %broadcast_in_dim3A_41 : vector<16xi1>, vector<16xf32>
      %max3A_317 = arith.maximumf %select_n3A_294, %select_n3A_296 : vector<16xf32>
      %max3A_318 = arith.maximumf %max3A_317, %select_n3A_298 : vector<16xf32>
      %max3A_319 = arith.maximumf %max3A_318, %select_n3A_300 : vector<16xf32>
      %max3A_320 = arith.maximumf %max3A_319, %select_n3A_302 : vector<16xf32>
      %max3A_321 = arith.maximumf %max3A_320, %select_n3A_304 : vector<16xf32>
      %max3A_322 = arith.maximumf %max3A_321, %select_n3A_306 : vector<16xf32>
      %max3A_323 = arith.maximumf %max3A_322, %select_n3A_308 : vector<16xf32>
      %max3A_324 = arith.maximumf %max3A_323, %select_n3A_310 : vector<16xf32>
      %max3A_325 = arith.maximumf %max3A_324, %select_n3A_312 : vector<16xf32>
      %max3A_326 = arith.maximumf %max3A_325, %select_n3A_314 : vector<16xf32>
      %max3A_327 = arith.maximumf %max3A_326, %select_n3A_316 : vector<16xf32>
      %iota3A_328 = tpu.iota {dimensions = array<i32: 0>} : vector<16xi32>
      %xor3A_329 = arith.constant 8 : i32
      %xor3A_330 = vector.broadcast %xor3A_329 : i32 to vector<16xi32>
      %xor3A_331 = arith.xori %iota3A_328, %xor3A_330 : vector<16xi32>
      %broadcast_in_dim3A_332 = vector.shape_cast %xor3A_331 : vector<16xi32> to vector<16x1xi32>
      %gather3A_333 = vector.shape_cast %broadcast_in_dim3A_332 : vector<16x1xi32> to vector<16xi32>
      %gather3A_334 = tpu.dynamic_gather %max3A_327[%gather3A_333] in [0] : vector<16xf32>, vector<16xi32> -> vector<16xf32>
      %max3A_335 = arith.maximumf %max3A_327, %gather3A_334 : vector<16xf32>
      %iota3A_336 = tpu.iota {dimensions = array<i32: 0>} : vector<16xi32>
      %xor3A_337 = arith.constant 4 : i32
      %xor3A_338 = vector.broadcast %xor3A_337 : i32 to vector<16xi32>
      %xor3A_339 = arith.xori %iota3A_336, %xor3A_338 : vector<16xi32>
      %broadcast_in_dim3A_340 = vector.shape_cast %xor3A_339 : vector<16xi32> to vector<16x1xi32>
      %gather3A_341 = vector.shape_cast %broadcast_in_dim3A_340 : vector<16x1xi32> to vector<16xi32>
      %gather3A_342 = tpu.dynamic_gather %max3A_335[%gather3A_341] in [0] : vector<16xf32>, vector<16xi32> -> vector<16xf32>
      %max3A_343 = arith.maximumf %max3A_335, %gather3A_342 : vector<16xf32>
      %iota3A_344 = tpu.iota {dimensions = array<i32: 0>} : vector<16xi32>
      %xor3A_345 = arith.constant 2 : i32
      %xor3A_346 = vector.broadcast %xor3A_345 : i32 to vector<16xi32>
      %xor3A_347 = arith.xori %iota3A_344, %xor3A_346 : vector<16xi32>
      %broadcast_in_dim3A_348 = vector.shape_cast %xor3A_347 : vector<16xi32> to vector<16x1xi32>
      %gather3A_349 = vector.shape_cast %broadcast_in_dim3A_348 : vector<16x1xi32> to vector<16xi32>
      %gather3A_350 = tpu.dynamic_gather %max3A_343[%gather3A_349] in [0] : vector<16xf32>, vector<16xi32> -> vector<16xf32>
      %max3A_351 = arith.maximumf %max3A_343, %gather3A_350 : vector<16xf32>
      %iota3A_352 = tpu.iota {dimensions = array<i32: 0>} : vector<16xi32>
      %xor3A_353 = arith.constant 1 : i32
      %xor3A_354 = vector.broadcast %xor3A_353 : i32 to vector<16xi32>
      %xor3A_355 = arith.xori %iota3A_352, %xor3A_354 : vector<16xi32>
      %broadcast_in_dim3A_356 = vector.shape_cast %xor3A_355 : vector<16xi32> to vector<16x1xi32>
      %gather3A_357 = vector.shape_cast %broadcast_in_dim3A_356 : vector<16x1xi32> to vector<16xi32>
      %gather3A_358 = tpu.dynamic_gather %max3A_351[%gather3A_357] in [0] : vector<16xf32>, vector<16xi32> -> vector<16xf32>
      %max3A_359 = arith.maximumf %max3A_351, %gather3A_358 : vector<16xf32>
      %broadcast_in_dim3A_360 = arith.constant 3.000000e+00 : f32
      %broadcast_in_dim3A_361 = vector.broadcast %broadcast_in_dim3A_360 : f32 to vector<16xf32>
      %ge3A = arith.cmpf oge, %add3A_155, %broadcast_in_dim3A_361 : vector<16xf32>
      %add3A_362 = arith.addf %add3A_155, %add3A_292 : vector<16xf32>
      %ge3A_363 = arith.cmpf oge, %add3A_362, %broadcast_in_dim3A_361 : vector<16xf32>
      %select_n3A_364 = arith.select %ge3A_363, %max3A_221, %max3A_359 : vector<16xi1>, vector<16xf32>
      %select_n3A_365 = arith.select %ge3A, %max3A_86, %select_n3A_364 : vector<16xi1>, vector<16xf32>
      %broadcast_in_dim3A_366 = arith.constant 0.000000e+00 : f32
      %broadcast_in_dim3A_367 = vector.broadcast %broadcast_in_dim3A_366 : f32 to vector<16xf32>
      %broadcast_in_dim3A_368 = arith.constant 1.000000e+00 : f32
      %broadcast_in_dim3A_369 = vector.broadcast %broadcast_in_dim3A_368 : f32 to vector<16xf32>
      %eq3A_370 = arith.cmpf oeq, %scan3A_46#2, %select_n3A_365 : vector<16xf32>
      %select_n3A_371 = arith.select %eq3A_370, %broadcast_in_dim3A_369, %broadcast_in_dim3A_367 : vector<16xi1>, vector<16xf32>
      %max3A_372 = arith.maximumf %broadcast_in_dim3A_367, %select_n3A_371 : vector<16xf32>
      %eq3A_373 = arith.cmpf oeq, %scan3A_46#5, %select_n3A_365 : vector<16xf32>
      %select_n3A_374 = arith.select %eq3A_373, %broadcast_in_dim3A_369, %broadcast_in_dim3A_367 : vector<16xi1>, vector<16xf32>
      %max3A_375 = arith.maximumf %max3A_372, %select_n3A_374 : vector<16xf32>
      %eq3A_376 = arith.cmpf oeq, %scan3A_46#8, %select_n3A_365 : vector<16xf32>
      %select_n3A_377 = arith.select %eq3A_376, %broadcast_in_dim3A_369, %broadcast_in_dim3A_367 : vector<16xi1>, vector<16xf32>
      %max3A_378 = arith.maximumf %max3A_375, %select_n3A_377 : vector<16xf32>
      %eq3A_379 = arith.cmpf oeq, %scan3A_46#11, %select_n3A_365 : vector<16xf32>
      %select_n3A_380 = arith.select %eq3A_379, %broadcast_in_dim3A_369, %broadcast_in_dim3A_367 : vector<16xi1>, vector<16xf32>
      %max3A_381 = arith.maximumf %max3A_378, %select_n3A_380 : vector<16xf32>
      %iota3A_382 = tpu.iota {dimensions = array<i32: 0>} : vector<16xi32>
      %xor3A_383 = arith.constant 8 : i32
      %xor3A_384 = vector.broadcast %xor3A_383 : i32 to vector<16xi32>
      %xor3A_385 = arith.xori %iota3A_382, %xor3A_384 : vector<16xi32>
      %broadcast_in_dim3A_386 = vector.shape_cast %xor3A_385 : vector<16xi32> to vector<16x1xi32>
      %gather3A_387 = vector.shape_cast %broadcast_in_dim3A_386 : vector<16x1xi32> to vector<16xi32>
      %gather3A_388 = tpu.dynamic_gather %max3A_381[%gather3A_387] in [0] : vector<16xf32>, vector<16xi32> -> vector<16xf32>
      %max3A_389 = arith.maximumf %max3A_381, %gather3A_388 : vector<16xf32>
      %iota3A_390 = tpu.iota {dimensions = array<i32: 0>} : vector<16xi32>
      %xor3A_391 = arith.constant 4 : i32
      %xor3A_392 = vector.broadcast %xor3A_391 : i32 to vector<16xi32>
      %xor3A_393 = arith.xori %iota3A_390, %xor3A_392 : vector<16xi32>
      %broadcast_in_dim3A_394 = vector.shape_cast %xor3A_393 : vector<16xi32> to vector<16x1xi32>
      %gather3A_395 = vector.shape_cast %broadcast_in_dim3A_394 : vector<16x1xi32> to vector<16xi32>
      %gather3A_396 = tpu.dynamic_gather %max3A_389[%gather3A_395] in [0] : vector<16xf32>, vector<16xi32> -> vector<16xf32>
      %max3A_397 = arith.maximumf %max3A_389, %gather3A_396 : vector<16xf32>
      %iota3A_398 = tpu.iota {dimensions = array<i32: 0>} : vector<16xi32>
      %xor3A_399 = arith.constant 2 : i32
      %xor3A_400 = vector.broadcast %xor3A_399 : i32 to vector<16xi32>
      %xor3A_401 = arith.xori %iota3A_398, %xor3A_400 : vector<16xi32>
      %broadcast_in_dim3A_402 = vector.shape_cast %xor3A_401 : vector<16xi32> to vector<16x1xi32>
      %gather3A_403 = vector.shape_cast %broadcast_in_dim3A_402 : vector<16x1xi32> to vector<16xi32>
      %gather3A_404 = tpu.dynamic_gather %max3A_397[%gather3A_403] in [0] : vector<16xf32>, vector<16xi32> -> vector<16xf32>
      %max3A_405 = arith.maximumf %max3A_397, %gather3A_404 : vector<16xf32>
      %iota3A_406 = tpu.iota {dimensions = array<i32: 0>} : vector<16xi32>
      %xor3A_407 = arith.constant 1 : i32
      %xor3A_408 = vector.broadcast %xor3A_407 : i32 to vector<16xi32>
      %xor3A_409 = arith.xori %iota3A_406, %xor3A_408 : vector<16xi32>
      %broadcast_in_dim3A_410 = vector.shape_cast %xor3A_409 : vector<16xi32> to vector<16x1xi32>
      %gather3A_411 = vector.shape_cast %broadcast_in_dim3A_410 : vector<16x1xi32> to vector<16xi32>
      %gather3A_412 = tpu.dynamic_gather %max3A_405[%gather3A_411] in [0] : vector<16xf32>, vector<16xi32> -> vector<16xf32>
      %max3A_413 = arith.maximumf %max3A_405, %gather3A_412 : vector<16xf32>
      %slice3A = vector.extract_strided_slice %max3A_413 {offsets = [0], sizes = [1], strides = [1]} : vector<16xf32> to vector<1xf32>
      %squeeze3A = vector.extract %slice3A[0] : f32 from vector<1xf32>
      %gt3A = arith.constant 0.000000e+00 : f32
      %gt3A_414 = arith.cmpf ogt, %squeeze3A, %gt3A : f32
      %convert_element_type3A = arith.extui %gt3A_414 : i1 to i32
      %cond3A = arith.constant 0 : i32
      %cond3A_415 = arith.cmpi ne, %convert_element_type3A, %cond3A : i32
      scf.if %cond3A_415 {
        %scan3A_940 = arith.constant 0 : i32
        %scan3A_941 = arith.constant 128 : i32
        %scan3A_942 = arith.addi %scan3A_940, %scan3A_941 : i32
        %scan3A_943 = arith.constant 1 : i32
        %scan3A_944:4 = scf.for %scan3A_952 = %scan3A_940 to %scan3A_942 step %scan3A_943 iter_args(%scan3A_953 = %broadcast_in_dim3A_367, %scan3A_954 = %broadcast_in_dim3A_367, %scan3A_955 = %broadcast_in_dim3A_367, %scan3A_956 = %broadcast_in_dim3A_367) -> (vector<16xf32>, vector<16xf32>, vector<16xf32>, vector<16xf32>)  : i32 {
          %mul3A_957 = arith.constant 256 : i32
          %mul3A_958 = arith.muli %scan3A_952, %mul3A_957 : i32
          %add3A_959 = arith.constant 0 : i32
          %add3A_960 = arith.addi %mul3A_958, %add3A_959 : i32
          %get3A_961 = arith.index_cast %add3A_960 : i32 to index
          %get3A_962 = tpu.vector_load %arg4[%get3A_961] {strides = array<i32>} : memref<32768xf32, #tpu.memory_space<vmem>>, vector<16xf32>,
          %get3A_963 = vector.shape_cast %get3A_962 : vector<16xf32> to vector<16xf32>
          %ge3A_964 = arith.cmpf oge, %get3A_963, %select_n3A_365 : vector<16xf32>
          %jit3A = arith.constant 0.000000e+00 : f32
          %broadcast_in_dim3A_965 = vector.broadcast %jit3A : f32 to vector<16xf32>
          %select_n3A_966 = arith.select %ge3A_964, %get3A_963, %broadcast_in_dim3A_965 : vector<16xi1>, vector<16xf32>
          %add3A_967 = arith.addf %scan3A_953, %select_n3A_966 : vector<16xf32>
          %add3A_968 = arith.constant 16 : i32
          %add3A_969 = arith.addi %mul3A_958, %add3A_968 : i32
          %get3A_970 = arith.index_cast %add3A_969 : i32 to index
          %get3A_971 = tpu.vector_load %arg4[%get3A_970] {strides = array<i32>} : memref<32768xf32, #tpu.memory_space<vmem>>, vector<16xf32>,
          %get3A_972 = vector.shape_cast %get3A_971 : vector<16xf32> to vector<16xf32>
          %ge3A_973 = arith.cmpf oge, %get3A_972, %select_n3A_365 : vector<16xf32>
          %jit3A_974 = arith.constant 0.000000e+00 : f32
          %broadcast_in_dim3A_975 = vector.broadcast %jit3A_974 : f32 to vector<16xf32>
          %select_n3A_976 = arith.select %ge3A_973, %get3A_972, %broadcast_in_dim3A_975 : vector<16xi1>, vector<16xf32>
          %add3A_977 = arith.addf %scan3A_954, %select_n3A_976 : vector<16xf32>
          %add3A_978 = arith.constant 32 : i32
          %add3A_979 = arith.addi %mul3A_958, %add3A_978 : i32
          %get3A_980 = arith.index_cast %add3A_979 : i32 to index
          %get3A_981 = tpu.vector_load %arg4[%get3A_980] {strides = array<i32>} : memref<32768xf32, #tpu.memory_space<vmem>>, vector<16xf32>,
          %get3A_982 = vector.shape_cast %get3A_981 : vector<16xf32> to vector<16xf32>
          %ge3A_983 = arith.cmpf oge, %get3A_982, %select_n3A_365 : vector<16xf32>
          %jit3A_984 = arith.constant 0.000000e+00 : f32
          %broadcast_in_dim3A_985 = vector.broadcast %jit3A_984 : f32 to vector<16xf32>
          %select_n3A_986 = arith.select %ge3A_983, %get3A_982, %broadcast_in_dim3A_985 : vector<16xi1>, vector<16xf32>
          %add3A_987 = arith.addf %scan3A_955, %select_n3A_986 : vector<16xf32>
          %add3A_988 = arith.constant 48 : i32
          %add3A_989 = arith.addi %mul3A_958, %add3A_988 : i32
          %get3A_990 = arith.index_cast %add3A_989 : i32 to index
          %get3A_991 = tpu.vector_load %arg4[%get3A_990] {strides = array<i32>} : memref<32768xf32, #tpu.memory_space<vmem>>, vector<16xf32>,
          %get3A_992 = vector.shape_cast %get3A_991 : vector<16xf32> to vector<16xf32>
          %ge3A_993 = arith.cmpf oge, %get3A_992, %select_n3A_365 : vector<16xf32>
          %jit3A_994 = arith.constant 0.000000e+00 : f32
          %broadcast_in_dim3A_995 = vector.broadcast %jit3A_994 : f32 to vector<16xf32>
          %select_n3A_996 = arith.select %ge3A_993, %get3A_992, %broadcast_in_dim3A_995 : vector<16xi1>, vector<16xf32>
          %add3A_997 = arith.addf %scan3A_956, %select_n3A_996 : vector<16xf32>
          %add3A_998 = arith.constant 64 : i32
          %add3A_999 = arith.addi %mul3A_958, %add3A_998 : i32
          %get3A_1000 = arith.index_cast %add3A_999 : i32 to index
          %get3A_1001 = tpu.vector_load %arg4[%get3A_1000] {strides = array<i32>} : memref<32768xf32, #tpu.memory_space<vmem>>, vector<16xf32>,
          %get3A_1002 = vector.shape_cast %get3A_1001 : vector<16xf32> to vector<16xf32>
          %ge3A_1003 = arith.cmpf oge, %get3A_1002, %select_n3A_365 : vector<16xf32>
          %jit3A_1004 = arith.constant 0.000000e+00 : f32
          %broadcast_in_dim3A_1005 = vector.broadcast %jit3A_1004 : f32 to vector<16xf32>
          %select_n3A_1006 = arith.select %ge3A_1003, %get3A_1002, %broadcast_in_dim3A_1005 : vector<16xi1>, vector<16xf32>
          %add3A_1007 = arith.addf %add3A_967, %select_n3A_1006 : vector<16xf32>
          %add3A_1008 = arith.constant 80 : i32
          %add3A_1009 = arith.addi %mul3A_958, %add3A_1008 : i32
          %get3A_1010 = arith.index_cast %add3A_1009 : i32 to index
          %get3A_1011 = tpu.vector_load %arg4[%get3A_1010] {strides = array<i32>} : memref<32768xf32, #tpu.memory_space<vmem>>, vector<16xf32>,
          %get3A_1012 = vector.shape_cast %get3A_1011 : vector<16xf32> to vector<16xf32>
          %ge3A_1013 = arith.cmpf oge, %get3A_1012, %select_n3A_365 : vector<16xf32>
          %jit3A_1014 = arith.constant 0.000000e+00 : f32
          %broadcast_in_dim3A_1015 = vector.broadcast %jit3A_1014 : f32 to vector<16xf32>
          %select_n3A_1016 = arith.select %ge3A_1013, %get3A_1012, %broadcast_in_dim3A_1015 : vector<16xi1>, vector<16xf32>
          %add3A_1017 = arith.addf %add3A_977, %select_n3A_1016 : vector<16xf32>
          %add3A_1018 = arith.constant 96 : i32
          %add3A_1019 = arith.addi %mul3A_958, %add3A_1018 : i32
          %get3A_1020 = arith.index_cast %add3A_1019 : i32 to index
          %get3A_1021 = tpu.vector_load %arg4[%get3A_1020] {strides = array<i32>} : memref<32768xf32, #tpu.memory_space<vmem>>, vector<16xf32>,
          %get3A_1022 = vector.shape_cast %get3A_1021 : vector<16xf32> to vector<16xf32>
          %ge3A_1023 = arith.cmpf oge, %get3A_1022, %select_n3A_365 : vector<16xf32>
          %jit3A_1024 = arith.constant 0.000000e+00 : f32
          %broadcast_in_dim3A_1025 = vector.broadcast %jit3A_1024 : f32 to vector<16xf32>
          %select_n3A_1026 = arith.select %ge3A_1023, %get3A_1022, %broadcast_in_dim3A_1025 : vector<16xi1>, vector<16xf32>
          %add3A_1027 = arith.addf %add3A_987, %select_n3A_1026 : vector<16xf32>
          %add3A_1028 = arith.constant 112 : i32
          %add3A_1029 = arith.addi %mul3A_958, %add3A_1028 : i32
          %get3A_1030 = arith.index_cast %add3A_1029 : i32 to index
          %get3A_1031 = tpu.vector_load %arg4[%get3A_1030] {strides = array<i32>} : memref<32768xf32, #tpu.memory_space<vmem>>, vector<16xf32>,
          %get3A_1032 = vector.shape_cast %get3A_1031 : vector<16xf32> to vector<16xf32>
          %ge3A_1033 = arith.cmpf oge, %get3A_1032, %select_n3A_365 : vector<16xf32>
          %jit3A_1034 = arith.constant 0.000000e+00 : f32
          %broadcast_in_dim3A_1035 = vector.broadcast %jit3A_1034 : f32 to vector<16xf32>
          %select_n3A_1036 = arith.select %ge3A_1033, %get3A_1032, %broadcast_in_dim3A_1035 : vector<16xi1>, vector<16xf32>
          %add3A_1037 = arith.addf %add3A_997, %select_n3A_1036 : vector<16xf32>
          %add3A_1038 = arith.constant 128 : i32
          %add3A_1039 = arith.addi %mul3A_958, %add3A_1038 : i32
          %get3A_1040 = arith.index_cast %add3A_1039 : i32 to index
          %get3A_1041 = tpu.vector_load %arg4[%get3A_1040] {strides = array<i32>} : memref<32768xf32, #tpu.memory_space<vmem>>, vector<16xf32>,
          %get3A_1042 = vector.shape_cast %get3A_1041 : vector<16xf32> to vector<16xf32>
          %ge3A_1043 = arith.cmpf oge, %get3A_1042, %select_n3A_365 : vector<16xf32>
          %jit3A_1044 = arith.constant 0.000000e+00 : f32
          %broadcast_in_dim3A_1045 = vector.broadcast %jit3A_1044 : f32 to vector<16xf32>
          %select_n3A_1046 = arith.select %ge3A_1043, %get3A_1042, %broadcast_in_dim3A_1045 : vector<16xi1>, vector<16xf32>
          %add3A_1047 = arith.addf %add3A_1007, %select_n3A_1046 : vector<16xf32>
          %add3A_1048 = arith.constant 144 : i32
          %add3A_1049 = arith.addi %mul3A_958, %add3A_1048 : i32
          %get3A_1050 = arith.index_cast %add3A_1049 : i32 to index
          %get3A_1051 = tpu.vector_load %arg4[%get3A_1050] {strides = array<i32>} : memref<32768xf32, #tpu.memory_space<vmem>>, vector<16xf32>,
          %get3A_1052 = vector.shape_cast %get3A_1051 : vector<16xf32> to vector<16xf32>
          %ge3A_1053 = arith.cmpf oge, %get3A_1052, %select_n3A_365 : vector<16xf32>
          %jit3A_1054 = arith.constant 0.000000e+00 : f32
          %broadcast_in_dim3A_1055 = vector.broadcast %jit3A_1054 : f32 to vector<16xf32>
          %select_n3A_1056 = arith.select %ge3A_1053, %get3A_1052, %broadcast_in_dim3A_1055 : vector<16xi1>, vector<16xf32>
          %add3A_1057 = arith.addf %add3A_1017, %select_n3A_1056 : vector<16xf32>
          %add3A_1058 = arith.constant 160 : i32
          %add3A_1059 = arith.addi %mul3A_958, %add3A_1058 : i32
          %get3A_1060 = arith.index_cast %add3A_1059 : i32 to index
          %get3A_1061 = tpu.vector_load %arg4[%get3A_1060] {strides = array<i32>} : memref<32768xf32, #tpu.memory_space<vmem>>, vector<16xf32>,
          %get3A_1062 = vector.shape_cast %get3A_1061 : vector<16xf32> to vector<16xf32>
          %ge3A_1063 = arith.cmpf oge, %get3A_1062, %select_n3A_365 : vector<16xf32>
          %jit3A_1064 = arith.constant 0.000000e+00 : f32
          %broadcast_in_dim3A_1065 = vector.broadcast %jit3A_1064 : f32 to vector<16xf32>
          %select_n3A_1066 = arith.select %ge3A_1063, %get3A_1062, %broadcast_in_dim3A_1065 : vector<16xi1>, vector<16xf32>
          %add3A_1067 = arith.addf %add3A_1027, %select_n3A_1066 : vector<16xf32>
          %add3A_1068 = arith.constant 176 : i32
          %add3A_1069 = arith.addi %mul3A_958, %add3A_1068 : i32
          %get3A_1070 = arith.index_cast %add3A_1069 : i32 to index
          %get3A_1071 = tpu.vector_load %arg4[%get3A_1070] {strides = array<i32>} : memref<32768xf32, #tpu.memory_space<vmem>>, vector<16xf32>,
          %get3A_1072 = vector.shape_cast %get3A_1071 : vector<16xf32> to vector<16xf32>
          %ge3A_1073 = arith.cmpf oge, %get3A_1072, %select_n3A_365 : vector<16xf32>
          %jit3A_1074 = arith.constant 0.000000e+00 : f32
          %broadcast_in_dim3A_1075 = vector.broadcast %jit3A_1074 : f32 to vector<16xf32>
          %select_n3A_1076 = arith.select %ge3A_1073, %get3A_1072, %broadcast_in_dim3A_1075 : vector<16xi1>, vector<16xf32>
          %add3A_1077 = arith.addf %add3A_1037, %select_n3A_1076 : vector<16xf32>
          %add3A_1078 = arith.constant 192 : i32
          %add3A_1079 = arith.addi %mul3A_958, %add3A_1078 : i32
          %get3A_1080 = arith.index_cast %add3A_1079 : i32 to index
          %get3A_1081 = tpu.vector_load %arg4[%get3A_1080] {strides = array<i32>} : memref<32768xf32, #tpu.memory_space<vmem>>, vector<16xf32>,
          %get3A_1082 = vector.shape_cast %get3A_1081 : vector<16xf32> to vector<16xf32>
          %ge3A_1083 = arith.cmpf oge, %get3A_1082, %select_n3A_365 : vector<16xf32>
          %jit3A_1084 = arith.constant 0.000000e+00 : f32
          %broadcast_in_dim3A_1085 = vector.broadcast %jit3A_1084 : f32 to vector<16xf32>
          %select_n3A_1086 = arith.select %ge3A_1083, %get3A_1082, %broadcast_in_dim3A_1085 : vector<16xi1>, vector<16xf32>
          %add3A_1087 = arith.addf %add3A_1047, %select_n3A_1086 : vector<16xf32>
          %add3A_1088 = arith.constant 208 : i32
          %add3A_1089 = arith.addi %mul3A_958, %add3A_1088 : i32
          %get3A_1090 = arith.index_cast %add3A_1089 : i32 to index
          %get3A_1091 = tpu.vector_load %arg4[%get3A_1090] {strides = array<i32>} : memref<32768xf32, #tpu.memory_space<vmem>>, vector<16xf32>,
          %get3A_1092 = vector.shape_cast %get3A_1091 : vector<16xf32> to vector<16xf32>
          %ge3A_1093 = arith.cmpf oge, %get3A_1092, %select_n3A_365 : vector<16xf32>
          %jit3A_1094 = arith.constant 0.000000e+00 : f32
          %broadcast_in_dim3A_1095 = vector.broadcast %jit3A_1094 : f32 to vector<16xf32>
          %select_n3A_1096 = arith.select %ge3A_1093, %get3A_1092, %broadcast_in_dim3A_1095 : vector<16xi1>, vector<16xf32>
          %add3A_1097 = arith.addf %add3A_1057, %select_n3A_1096 : vector<16xf32>
          %add3A_1098 = arith.constant 224 : i32
          %add3A_1099 = arith.addi %mul3A_958, %add3A_1098 : i32
          %get3A_1100 = arith.index_cast %add3A_1099 : i32 to index
          %get3A_1101 = tpu.vector_load %arg4[%get3A_1100] {strides = array<i32>} : memref<32768xf32, #tpu.memory_space<vmem>>, vector<16xf32>,
          %get3A_1102 = vector.shape_cast %get3A_1101 : vector<16xf32> to vector<16xf32>
          %ge3A_1103 = arith.cmpf oge, %get3A_1102, %select_n3A_365 : vector<16xf32>
          %jit3A_1104 = arith.constant 0.000000e+00 : f32
          %broadcast_in_dim3A_1105 = vector.broadcast %jit3A_1104 : f32 to vector<16xf32>
          %select_n3A_1106 = arith.select %ge3A_1103, %get3A_1102, %broadcast_in_dim3A_1105 : vector<16xi1>, vector<16xf32>
          %add3A_1107 = arith.addf %add3A_1067, %select_n3A_1106 : vector<16xf32>
          %add3A_1108 = arith.constant 240 : i32
          %add3A_1109 = arith.addi %mul3A_958, %add3A_1108 : i32
          %get3A_1110 = arith.index_cast %add3A_1109 : i32 to index
          %get3A_1111 = tpu.vector_load %arg4[%get3A_1110] {strides = array<i32>} : memref<32768xf32, #tpu.memory_space<vmem>>, vector<16xf32>,
          %get3A_1112 = vector.shape_cast %get3A_1111 : vector<16xf32> to vector<16xf32>
          %ge3A_1113 = arith.cmpf oge, %get3A_1112, %select_n3A_365 : vector<16xf32>
          %jit3A_1114 = arith.constant 0.000000e+00 : f32
          %broadcast_in_dim3A_1115 = vector.broadcast %jit3A_1114 : f32 to vector<16xf32>
          %select_n3A_1116 = arith.select %ge3A_1113, %get3A_1112, %broadcast_in_dim3A_1115 : vector<16xi1>, vector<16xf32>
          %add3A_1117 = arith.addf %add3A_1077, %select_n3A_1116 : vector<16xf32>
          scf.yield %add3A_1087, %add3A_1097, %add3A_1107, %add3A_1117 : vector<16xf32>, vector<16xf32>, vector<16xf32>, vector<16xf32>
        }
        %scan3A_945 = arith.constant 128 : i32
        %add3A_946 = arith.addf %scan3A_944#0, %scan3A_944#1 : vector<16xf32>
        %add3A_947 = arith.addf %add3A_946, %scan3A_944#2 : vector<16xf32>
        %add3A_948 = arith.addf %add3A_947, %scan3A_944#3 : vector<16xf32>
        %swap3A = arith.constant 0 : index
        %swap3A_949 = tpu.vector_load %arg7[%swap3A] {strides = array<i32>} : memref<16xf32, #tpu.memory_space<vmem>>, vector<16xf32>,
        %swap3A_950 = vector.shape_cast %swap3A_949 : vector<16xf32> to vector<16xf32>
        %swap3A_951 = vector.shape_cast %add3A_948 : vector<16xf32> to vector<16xf32>
        tpu.vector_store %arg7[%swap3A], %swap3A_951 {strides = array<i32>} : memref<16xf32, #tpu.memory_space<vmem>>, vector<16xf32>,
      } else {
        %ge3A_940 = arith.cmpf oge, %scan3A_46#0, %select_n3A_365 : vector<16xf32>
        %jit3A = arith.constant 0.000000e+00 : f32
        %broadcast_in_dim3A_941 = vector.broadcast %jit3A : f32 to vector<16xf32>
        %select_n3A_942 = arith.select %ge3A_940, %scan3A_46#0, %broadcast_in_dim3A_941 : vector<16xi1>, vector<16xf32>
        %add3A_943 = arith.addf %broadcast_in_dim3A_367, %select_n3A_942 : vector<16xf32>
        %ge3A_944 = arith.cmpf oge, %scan3A_46#1, %select_n3A_365 : vector<16xf32>
        %jit3A_945 = arith.constant 0.000000e+00 : f32
        %broadcast_in_dim3A_946 = vector.broadcast %jit3A_945 : f32 to vector<16xf32>
        %select_n3A_947 = arith.select %ge3A_944, %scan3A_46#1, %broadcast_in_dim3A_946 : vector<16xi1>, vector<16xf32>
        %add3A_948 = arith.addf %add3A_943, %select_n3A_947 : vector<16xf32>
        %ge3A_949 = arith.cmpf oge, %scan3A_46#2, %select_n3A_365 : vector<16xf32>
        %jit3A_950 = arith.constant 0.000000e+00 : f32
        %broadcast_in_dim3A_951 = vector.broadcast %jit3A_950 : f32 to vector<16xf32>
        %select_n3A_952 = arith.select %ge3A_949, %scan3A_46#2, %broadcast_in_dim3A_951 : vector<16xi1>, vector<16xf32>
        %add3A_953 = arith.addf %add3A_948, %select_n3A_952 : vector<16xf32>
        %ge3A_954 = arith.cmpf oge, %scan3A_46#3, %select_n3A_365 : vector<16xf32>
        %jit3A_955 = arith.constant 0.000000e+00 : f32
        %broadcast_in_dim3A_956 = vector.broadcast %jit3A_955 : f32 to vector<16xf32>
        %select_n3A_957 = arith.select %ge3A_954, %scan3A_46#3, %broadcast_in_dim3A_956 : vector<16xi1>, vector<16xf32>
        %add3A_958 = arith.addf %add3A_953, %select_n3A_957 : vector<16xf32>
        %ge3A_959 = arith.cmpf oge, %scan3A_46#4, %select_n3A_365 : vector<16xf32>
        %jit3A_960 = arith.constant 0.000000e+00 : f32
        %broadcast_in_dim3A_961 = vector.broadcast %jit3A_960 : f32 to vector<16xf32>
        %select_n3A_962 = arith.select %ge3A_959, %scan3A_46#4, %broadcast_in_dim3A_961 : vector<16xi1>, vector<16xf32>
        %add3A_963 = arith.addf %add3A_958, %select_n3A_962 : vector<16xf32>
        %ge3A_964 = arith.cmpf oge, %scan3A_46#5, %select_n3A_365 : vector<16xf32>
        %jit3A_965 = arith.constant 0.000000e+00 : f32
        %broadcast_in_dim3A_966 = vector.broadcast %jit3A_965 : f32 to vector<16xf32>
        %select_n3A_967 = arith.select %ge3A_964, %scan3A_46#5, %broadcast_in_dim3A_966 : vector<16xi1>, vector<16xf32>
        %add3A_968 = arith.addf %add3A_963, %select_n3A_967 : vector<16xf32>
        %ge3A_969 = arith.cmpf oge, %scan3A_46#6, %select_n3A_365 : vector<16xf32>
        %jit3A_970 = arith.constant 0.000000e+00 : f32
        %broadcast_in_dim3A_971 = vector.broadcast %jit3A_970 : f32 to vector<16xf32>
        %select_n3A_972 = arith.select %ge3A_969, %scan3A_46#6, %broadcast_in_dim3A_971 : vector<16xi1>, vector<16xf32>
        %add3A_973 = arith.addf %add3A_968, %select_n3A_972 : vector<16xf32>
        %ge3A_974 = arith.cmpf oge, %scan3A_46#7, %select_n3A_365 : vector<16xf32>
        %jit3A_975 = arith.constant 0.000000e+00 : f32
        %broadcast_in_dim3A_976 = vector.broadcast %jit3A_975 : f32 to vector<16xf32>
        %select_n3A_977 = arith.select %ge3A_974, %scan3A_46#7, %broadcast_in_dim3A_976 : vector<16xi1>, vector<16xf32>
        %add3A_978 = arith.addf %add3A_973, %select_n3A_977 : vector<16xf32>
        %ge3A_979 = arith.cmpf oge, %scan3A_46#8, %select_n3A_365 : vector<16xf32>
        %jit3A_980 = arith.constant 0.000000e+00 : f32
        %broadcast_in_dim3A_981 = vector.broadcast %jit3A_980 : f32 to vector<16xf32>
        %select_n3A_982 = arith.select %ge3A_979, %scan3A_46#8, %broadcast_in_dim3A_981 : vector<16xi1>, vector<16xf32>
        %add3A_983 = arith.addf %add3A_978, %select_n3A_982 : vector<16xf32>
        %ge3A_984 = arith.cmpf oge, %scan3A_46#9, %select_n3A_365 : vector<16xf32>
        %jit3A_985 = arith.constant 0.000000e+00 : f32
        %broadcast_in_dim3A_986 = vector.broadcast %jit3A_985 : f32 to vector<16xf32>
        %select_n3A_987 = arith.select %ge3A_984, %scan3A_46#9, %broadcast_in_dim3A_986 : vector<16xi1>, vector<16xf32>
        %add3A_988 = arith.addf %add3A_983, %select_n3A_987 : vector<16xf32>
        %ge3A_989 = arith.cmpf oge, %scan3A_46#10, %select_n3A_365 : vector<16xf32>
        %jit3A_990 = arith.constant 0.000000e+00 : f32
        %broadcast_in_dim3A_991 = vector.broadcast %jit3A_990 : f32 to vector<16xf32>
        %select_n3A_992 = arith.select %ge3A_989, %scan3A_46#10, %broadcast_in_dim3A_991 : vector<16xi1>, vector<16xf32>
        %add3A_993 = arith.addf %add3A_988, %select_n3A_992 : vector<16xf32>
        %ge3A_994 = arith.cmpf oge, %scan3A_46#11, %select_n3A_365 : vector<16xf32>
        %jit3A_995 = arith.constant 0.000000e+00 : f32
        %broadcast_in_dim3A_996 = vector.broadcast %jit3A_995 : f32 to vector<16xf32>
        %select_n3A_997 = arith.select %ge3A_994, %scan3A_46#11, %broadcast_in_dim3A_996 : vector<16xi1>, vector<16xf32>
        %add3A_998 = arith.addf %add3A_993, %select_n3A_997 : vector<16xf32>
        %swap3A = arith.constant 0 : index
        %swap3A_999 = tpu.vector_load %arg7[%swap3A] {strides = array<i32>} : memref<16xf32, #tpu.memory_space<vmem>>, vector<16xf32>,
        %swap3A_1000 = vector.shape_cast %swap3A_999 : vector<16xf32> to vector<16xf32>
        %swap3A_1001 = vector.shape_cast %add3A_998 : vector<16xf32> to vector<16xf32>
        tpu.vector_store %arg7[%swap3A], %swap3A_1001 {strides = array<i32>} : memref<16xf32, #tpu.memory_space<vmem>>, vector<16xf32>,
      }
      %get3A = arith.constant 0 : index
      %get3A_416 = tpu.vector_load %arg7[%get3A] {strides = array<i32>} : memref<16xf32, #tpu.memory_space<vmem>>, vector<16xf32>,
      %get3A_417 = vector.shape_cast %get3A_416 : vector<16xf32> to vector<16xf32>
      %iota3A_418 = tpu.iota {dimensions = array<i32: 0>} : vector<16xi32>
      %xor3A_419 = arith.constant 8 : i32
      %xor3A_420 = vector.broadcast %xor3A_419 : i32 to vector<16xi32>
      %xor3A_421 = arith.xori %iota3A_418, %xor3A_420 : vector<16xi32>
      %broadcast_in_dim3A_422 = vector.shape_cast %xor3A_421 : vector<16xi32> to vector<16x1xi32>
      %gather3A_423 = vector.shape_cast %broadcast_in_dim3A_422 : vector<16x1xi32> to vector<16xi32>
      %gather3A_424 = tpu.dynamic_gather %get3A_417[%gather3A_423] in [0] : vector<16xf32>, vector<16xi32> -> vector<16xf32>
      %add3A_425 = arith.addf %get3A_417, %gather3A_424 : vector<16xf32>
      %iota3A_426 = tpu.iota {dimensions = array<i32: 0>} : vector<16xi32>
      %xor3A_427 = arith.constant 4 : i32
      %xor3A_428 = vector.broadcast %xor3A_427 : i32 to vector<16xi32>
      %xor3A_429 = arith.xori %iota3A_426, %xor3A_428 : vector<16xi32>
      %broadcast_in_dim3A_430 = vector.shape_cast %xor3A_429 : vector<16xi32> to vector<16x1xi32>
      %gather3A_431 = vector.shape_cast %broadcast_in_dim3A_430 : vector<16x1xi32> to vector<16xi32>
      %gather3A_432 = tpu.dynamic_gather %add3A_425[%gather3A_431] in [0] : vector<16xf32>, vector<16xi32> -> vector<16xf32>
      %add3A_433 = arith.addf %add3A_425, %gather3A_432 : vector<16xf32>
      %iota3A_434 = tpu.iota {dimensions = array<i32: 0>} : vector<16xi32>
      %xor3A_435 = arith.constant 2 : i32
      %xor3A_436 = vector.broadcast %xor3A_435 : i32 to vector<16xi32>
      %xor3A_437 = arith.xori %iota3A_434, %xor3A_436 : vector<16xi32>
      %broadcast_in_dim3A_438 = vector.shape_cast %xor3A_437 : vector<16xi32> to vector<16x1xi32>
      %gather3A_439 = vector.shape_cast %broadcast_in_dim3A_438 : vector<16x1xi32> to vector<16xi32>
      %gather3A_440 = tpu.dynamic_gather %add3A_433[%gather3A_439] in [0] : vector<16xf32>, vector<16xi32> -> vector<16xf32>
      %add3A_441 = arith.addf %add3A_433, %gather3A_440 : vector<16xf32>
      %iota3A_442 = tpu.iota {dimensions = array<i32: 0>} : vector<16xi32>
      %xor3A_443 = arith.constant 1 : i32
      %xor3A_444 = vector.broadcast %xor3A_443 : i32 to vector<16xi32>
      %xor3A_445 = arith.xori %iota3A_442, %xor3A_444 : vector<16xi32>
      %broadcast_in_dim3A_446 = vector.shape_cast %xor3A_445 : vector<16xi32> to vector<16x1xi32>
      %gather3A_447 = vector.shape_cast %broadcast_in_dim3A_446 : vector<16x1xi32> to vector<16xi32>
      %gather3A_448 = tpu.dynamic_gather %add3A_441[%gather3A_447] in [0] : vector<16xf32>, vector<16xi32> -> vector<16xf32>
      %add3A_449 = arith.addf %add3A_441, %gather3A_448 : vector<16xf32>
      %div3A = arith.constant 1.000000e+00 : f32
      %div3A_450 = vector.broadcast %div3A : f32 to vector<16xf32>
      %div3A_451 = arith.divf %div3A_450, %add3A_449 : vector<16xf32>
      %gt3A_452 = arith.constant 0 : i32
      %gt3A_453 = arith.cmpi sgt, %add3A_33, %gt3A_452 : i32
      %convert_element_type3A_454 = arith.extui %gt3A_453 : i1 to i32
      %cond3A_455 = arith.constant 0 : i32
      %cond3A_456 = arith.cmpi ne, %convert_element_type3A_454, %cond3A_455 : i32
      scf.if %cond3A_456 {
        %add3A_940 = arith.addi %mul3A_2, %add3A_33 : i32
        %sub3A_941 = arith.constant 1 : i32
        %sub3A_942 = arith.subi %add3A_940, %sub3A_941 : i32
        %dma_wait3A_943 = arith.constant 0 : i32
        %dma_wait3A_944 = tpu.memref_slice %arg3[%sub3A_942, %dma_wait3A_943] : memref<1024x32768xf32, #tpu.memory_space<hbm>> -> memref<1x32768xf32, #tpu.memory_space<hbm>>
        %dma_wait3A_945 = tpu.memref_squeeze %dma_wait3A_944 : memref<1x32768xf32, #tpu.memory_space<hbm>> -> memref<32768xf32, #tpu.memory_space<hbm>>
        %dma_wait3A_946 = arith.constant 0 : i32
        %dma_wait3A_947 = tpu.memref_slice %arg3[%sub3A_942, %dma_wait3A_946] : memref<1024x32768xf32, #tpu.memory_space<hbm>> -> memref<1x32768xf32, #tpu.memory_space<hbm>>
        %dma_wait3A_948 = tpu.memref_squeeze %dma_wait3A_947 : memref<1x32768xf32, #tpu.memory_space<hbm>> -> memref<32768xf32, #tpu.memory_space<hbm>>
        tpu.wait_dma2 semaphore(%arg10 : memref<!tpu.dma_semaphore, #tpu.memory_space<semaphore_mem>>) src(%arg6 : memref<32768xf32, #tpu.memory_space<vmem>>) dst(%dma_wait3A_948 : memref<32768xf32, #tpu.memory_space<hbm>>)
      } else {
      }
      %scan3A_457 = arith.constant 0 : i32
      %scan3A_458 = arith.constant 0 : i32
      %scan3A_459 = arith.constant 128 : i32
      %scan3A_460 = arith.addi %scan3A_458, %scan3A_459 : i32
      %scan3A_461 = arith.constant 1 : i32
      scf.for %scan3A_940 = %scan3A_458 to %scan3A_460 step %scan3A_461  : i32 {
        %mul3A_941 = arith.constant 256 : i32
        %mul3A_942 = arith.muli %scan3A_940, %mul3A_941 : i32
        %add3A_943 = arith.constant 0 : i32
        %add3A_944 = arith.addi %mul3A_942, %add3A_943 : i32
        %get3A_945 = arith.index_cast %add3A_944 : i32 to index
        %get3A_946 = tpu.vector_load %arg4[%get3A_945] {strides = array<i32>} : memref<32768xf32, #tpu.memory_space<vmem>>, vector<16xf32>,
        %get3A_947 = vector.shape_cast %get3A_946 : vector<16xf32> to vector<16xf32>
        %ge3A_948 = arith.cmpf oge, %get3A_947, %select_n3A_365 : vector<16xf32>
        %mul3A_949 = arith.mulf %get3A_947, %div3A_451 : vector<16xf32>
        %jit3A = arith.constant 0.000000e+00 : f32
        %broadcast_in_dim3A_950 = vector.broadcast %jit3A : f32 to vector<16xf32>
        %select_n3A_951 = arith.select %ge3A_948, %mul3A_949, %broadcast_in_dim3A_950 : vector<16xi1>, vector<16xf32>
        %swap3A = arith.index_cast %add3A_944 : i32 to index
        %swap3A_952 = tpu.vector_load %arg6[%swap3A] {strides = array<i32>} : memref<32768xf32, #tpu.memory_space<vmem>>, vector<16xf32>,
        %swap3A_953 = vector.shape_cast %swap3A_952 : vector<16xf32> to vector<16xf32>
        %swap3A_954 = vector.shape_cast %select_n3A_951 : vector<16xf32> to vector<16xf32>
        tpu.vector_store %arg6[%swap3A], %swap3A_954 {strides = array<i32>} : memref<32768xf32, #tpu.memory_space<vmem>>, vector<16xf32>,
        %add3A_955 = arith.constant 16 : i32
        %add3A_956 = arith.addi %mul3A_942, %add3A_955 : i32
        %get3A_957 = arith.index_cast %add3A_956 : i32 to index
        %get3A_958 = tpu.vector_load %arg4[%get3A_957] {strides = array<i32>} : memref<32768xf32, #tpu.memory_space<vmem>>, vector<16xf32>,
        %get3A_959 = vector.shape_cast %get3A_958 : vector<16xf32> to vector<16xf32>
        %ge3A_960 = arith.cmpf oge, %get3A_959, %select_n3A_365 : vector<16xf32>
        %mul3A_961 = arith.mulf %get3A_959, %div3A_451 : vector<16xf32>
        %jit3A_962 = arith.constant 0.000000e+00 : f32
        %broadcast_in_dim3A_963 = vector.broadcast %jit3A_962 : f32 to vector<16xf32>
        %select_n3A_964 = arith.select %ge3A_960, %mul3A_961, %broadcast_in_dim3A_963 : vector<16xi1>, vector<16xf32>
        %swap3A_965 = arith.index_cast %add3A_956 : i32 to index
        %swap3A_966 = tpu.vector_load %arg6[%swap3A_965] {strides = array<i32>} : memref<32768xf32, #tpu.memory_space<vmem>>, vector<16xf32>,
        %swap3A_967 = vector.shape_cast %swap3A_966 : vector<16xf32> to vector<16xf32>
        %swap3A_968 = vector.shape_cast %select_n3A_964 : vector<16xf32> to vector<16xf32>
        tpu.vector_store %arg6[%swap3A_965], %swap3A_968 {strides = array<i32>} : memref<32768xf32, #tpu.memory_space<vmem>>, vector<16xf32>,
        %add3A_969 = arith.constant 32 : i32
        %add3A_970 = arith.addi %mul3A_942, %add3A_969 : i32
        %get3A_971 = arith.index_cast %add3A_970 : i32 to index
        %get3A_972 = tpu.vector_load %arg4[%get3A_971] {strides = array<i32>} : memref<32768xf32, #tpu.memory_space<vmem>>, vector<16xf32>,
        %get3A_973 = vector.shape_cast %get3A_972 : vector<16xf32> to vector<16xf32>
        %ge3A_974 = arith.cmpf oge, %get3A_973, %select_n3A_365 : vector<16xf32>
        %mul3A_975 = arith.mulf %get3A_973, %div3A_451 : vector<16xf32>
        %jit3A_976 = arith.constant 0.000000e+00 : f32
        %broadcast_in_dim3A_977 = vector.broadcast %jit3A_976 : f32 to vector<16xf32>
        %select_n3A_978 = arith.select %ge3A_974, %mul3A_975, %broadcast_in_dim3A_977 : vector<16xi1>, vector<16xf32>
        %swap3A_979 = arith.index_cast %add3A_970 : i32 to index
        %swap3A_980 = tpu.vector_load %arg6[%swap3A_979] {strides = array<i32>} : memref<32768xf32, #tpu.memory_space<vmem>>, vector<16xf32>,
        %swap3A_981 = vector.shape_cast %swap3A_980 : vector<16xf32> to vector<16xf32>
        %swap3A_982 = vector.shape_cast %select_n3A_978 : vector<16xf32> to vector<16xf32>
        tpu.vector_store %arg6[%swap3A_979], %swap3A_982 {strides = array<i32>} : memref<32768xf32, #tpu.memory_space<vmem>>, vector<16xf32>,
        %add3A_983 = arith.constant 48 : i32
        %add3A_984 = arith.addi %mul3A_942, %add3A_983 : i32
        %get3A_985 = arith.index_cast %add3A_984 : i32 to index
        %get3A_986 = tpu.vector_load %arg4[%get3A_985] {strides = array<i32>} : memref<32768xf32, #tpu.memory_space<vmem>>, vector<16xf32>,
        %get3A_987 = vector.shape_cast %get3A_986 : vector<16xf32> to vector<16xf32>
        %ge3A_988 = arith.cmpf oge, %get3A_987, %select_n3A_365 : vector<16xf32>
        %mul3A_989 = arith.mulf %get3A_987, %div3A_451 : vector<16xf32>
        %jit3A_990 = arith.constant 0.000000e+00 : f32
        %broadcast_in_dim3A_991 = vector.broadcast %jit3A_990 : f32 to vector<16xf32>
        %select_n3A_992 = arith.select %ge3A_988, %mul3A_989, %broadcast_in_dim3A_991 : vector<16xi1>, vector<16xf32>
        %swap3A_993 = arith.index_cast %add3A_984 : i32 to index
        %swap3A_994 = tpu.vector_load %arg6[%swap3A_993] {strides = array<i32>} : memref<32768xf32, #tpu.memory_space<vmem>>, vector<16xf32>,
        %swap3A_995 = vector.shape_cast %swap3A_994 : vector<16xf32> to vector<16xf32>
        %swap3A_996 = vector.shape_cast %select_n3A_992 : vector<16xf32> to vector<16xf32>
        tpu.vector_store %arg6[%swap3A_993], %swap3A_996 {strides = array<i32>} : memref<32768xf32, #tpu.memory_space<vmem>>, vector<16xf32>,
        %add3A_997 = arith.constant 64 : i32
        %add3A_998 = arith.addi %mul3A_942, %add3A_997 : i32
        %get3A_999 = arith.index_cast %add3A_998 : i32 to index
        %get3A_1000 = tpu.vector_load %arg4[%get3A_999] {strides = array<i32>} : memref<32768xf32, #tpu.memory_space<vmem>>, vector<16xf32>,
        %get3A_1001 = vector.shape_cast %get3A_1000 : vector<16xf32> to vector<16xf32>
        %ge3A_1002 = arith.cmpf oge, %get3A_1001, %select_n3A_365 : vector<16xf32>
        %mul3A_1003 = arith.mulf %get3A_1001, %div3A_451 : vector<16xf32>
        %jit3A_1004 = arith.constant 0.000000e+00 : f32
        %broadcast_in_dim3A_1005 = vector.broadcast %jit3A_1004 : f32 to vector<16xf32>
        %select_n3A_1006 = arith.select %ge3A_1002, %mul3A_1003, %broadcast_in_dim3A_1005 : vector<16xi1>, vector<16xf32>
        %swap3A_1007 = arith.index_cast %add3A_998 : i32 to index
        %swap3A_1008 = tpu.vector_load %arg6[%swap3A_1007] {strides = array<i32>} : memref<32768xf32, #tpu.memory_space<vmem>>, vector<16xf32>,
        %swap3A_1009 = vector.shape_cast %swap3A_1008 : vector<16xf32> to vector<16xf32>
        %swap3A_1010 = vector.shape_cast %select_n3A_1006 : vector<16xf32> to vector<16xf32>
        tpu.vector_store %arg6[%swap3A_1007], %swap3A_1010 {strides = array<i32>} : memref<32768xf32, #tpu.memory_space<vmem>>, vector<16xf32>,
        %add3A_1011 = arith.constant 80 : i32
        %add3A_1012 = arith.addi %mul3A_942, %add3A_1011 : i32
        %get3A_1013 = arith.index_cast %add3A_1012 : i32 to index
        %get3A_1014 = tpu.vector_load %arg4[%get3A_1013] {strides = array<i32>} : memref<32768xf32, #tpu.memory_space<vmem>>, vector<16xf32>,
        %get3A_1015 = vector.shape_cast %get3A_1014 : vector<16xf32> to vector<16xf32>
        %ge3A_1016 = arith.cmpf oge, %get3A_1015, %select_n3A_365 : vector<16xf32>
        %mul3A_1017 = arith.mulf %get3A_1015, %div3A_451 : vector<16xf32>
        %jit3A_1018 = arith.constant 0.000000e+00 : f32
        %broadcast_in_dim3A_1019 = vector.broadcast %jit3A_1018 : f32 to vector<16xf32>
        %select_n3A_1020 = arith.select %ge3A_1016, %mul3A_1017, %broadcast_in_dim3A_1019 : vector<16xi1>, vector<16xf32>
        %swap3A_1021 = arith.index_cast %add3A_1012 : i32 to index
        %swap3A_1022 = tpu.vector_load %arg6[%swap3A_1021] {strides = array<i32>} : memref<32768xf32, #tpu.memory_space<vmem>>, vector<16xf32>,
        %swap3A_1023 = vector.shape_cast %swap3A_1022 : vector<16xf32> to vector<16xf32>
        %swap3A_1024 = vector.shape_cast %select_n3A_1020 : vector<16xf32> to vector<16xf32>
        tpu.vector_store %arg6[%swap3A_1021], %swap3A_1024 {strides = array<i32>} : memref<32768xf32, #tpu.memory_space<vmem>>, vector<16xf32>,
        %add3A_1025 = arith.constant 96 : i32
        %add3A_1026 = arith.addi %mul3A_942, %add3A_1025 : i32
        %get3A_1027 = arith.index_cast %add3A_1026 : i32 to index
        %get3A_1028 = tpu.vector_load %arg4[%get3A_1027] {strides = array<i32>} : memref<32768xf32, #tpu.memory_space<vmem>>, vector<16xf32>,
        %get3A_1029 = vector.shape_cast %get3A_1028 : vector<16xf32> to vector<16xf32>
        %ge3A_1030 = arith.cmpf oge, %get3A_1029, %select_n3A_365 : vector<16xf32>
        %mul3A_1031 = arith.mulf %get3A_1029, %div3A_451 : vector<16xf32>
        %jit3A_1032 = arith.constant 0.000000e+00 : f32
        %broadcast_in_dim3A_1033 = vector.broadcast %jit3A_1032 : f32 to vector<16xf32>
        %select_n3A_1034 = arith.select %ge3A_1030, %mul3A_1031, %broadcast_in_dim3A_1033 : vector<16xi1>, vector<16xf32>
        %swap3A_1035 = arith.index_cast %add3A_1026 : i32 to index
        %swap3A_1036 = tpu.vector_load %arg6[%swap3A_1035] {strides = array<i32>} : memref<32768xf32, #tpu.memory_space<vmem>>, vector<16xf32>,
        %swap3A_1037 = vector.shape_cast %swap3A_1036 : vector<16xf32> to vector<16xf32>
        %swap3A_1038 = vector.shape_cast %select_n3A_1034 : vector<16xf32> to vector<16xf32>
        tpu.vector_store %arg6[%swap3A_1035], %swap3A_1038 {strides = array<i32>} : memref<32768xf32, #tpu.memory_space<vmem>>, vector<16xf32>,
        %add3A_1039 = arith.constant 112 : i32
        %add3A_1040 = arith.addi %mul3A_942, %add3A_1039 : i32
        %get3A_1041 = arith.index_cast %add3A_1040 : i32 to index
        %get3A_1042 = tpu.vector_load %arg4[%get3A_1041] {strides = array<i32>} : memref<32768xf32, #tpu.memory_space<vmem>>, vector<16xf32>,
        %get3A_1043 = vector.shape_cast %get3A_1042 : vector<16xf32> to vector<16xf32>
        %ge3A_1044 = arith.cmpf oge, %get3A_1043, %select_n3A_365 : vector<16xf32>
        %mul3A_1045 = arith.mulf %get3A_1043, %div3A_451 : vector<16xf32>
        %jit3A_1046 = arith.constant 0.000000e+00 : f32
        %broadcast_in_dim3A_1047 = vector.broadcast %jit3A_1046 : f32 to vector<16xf32>
        %select_n3A_1048 = arith.select %ge3A_1044, %mul3A_1045, %broadcast_in_dim3A_1047 : vector<16xi1>, vector<16xf32>
        %swap3A_1049 = arith.index_cast %add3A_1040 : i32 to index
        %swap3A_1050 = tpu.vector_load %arg6[%swap3A_1049] {strides = array<i32>} : memref<32768xf32, #tpu.memory_space<vmem>>, vector<16xf32>,
        %swap3A_1051 = vector.shape_cast %swap3A_1050 : vector<16xf32> to vector<16xf32>
        %swap3A_1052 = vector.shape_cast %select_n3A_1048 : vector<16xf32> to vector<16xf32>
        tpu.vector_store %arg6[%swap3A_1049], %swap3A_1052 {strides = array<i32>} : memref<32768xf32, #tpu.memory_space<vmem>>, vector<16xf32>,
        %add3A_1053 = arith.constant 128 : i32
        %add3A_1054 = arith.addi %mul3A_942, %add3A_1053 : i32
        %get3A_1055 = arith.index_cast %add3A_1054 : i32 to index
        %get3A_1056 = tpu.vector_load %arg4[%get3A_1055] {strides = array<i32>} : memref<32768xf32, #tpu.memory_space<vmem>>, vector<16xf32>,
        %get3A_1057 = vector.shape_cast %get3A_1056 : vector<16xf32> to vector<16xf32>
        %ge3A_1058 = arith.cmpf oge, %get3A_1057, %select_n3A_365 : vector<16xf32>
        %mul3A_1059 = arith.mulf %get3A_1057, %div3A_451 : vector<16xf32>
        %jit3A_1060 = arith.constant 0.000000e+00 : f32
        %broadcast_in_dim3A_1061 = vector.broadcast %jit3A_1060 : f32 to vector<16xf32>
        %select_n3A_1062 = arith.select %ge3A_1058, %mul3A_1059, %broadcast_in_dim3A_1061 : vector<16xi1>, vector<16xf32>
        %swap3A_1063 = arith.index_cast %add3A_1054 : i32 to index
        %swap3A_1064 = tpu.vector_load %arg6[%swap3A_1063] {strides = array<i32>} : memref<32768xf32, #tpu.memory_space<vmem>>, vector<16xf32>,
        %swap3A_1065 = vector.shape_cast %swap3A_1064 : vector<16xf32> to vector<16xf32>
        %swap3A_1066 = vector.shape_cast %select_n3A_1062 : vector<16xf32> to vector<16xf32>
        tpu.vector_store %arg6[%swap3A_1063], %swap3A_1066 {strides = array<i32>} : memref<32768xf32, #tpu.memory_space<vmem>>, vector<16xf32>,
        %add3A_1067 = arith.constant 144 : i32
        %add3A_1068 = arith.addi %mul3A_942, %add3A_1067 : i32
        %get3A_1069 = arith.index_cast %add3A_1068 : i32 to index
        %get3A_1070 = tpu.vector_load %arg4[%get3A_1069] {strides = array<i32>} : memref<32768xf32, #tpu.memory_space<vmem>>, vector<16xf32>,
        %get3A_1071 = vector.shape_cast %get3A_1070 : vector<16xf32> to vector<16xf32>
        %ge3A_1072 = arith.cmpf oge, %get3A_1071, %select_n3A_365 : vector<16xf32>
        %mul3A_1073 = arith.mulf %get3A_1071, %div3A_451 : vector<16xf32>
        %jit3A_1074 = arith.constant 0.000000e+00 : f32
        %broadcast_in_dim3A_1075 = vector.broadcast %jit3A_1074 : f32 to vector<16xf32>
        %select_n3A_1076 = arith.select %ge3A_1072, %mul3A_1073, %broadcast_in_dim3A_1075 : vector<16xi1>, vector<16xf32>
        %swap3A_1077 = arith.index_cast %add3A_1068 : i32 to index
        %swap3A_1078 = tpu.vector_load %arg6[%swap3A_1077] {strides = array<i32>} : memref<32768xf32, #tpu.memory_space<vmem>>, vector<16xf32>,
        %swap3A_1079 = vector.shape_cast %swap3A_1078 : vector<16xf32> to vector<16xf32>
        %swap3A_1080 = vector.shape_cast %select_n3A_1076 : vector<16xf32> to vector<16xf32>
        tpu.vector_store %arg6[%swap3A_1077], %swap3A_1080 {strides = array<i32>} : memref<32768xf32, #tpu.memory_space<vmem>>, vector<16xf32>,
        %add3A_1081 = arith.constant 160 : i32
        %add3A_1082 = arith.addi %mul3A_942, %add3A_1081 : i32
        %get3A_1083 = arith.index_cast %add3A_1082 : i32 to index
        %get3A_1084 = tpu.vector_load %arg4[%get3A_1083] {strides = array<i32>} : memref<32768xf32, #tpu.memory_space<vmem>>, vector<16xf32>,
        %get3A_1085 = vector.shape_cast %get3A_1084 : vector<16xf32> to vector<16xf32>
        %ge3A_1086 = arith.cmpf oge, %get3A_1085, %select_n3A_365 : vector<16xf32>
        %mul3A_1087 = arith.mulf %get3A_1085, %div3A_451 : vector<16xf32>
        %jit3A_1088 = arith.constant 0.000000e+00 : f32
        %broadcast_in_dim3A_1089 = vector.broadcast %jit3A_1088 : f32 to vector<16xf32>
        %select_n3A_1090 = arith.select %ge3A_1086, %mul3A_1087, %broadcast_in_dim3A_1089 : vector<16xi1>, vector<16xf32>
        %swap3A_1091 = arith.index_cast %add3A_1082 : i32 to index
        %swap3A_1092 = tpu.vector_load %arg6[%swap3A_1091] {strides = array<i32>} : memref<32768xf32, #tpu.memory_space<vmem>>, vector<16xf32>,
        %swap3A_1093 = vector.shape_cast %swap3A_1092 : vector<16xf32> to vector<16xf32>
        %swap3A_1094 = vector.shape_cast %select_n3A_1090 : vector<16xf32> to vector<16xf32>
        tpu.vector_store %arg6[%swap3A_1091], %swap3A_1094 {strides = array<i32>} : memref<32768xf32, #tpu.memory_space<vmem>>, vector<16xf32>,
        %add3A_1095 = arith.constant 176 : i32
        %add3A_1096 = arith.addi %mul3A_942, %add3A_1095 : i32
        %get3A_1097 = arith.index_cast %add3A_1096 : i32 to index
        %get3A_1098 = tpu.vector_load %arg4[%get3A_1097] {strides = array<i32>} : memref<32768xf32, #tpu.memory_space<vmem>>, vector<16xf32>,
        %get3A_1099 = vector.shape_cast %get3A_1098 : vector<16xf32> to vector<16xf32>
        %ge3A_1100 = arith.cmpf oge, %get3A_1099, %select_n3A_365 : vector<16xf32>
        %mul3A_1101 = arith.mulf %get3A_1099, %div3A_451 : vector<16xf32>
        %jit3A_1102 = arith.constant 0.000000e+00 : f32
        %broadcast_in_dim3A_1103 = vector.broadcast %jit3A_1102 : f32 to vector<16xf32>
        %select_n3A_1104 = arith.select %ge3A_1100, %mul3A_1101, %broadcast_in_dim3A_1103 : vector<16xi1>, vector<16xf32>
        %swap3A_1105 = arith.index_cast %add3A_1096 : i32 to index
        %swap3A_1106 = tpu.vector_load %arg6[%swap3A_1105] {strides = array<i32>} : memref<32768xf32, #tpu.memory_space<vmem>>, vector<16xf32>,
        %swap3A_1107 = vector.shape_cast %swap3A_1106 : vector<16xf32> to vector<16xf32>
        %swap3A_1108 = vector.shape_cast %select_n3A_1104 : vector<16xf32> to vector<16xf32>
        tpu.vector_store %arg6[%swap3A_1105], %swap3A_1108 {strides = array<i32>} : memref<32768xf32, #tpu.memory_space<vmem>>, vector<16xf32>,
        %add3A_1109 = arith.constant 192 : i32
        %add3A_1110 = arith.addi %mul3A_942, %add3A_1109 : i32
        %get3A_1111 = arith.index_cast %add3A_1110 : i32 to index
        %get3A_1112 = tpu.vector_load %arg4[%get3A_1111] {strides = array<i32>} : memref<32768xf32, #tpu.memory_space<vmem>>, vector<16xf32>,
        %get3A_1113 = vector.shape_cast %get3A_1112 : vector<16xf32> to vector<16xf32>
        %ge3A_1114 = arith.cmpf oge, %get3A_1113, %select_n3A_365 : vector<16xf32>
        %mul3A_1115 = arith.mulf %get3A_1113, %div3A_451 : vector<16xf32>
        %jit3A_1116 = arith.constant 0.000000e+00 : f32
        %broadcast_in_dim3A_1117 = vector.broadcast %jit3A_1116 : f32 to vector<16xf32>
        %select_n3A_1118 = arith.select %ge3A_1114, %mul3A_1115, %broadcast_in_dim3A_1117 : vector<16xi1>, vector<16xf32>
        %swap3A_1119 = arith.index_cast %add3A_1110 : i32 to index
        %swap3A_1120 = tpu.vector_load %arg6[%swap3A_1119] {strides = array<i32>} : memref<32768xf32, #tpu.memory_space<vmem>>, vector<16xf32>,
        %swap3A_1121 = vector.shape_cast %swap3A_1120 : vector<16xf32> to vector<16xf32>
        %swap3A_1122 = vector.shape_cast %select_n3A_1118 : vector<16xf32> to vector<16xf32>
        tpu.vector_store %arg6[%swap3A_1119], %swap3A_1122 {strides = array<i32>} : memref<32768xf32, #tpu.memory_space<vmem>>, vector<16xf32>,
        %add3A_1123 = arith.constant 208 : i32
        %add3A_1124 = arith.addi %mul3A_942, %add3A_1123 : i32
        %get3A_1125 = arith.index_cast %add3A_1124 : i32 to index
        %get3A_1126 = tpu.vector_load %arg4[%get3A_1125] {strides = array<i32>} : memref<32768xf32, #tpu.memory_space<vmem>>, vector<16xf32>,
        %get3A_1127 = vector.shape_cast %get3A_1126 : vector<16xf32> to vector<16xf32>
        %ge3A_1128 = arith.cmpf oge, %get3A_1127, %select_n3A_365 : vector<16xf32>
        %mul3A_1129 = arith.mulf %get3A_1127, %div3A_451 : vector<16xf32>
        %jit3A_1130 = arith.constant 0.000000e+00 : f32
        %broadcast_in_dim3A_1131 = vector.broadcast %jit3A_1130 : f32 to vector<16xf32>
        %select_n3A_1132 = arith.select %ge3A_1128, %mul3A_1129, %broadcast_in_dim3A_1131 : vector<16xi1>, vector<16xf32>
        %swap3A_1133 = arith.index_cast %add3A_1124 : i32 to index
        %swap3A_1134 = tpu.vector_load %arg6[%swap3A_1133] {strides = array<i32>} : memref<32768xf32, #tpu.memory_space<vmem>>, vector<16xf32>,
        %swap3A_1135 = vector.shape_cast %swap3A_1134 : vector<16xf32> to vector<16xf32>
        %swap3A_1136 = vector.shape_cast %select_n3A_1132 : vector<16xf32> to vector<16xf32>
        tpu.vector_store %arg6[%swap3A_1133], %swap3A_1136 {strides = array<i32>} : memref<32768xf32, #tpu.memory_space<vmem>>, vector<16xf32>,
        %add3A_1137 = arith.constant 224 : i32
        %add3A_1138 = arith.addi %mul3A_942, %add3A_1137 : i32
        %get3A_1139 = arith.index_cast %add3A_1138 : i32 to index
        %get3A_1140 = tpu.vector_load %arg4[%get3A_1139] {strides = array<i32>} : memref<32768xf32, #tpu.memory_space<vmem>>, vector<16xf32>,
        %get3A_1141 = vector.shape_cast %get3A_1140 : vector<16xf32> to vector<16xf32>
        %ge3A_1142 = arith.cmpf oge, %get3A_1141, %select_n3A_365 : vector<16xf32>
        %mul3A_1143 = arith.mulf %get3A_1141, %div3A_451 : vector<16xf32>
        %jit3A_1144 = arith.constant 0.000000e+00 : f32
        %broadcast_in_dim3A_1145 = vector.broadcast %jit3A_1144 : f32 to vector<16xf32>
        %select_n3A_1146 = arith.select %ge3A_1142, %mul3A_1143, %broadcast_in_dim3A_1145 : vector<16xi1>, vector<16xf32>
        %swap3A_1147 = arith.index_cast %add3A_1138 : i32 to index
        %swap3A_1148 = tpu.vector_load %arg6[%swap3A_1147] {strides = array<i32>} : memref<32768xf32, #tpu.memory_space<vmem>>, vector<16xf32>,
        %swap3A_1149 = vector.shape_cast %swap3A_1148 : vector<16xf32> to vector<16xf32>
        %swap3A_1150 = vector.shape_cast %select_n3A_1146 : vector<16xf32> to vector<16xf32>
        tpu.vector_store %arg6[%swap3A_1147], %swap3A_1150 {strides = array<i32>} : memref<32768xf32, #tpu.memory_space<vmem>>, vector<16xf32>,
        %add3A_1151 = arith.constant 240 : i32
        %add3A_1152 = arith.addi %mul3A_942, %add3A_1151 : i32
        %get3A_1153 = arith.index_cast %add3A_1152 : i32 to index
        %get3A_1154 = tpu.vector_load %arg4[%get3A_1153] {strides = array<i32>} : memref<32768xf32, #tpu.memory_space<vmem>>, vector<16xf32>,
        %get3A_1155 = vector.shape_cast %get3A_1154 : vector<16xf32> to vector<16xf32>
        %ge3A_1156 = arith.cmpf oge, %get3A_1155, %select_n3A_365 : vector<16xf32>
        %mul3A_1157 = arith.mulf %get3A_1155, %div3A_451 : vector<16xf32>
        %jit3A_1158 = arith.constant 0.000000e+00 : f32
        %broadcast_in_dim3A_1159 = vector.broadcast %jit3A_1158 : f32 to vector<16xf32>
        %select_n3A_1160 = arith.select %ge3A_1156, %mul3A_1157, %broadcast_in_dim3A_1159 : vector<16xi1>, vector<16xf32>
        %swap3A_1161 = arith.index_cast %add3A_1152 : i32 to index
        %swap3A_1162 = tpu.vector_load %arg6[%swap3A_1161] {strides = array<i32>} : memref<32768xf32, #tpu.memory_space<vmem>>, vector<16xf32>,
        %swap3A_1163 = vector.shape_cast %swap3A_1162 : vector<16xf32> to vector<16xf32>
        %swap3A_1164 = vector.shape_cast %select_n3A_1160 : vector<16xf32> to vector<16xf32>
        tpu.vector_store %arg6[%swap3A_1161], %swap3A_1164 {strides = array<i32>} : memref<32768xf32, #tpu.memory_space<vmem>>, vector<16xf32>,
      }
      %scan3A_462 = arith.constant 128 : i32
      %add3A_463 = arith.addi %mul3A_2, %add3A_33 : i32
      %dma_start3A_464 = arith.constant 0 : i32
      %dma_start3A_465 = tpu.memref_slice %arg3[%add3A_463, %dma_start3A_464] : memref<1024x32768xf32, #tpu.memory_space<hbm>> -> memref<1x32768xf32, #tpu.memory_space<hbm>>
      %dma_start3A_466 = tpu.memref_squeeze %dma_start3A_465 : memref<1x32768xf32, #tpu.memory_space<hbm>> -> memref<32768xf32, #tpu.memory_space<hbm>>
      %dma_start3A_467 = arith.constant 0 : i32
      %dma_start3A_468 = tpu.memref_slice %arg3[%add3A_463, %dma_start3A_467] : memref<1024x32768xf32, #tpu.memory_space<hbm>> -> memref<1x32768xf32, #tpu.memory_space<hbm>>
      %dma_start3A_469 = tpu.memref_squeeze %dma_start3A_468 : memref<1x32768xf32, #tpu.memory_space<hbm>> -> memref<32768xf32, #tpu.memory_space<hbm>>
      tpu.enqueue_dma source(%arg6 : memref<32768xf32, #tpu.memory_space<vmem>>) target(%dma_start3A_469 : memref<32768xf32, #tpu.memory_space<hbm>>) target_semaphore(%arg10 : memref<!tpu.dma_semaphore, #tpu.memory_space<semaphore_mem>>)
      %add3A_470 = arith.constant 2 : i32
      %add3A_471 = arith.addi %add3A_33, %add3A_470 : i32
      %lt3A_472 = arith.constant 32 : i32
      %lt3A_473 = arith.cmpi slt, %add3A_471, %lt3A_472 : i32
      %convert_element_type3A_474 = arith.extui %lt3A_473 : i1 to i32
      %cond3A_475 = arith.constant 0 : i32
      %cond3A_476 = arith.cmpi ne, %convert_element_type3A_474, %cond3A_475 : i32
      scf.if %cond3A_476 {
        %add3A_940 = arith.addi %mul3A_2, %add3A_33 : i32
        %add3A_941 = arith.constant 2 : i32
        %add3A_942 = arith.addi %add3A_940, %add3A_941 : i32
        %dma_start3A_943 = arith.constant 0 : i32
        %dma_start3A_944 = tpu.memref_slice %arg2[%add3A_942, %dma_start3A_943] : memref<1024x32768xf32, #tpu.memory_space<hbm>> -> memref<1x32768xf32, #tpu.memory_space<hbm>>
        %dma_start3A_945 = tpu.memref_squeeze %dma_start3A_944 : memref<1x32768xf32, #tpu.memory_space<hbm>> -> memref<32768xf32, #tpu.memory_space<hbm>>
        %dma_start3A_946 = arith.constant 0 : i32
        %dma_start3A_947 = tpu.memref_slice %arg2[%add3A_942, %dma_start3A_946] : memref<1024x32768xf32, #tpu.memory_space<hbm>> -> memref<1x32768xf32, #tpu.memory_space<hbm>>
        %dma_start3A_948 = tpu.memref_squeeze %dma_start3A_947 : memref<1x32768xf32, #tpu.memory_space<hbm>> -> memref<32768xf32, #tpu.memory_space<hbm>>
        tpu.enqueue_dma source(%dma_start3A_948 : memref<32768xf32, #tpu.memory_space<hbm>>) target(%arg4 : memref<32768xf32, #tpu.memory_space<vmem>>) target_semaphore(%arg8 : memref<!tpu.dma_semaphore, #tpu.memory_space<semaphore_mem>>)
      } else {
      }
      %mul3A_477 = arith.constant 2 : i32
      %mul3A_478 = arith.muli %mul3A_477, %scan3A_29 : i32
      %add3A_479 = arith.constant 1 : i32
      %add3A_480 = arith.addi %mul3A_478, %add3A_479 : i32
      %add3A_481 = arith.addi %mul3A_2, %add3A_480 : i32
      %dma_wait3A_482 = arith.constant 0 : i32
      %dma_wait3A_483 = tpu.memref_slice %arg2[%add3A_481, %dma_wait3A_482] : memref<1024x32768xf32, #tpu.memory_space<hbm>> -> memref<1x32768xf32, #tpu.memory_space<hbm>>
      %dma_wait3A_484 = tpu.memref_squeeze %dma_wait3A_483 : memref<1x32768xf32, #tpu.memory_space<hbm>> -> memref<32768xf32, #tpu.memory_space<hbm>>
      %dma_wait3A_485 = arith.constant 0 : i32
      %dma_wait3A_486 = tpu.memref_slice %arg2[%add3A_481, %dma_wait3A_485] : memref<1024x32768xf32, #tpu.memory_space<hbm>> -> memref<1x32768xf32, #tpu.memory_space<hbm>>
      %dma_wait3A_487 = tpu.memref_squeeze %dma_wait3A_486 : memref<1x32768xf32, #tpu.memory_space<hbm>> -> memref<32768xf32, #tpu.memory_space<hbm>>
      tpu.wait_dma2 semaphore(%arg9 : memref<!tpu.dma_semaphore, #tpu.memory_space<semaphore_mem>>) src(%dma_wait3A_487 : memref<32768xf32, #tpu.memory_space<hbm>>) dst(%arg5 : memref<32768xf32, #tpu.memory_space<vmem>>)
      %broadcast_in_dim3A_488 = arith.constant 0xFF800000 : f32
      %broadcast_in_dim3A_489 = vector.broadcast %broadcast_in_dim3A_488 : f32 to vector<16xf32>
      %scan3A_490 = arith.constant 0 : i32
      %scan3A_491 = arith.constant 128 : i32
      %scan3A_492 = arith.addi %scan3A_490, %scan3A_491 : i32
      %scan3A_493 = arith.constant 1 : i32
      %scan3A_494:12 = scf.for %scan3A_940 = %scan3A_490 to %scan3A_492 step %scan3A_493 iter_args(%scan3A_941 = %broadcast_in_dim3A_489, %scan3A_942 = %broadcast_in_dim3A_489, %scan3A_943 = %broadcast_in_dim3A_489, %scan3A_944 = %broadcast_in_dim3A_489, %scan3A_945 = %broadcast_in_dim3A_489, %scan3A_946 = %broadcast_in_dim3A_489, %scan3A_947 = %broadcast_in_dim3A_489, %scan3A_948 = %broadcast_in_dim3A_489, %scan3A_949 = %broadcast_in_dim3A_489, %scan3A_950 = %broadcast_in_dim3A_489, %scan3A_951 = %broadcast_in_dim3A_489, %scan3A_952 = %broadcast_in_dim3A_489) -> (vector<16xf32>, vector<16xf32>, vector<16xf32>, vector<16xf32>, vector<16xf32>, vector<16xf32>, vector<16xf32>, vector<16xf32>, vector<16xf32>, vector<16xf32>, vector<16xf32>, vector<16xf32>)  : i32 {
        %mul3A_953 = arith.constant 256 : i32
        %mul3A_954 = arith.muli %scan3A_940, %mul3A_953 : i32
        %add3A_955 = arith.constant 0 : i32
        %add3A_956 = arith.addi %mul3A_954, %add3A_955 : i32
        %get3A_957 = arith.index_cast %add3A_956 : i32 to index
        %get3A_958 = tpu.vector_load %arg5[%get3A_957] {strides = array<i32>} : memref<32768xf32, #tpu.memory_space<vmem>>, vector<16xf32>,
        %get3A_959 = vector.shape_cast %get3A_958 : vector<16xf32> to vector<16xf32>
        %max3A_960 = arith.maximumf %scan3A_941, %get3A_959 : vector<16xf32>
        %min3A = arith.minimumf %scan3A_941, %get3A_959 : vector<16xf32>
        %max3A_961 = arith.maximumf %scan3A_942, %min3A : vector<16xf32>
        %min3A_962 = arith.minimumf %scan3A_942, %min3A : vector<16xf32>
        %max3A_963 = arith.maximumf %scan3A_943, %min3A_962 : vector<16xf32>
        %add3A_964 = arith.constant 16 : i32
        %add3A_965 = arith.addi %mul3A_954, %add3A_964 : i32
        %get3A_966 = arith.index_cast %add3A_965 : i32 to index
        %get3A_967 = tpu.vector_load %arg5[%get3A_966] {strides = array<i32>} : memref<32768xf32, #tpu.memory_space<vmem>>, vector<16xf32>,
        %get3A_968 = vector.shape_cast %get3A_967 : vector<16xf32> to vector<16xf32>
        %max3A_969 = arith.maximumf %scan3A_944, %get3A_968 : vector<16xf32>
        %min3A_970 = arith.minimumf %scan3A_944, %get3A_968 : vector<16xf32>
        %max3A_971 = arith.maximumf %scan3A_945, %min3A_970 : vector<16xf32>
        %min3A_972 = arith.minimumf %scan3A_945, %min3A_970 : vector<16xf32>
        %max3A_973 = arith.maximumf %scan3A_946, %min3A_972 : vector<16xf32>
        %add3A_974 = arith.constant 32 : i32
        %add3A_975 = arith.addi %mul3A_954, %add3A_974 : i32
        %get3A_976 = arith.index_cast %add3A_975 : i32 to index
        %get3A_977 = tpu.vector_load %arg5[%get3A_976] {strides = array<i32>} : memref<32768xf32, #tpu.memory_space<vmem>>, vector<16xf32>,
        %get3A_978 = vector.shape_cast %get3A_977 : vector<16xf32> to vector<16xf32>
        %max3A_979 = arith.maximumf %scan3A_947, %get3A_978 : vector<16xf32>
        %min3A_980 = arith.minimumf %scan3A_947, %get3A_978 : vector<16xf32>
        %max3A_981 = arith.maximumf %scan3A_948, %min3A_980 : vector<16xf32>
        %min3A_982 = arith.minimumf %scan3A_948, %min3A_980 : vector<16xf32>
        %max3A_983 = arith.maximumf %scan3A_949, %min3A_982 : vector<16xf32>
        %add3A_984 = arith.constant 48 : i32
        %add3A_985 = arith.addi %mul3A_954, %add3A_984 : i32
        %get3A_986 = arith.index_cast %add3A_985 : i32 to index
        %get3A_987 = tpu.vector_load %arg5[%get3A_986] {strides = array<i32>} : memref<32768xf32, #tpu.memory_space<vmem>>, vector<16xf32>,
        %get3A_988 = vector.shape_cast %get3A_987 : vector<16xf32> to vector<16xf32>
        %max3A_989 = arith.maximumf %scan3A_950, %get3A_988 : vector<16xf32>
        %min3A_990 = arith.minimumf %scan3A_950, %get3A_988 : vector<16xf32>
        %max3A_991 = arith.maximumf %scan3A_951, %min3A_990 : vector<16xf32>
        %min3A_992 = arith.minimumf %scan3A_951, %min3A_990 : vector<16xf32>
        %max3A_993 = arith.maximumf %scan3A_952, %min3A_992 : vector<16xf32>
        %add3A_994 = arith.constant 64 : i32
        %add3A_995 = arith.addi %mul3A_954, %add3A_994 : i32
        %get3A_996 = arith.index_cast %add3A_995 : i32 to index
        %get3A_997 = tpu.vector_load %arg5[%get3A_996] {strides = array<i32>} : memref<32768xf32, #tpu.memory_space<vmem>>, vector<16xf32>,
        %get3A_998 = vector.shape_cast %get3A_997 : vector<16xf32> to vector<16xf32>
        %max3A_999 = arith.maximumf %max3A_960, %get3A_998 : vector<16xf32>
        %min3A_1000 = arith.minimumf %max3A_960, %get3A_998 : vector<16xf32>
        %max3A_1001 = arith.maximumf %max3A_961, %min3A_1000 : vector<16xf32>
        %min3A_1002 = arith.minimumf %max3A_961, %min3A_1000 : vector<16xf32>
        %max3A_1003 = arith.maximumf %max3A_963, %min3A_1002 : vector<16xf32>
        %add3A_1004 = arith.constant 80 : i32
        %add3A_1005 = arith.addi %mul3A_954, %add3A_1004 : i32
        %get3A_1006 = arith.index_cast %add3A_1005 : i32 to index
        %get3A_1007 = tpu.vector_load %arg5[%get3A_1006] {strides = array<i32>} : memref<32768xf32, #tpu.memory_space<vmem>>, vector<16xf32>,
        %get3A_1008 = vector.shape_cast %get3A_1007 : vector<16xf32> to vector<16xf32>
        %max3A_1009 = arith.maximumf %max3A_969, %get3A_1008 : vector<16xf32>
        %min3A_1010 = arith.minimumf %max3A_969, %get3A_1008 : vector<16xf32>
        %max3A_1011 = arith.maximumf %max3A_971, %min3A_1010 : vector<16xf32>
        %min3A_1012 = arith.minimumf %max3A_971, %min3A_1010 : vector<16xf32>
        %max3A_1013 = arith.maximumf %max3A_973, %min3A_1012 : vector<16xf32>
        %add3A_1014 = arith.constant 96 : i32
        %add3A_1015 = arith.addi %mul3A_954, %add3A_1014 : i32
        %get3A_1016 = arith.index_cast %add3A_1015 : i32 to index
        %get3A_1017 = tpu.vector_load %arg5[%get3A_1016] {strides = array<i32>} : memref<32768xf32, #tpu.memory_space<vmem>>, vector<16xf32>,
        %get3A_1018 = vector.shape_cast %get3A_1017 : vector<16xf32> to vector<16xf32>
        %max3A_1019 = arith.maximumf %max3A_979, %get3A_1018 : vector<16xf32>
        %min3A_1020 = arith.minimumf %max3A_979, %get3A_1018 : vector<16xf32>
        %max3A_1021 = arith.maximumf %max3A_981, %min3A_1020 : vector<16xf32>
        %min3A_1022 = arith.minimumf %max3A_981, %min3A_1020 : vector<16xf32>
        %max3A_1023 = arith.maximumf %max3A_983, %min3A_1022 : vector<16xf32>
        %add3A_1024 = arith.constant 112 : i32
        %add3A_1025 = arith.addi %mul3A_954, %add3A_1024 : i32
        %get3A_1026 = arith.index_cast %add3A_1025 : i32 to index
        %get3A_1027 = tpu.vector_load %arg5[%get3A_1026] {strides = array<i32>} : memref<32768xf32, #tpu.memory_space<vmem>>, vector<16xf32>,
        %get3A_1028 = vector.shape_cast %get3A_1027 : vector<16xf32> to vector<16xf32>
        %max3A_1029 = arith.maximumf %max3A_989, %get3A_1028 : vector<16xf32>
        %min3A_1030 = arith.minimumf %max3A_989, %get3A_1028 : vector<16xf32>
        %max3A_1031 = arith.maximumf %max3A_991, %min3A_1030 : vector<16xf32>
        %min3A_1032 = arith.minimumf %max3A_991, %min3A_1030 : vector<16xf32>
        %max3A_1033 = arith.maximumf %max3A_993, %min3A_1032 : vector<16xf32>
        %add3A_1034 = arith.constant 128 : i32
        %add3A_1035 = arith.addi %mul3A_954, %add3A_1034 : i32
        %get3A_1036 = arith.index_cast %add3A_1035 : i32 to index
        %get3A_1037 = tpu.vector_load %arg5[%get3A_1036] {strides = array<i32>} : memref<32768xf32, #tpu.memory_space<vmem>>, vector<16xf32>,
        %get3A_1038 = vector.shape_cast %get3A_1037 : vector<16xf32> to vector<16xf32>
        %max3A_1039 = arith.maximumf %max3A_999, %get3A_1038 : vector<16xf32>
        %min3A_1040 = arith.minimumf %max3A_999, %get3A_1038 : vector<16xf32>
        %max3A_1041 = arith.maximumf %max3A_1001, %min3A_1040 : vector<16xf32>
        %min3A_1042 = arith.minimumf %max3A_1001, %min3A_1040 : vector<16xf32>
        %max3A_1043 = arith.maximumf %max3A_1003, %min3A_1042 : vector<16xf32>
        %add3A_1044 = arith.constant 144 : i32
        %add3A_1045 = arith.addi %mul3A_954, %add3A_1044 : i32
        %get3A_1046 = arith.index_cast %add3A_1045 : i32 to index
        %get3A_1047 = tpu.vector_load %arg5[%get3A_1046] {strides = array<i32>} : memref<32768xf32, #tpu.memory_space<vmem>>, vector<16xf32>,
        %get3A_1048 = vector.shape_cast %get3A_1047 : vector<16xf32> to vector<16xf32>
        %max3A_1049 = arith.maximumf %max3A_1009, %get3A_1048 : vector<16xf32>
        %min3A_1050 = arith.minimumf %max3A_1009, %get3A_1048 : vector<16xf32>
        %max3A_1051 = arith.maximumf %max3A_1011, %min3A_1050 : vector<16xf32>
        %min3A_1052 = arith.minimumf %max3A_1011, %min3A_1050 : vector<16xf32>
        %max3A_1053 = arith.maximumf %max3A_1013, %min3A_1052 : vector<16xf32>
        %add3A_1054 = arith.constant 160 : i32
        %add3A_1055 = arith.addi %mul3A_954, %add3A_1054 : i32
        %get3A_1056 = arith.index_cast %add3A_1055 : i32 to index
        %get3A_1057 = tpu.vector_load %arg5[%get3A_1056] {strides = array<i32>} : memref<32768xf32, #tpu.memory_space<vmem>>, vector<16xf32>,
        %get3A_1058 = vector.shape_cast %get3A_1057 : vector<16xf32> to vector<16xf32>
        %max3A_1059 = arith.maximumf %max3A_1019, %get3A_1058 : vector<16xf32>
        %min3A_1060 = arith.minimumf %max3A_1019, %get3A_1058 : vector<16xf32>
        %max3A_1061 = arith.maximumf %max3A_1021, %min3A_1060 : vector<16xf32>
        %min3A_1062 = arith.minimumf %max3A_1021, %min3A_1060 : vector<16xf32>
        %max3A_1063 = arith.maximumf %max3A_1023, %min3A_1062 : vector<16xf32>
        %add3A_1064 = arith.constant 176 : i32
        %add3A_1065 = arith.addi %mul3A_954, %add3A_1064 : i32
        %get3A_1066 = arith.index_cast %add3A_1065 : i32 to index
        %get3A_1067 = tpu.vector_load %arg5[%get3A_1066] {strides = array<i32>} : memref<32768xf32, #tpu.memory_space<vmem>>, vector<16xf32>,
        %get3A_1068 = vector.shape_cast %get3A_1067 : vector<16xf32> to vector<16xf32>
        %max3A_1069 = arith.maximumf %max3A_1029, %get3A_1068 : vector<16xf32>
        %min3A_1070 = arith.minimumf %max3A_1029, %get3A_1068 : vector<16xf32>
        %max3A_1071 = arith.maximumf %max3A_1031, %min3A_1070 : vector<16xf32>
        %min3A_1072 = arith.minimumf %max3A_1031, %min3A_1070 : vector<16xf32>
        %max3A_1073 = arith.maximumf %max3A_1033, %min3A_1072 : vector<16xf32>
        %add3A_1074 = arith.constant 192 : i32
        %add3A_1075 = arith.addi %mul3A_954, %add3A_1074 : i32
        %get3A_1076 = arith.index_cast %add3A_1075 : i32 to index
        %get3A_1077 = tpu.vector_load %arg5[%get3A_1076] {strides = array<i32>} : memref<32768xf32, #tpu.memory_space<vmem>>, vector<16xf32>,
        %get3A_1078 = vector.shape_cast %get3A_1077 : vector<16xf32> to vector<16xf32>
        %max3A_1079 = arith.maximumf %max3A_1039, %get3A_1078 : vector<16xf32>
        %min3A_1080 = arith.minimumf %max3A_1039, %get3A_1078 : vector<16xf32>
        %max3A_1081 = arith.maximumf %max3A_1041, %min3A_1080 : vector<16xf32>
        %min3A_1082 = arith.minimumf %max3A_1041, %min3A_1080 : vector<16xf32>
        %max3A_1083 = arith.maximumf %max3A_1043, %min3A_1082 : vector<16xf32>
        %add3A_1084 = arith.constant 208 : i32
        %add3A_1085 = arith.addi %mul3A_954, %add3A_1084 : i32
        %get3A_1086 = arith.index_cast %add3A_1085 : i32 to index
        %get3A_1087 = tpu.vector_load %arg5[%get3A_1086] {strides = array<i32>} : memref<32768xf32, #tpu.memory_space<vmem>>, vector<16xf32>,
        %get3A_1088 = vector.shape_cast %get3A_1087 : vector<16xf32> to vector<16xf32>
        %max3A_1089 = arith.maximumf %max3A_1049, %get3A_1088 : vector<16xf32>
        %min3A_1090 = arith.minimumf %max3A_1049, %get3A_1088 : vector<16xf32>
        %max3A_1091 = arith.maximumf %max3A_1051, %min3A_1090 : vector<16xf32>
        %min3A_1092 = arith.minimumf %max3A_1051, %min3A_1090 : vector<16xf32>
        %max3A_1093 = arith.maximumf %max3A_1053, %min3A_1092 : vector<16xf32>
        %add3A_1094 = arith.constant 224 : i32
        %add3A_1095 = arith.addi %mul3A_954, %add3A_1094 : i32
        %get3A_1096 = arith.index_cast %add3A_1095 : i32 to index
        %get3A_1097 = tpu.vector_load %arg5[%get3A_1096] {strides = array<i32>} : memref<32768xf32, #tpu.memory_space<vmem>>, vector<16xf32>,
        %get3A_1098 = vector.shape_cast %get3A_1097 : vector<16xf32> to vector<16xf32>
        %max3A_1099 = arith.maximumf %max3A_1059, %get3A_1098 : vector<16xf32>
        %min3A_1100 = arith.minimumf %max3A_1059, %get3A_1098 : vector<16xf32>
        %max3A_1101 = arith.maximumf %max3A_1061, %min3A_1100 : vector<16xf32>
        %min3A_1102 = arith.minimumf %max3A_1061, %min3A_1100 : vector<16xf32>
        %max3A_1103 = arith.maximumf %max3A_1063, %min3A_1102 : vector<16xf32>
        %add3A_1104 = arith.constant 240 : i32
        %add3A_1105 = arith.addi %mul3A_954, %add3A_1104 : i32
        %get3A_1106 = arith.index_cast %add3A_1105 : i32 to index
        %get3A_1107 = tpu.vector_load %arg5[%get3A_1106] {strides = array<i32>} : memref<32768xf32, #tpu.memory_space<vmem>>, vector<16xf32>,
        %get3A_1108 = vector.shape_cast %get3A_1107 : vector<16xf32> to vector<16xf32>
        %max3A_1109 = arith.maximumf %max3A_1069, %get3A_1108 : vector<16xf32>
        %min3A_1110 = arith.minimumf %max3A_1069, %get3A_1108 : vector<16xf32>
        %max3A_1111 = arith.maximumf %max3A_1071, %min3A_1110 : vector<16xf32>
        %min3A_1112 = arith.minimumf %max3A_1071, %min3A_1110 : vector<16xf32>
        %max3A_1113 = arith.maximumf %max3A_1073, %min3A_1112 : vector<16xf32>
        scf.yield %max3A_1079, %max3A_1081, %max3A_1083, %max3A_1089, %max3A_1091, %max3A_1093, %max3A_1099, %max3A_1101, %max3A_1103, %max3A_1109, %max3A_1111, %max3A_1113 : vector<16xf32>, vector<16xf32>, vector<16xf32>, vector<16xf32>, vector<16xf32>, vector<16xf32>, vector<16xf32>, vector<16xf32>, vector<16xf32>, vector<16xf32>, vector<16xf32>, vector<16xf32>
      }
      %scan3A_495 = arith.constant 128 : i32
      %max3A_496 = arith.maximumf %scan3A_494#0, %scan3A_494#1 : vector<16xf32>
      %max3A_497 = arith.maximumf %max3A_496, %scan3A_494#2 : vector<16xf32>
      %max3A_498 = arith.maximumf %max3A_497, %scan3A_494#3 : vector<16xf32>
      %max3A_499 = arith.maximumf %max3A_498, %scan3A_494#4 : vector<16xf32>
      %max3A_500 = arith.maximumf %max3A_499, %scan3A_494#5 : vector<16xf32>
      %max3A_501 = arith.maximumf %max3A_500, %scan3A_494#6 : vector<16xf32>
      %max3A_502 = arith.maximumf %max3A_501, %scan3A_494#7 : vector<16xf32>
      %max3A_503 = arith.maximumf %max3A_502, %scan3A_494#8 : vector<16xf32>
      %max3A_504 = arith.maximumf %max3A_503, %scan3A_494#9 : vector<16xf32>
      %max3A_505 = arith.maximumf %max3A_504, %scan3A_494#10 : vector<16xf32>
      %max3A_506 = arith.maximumf %max3A_505, %scan3A_494#11 : vector<16xf32>
      %iota3A_507 = tpu.iota {dimensions = array<i32: 0>} : vector<16xi32>
      %xor3A_508 = arith.constant 8 : i32
      %xor3A_509 = vector.broadcast %xor3A_508 : i32 to vector<16xi32>
      %xor3A_510 = arith.xori %iota3A_507, %xor3A_509 : vector<16xi32>
      %broadcast_in_dim3A_511 = vector.shape_cast %xor3A_510 : vector<16xi32> to vector<16x1xi32>
      %gather3A_512 = vector.shape_cast %broadcast_in_dim3A_511 : vector<16x1xi32> to vector<16xi32>
      %gather3A_513 = tpu.dynamic_gather %max3A_506[%gather3A_512] in [0] : vector<16xf32>, vector<16xi32> -> vector<16xf32>
      %max3A_514 = arith.maximumf %max3A_506, %gather3A_513 : vector<16xf32>
      %iota3A_515 = tpu.iota {dimensions = array<i32: 0>} : vector<16xi32>
      %xor3A_516 = arith.constant 4 : i32
      %xor3A_517 = vector.broadcast %xor3A_516 : i32 to vector<16xi32>
      %xor3A_518 = arith.xori %iota3A_515, %xor3A_517 : vector<16xi32>
      %broadcast_in_dim3A_519 = vector.shape_cast %xor3A_518 : vector<16xi32> to vector<16x1xi32>
      %gather3A_520 = vector.shape_cast %broadcast_in_dim3A_519 : vector<16x1xi32> to vector<16xi32>
      %gather3A_521 = tpu.dynamic_gather %max3A_514[%gather3A_520] in [0] : vector<16xf32>, vector<16xi32> -> vector<16xf32>
      %max3A_522 = arith.maximumf %max3A_514, %gather3A_521 : vector<16xf32>
      %iota3A_523 = tpu.iota {dimensions = array<i32: 0>} : vector<16xi32>
      %xor3A_524 = arith.constant 2 : i32
      %xor3A_525 = vector.broadcast %xor3A_524 : i32 to vector<16xi32>
      %xor3A_526 = arith.xori %iota3A_523, %xor3A_525 : vector<16xi32>
      %broadcast_in_dim3A_527 = vector.shape_cast %xor3A_526 : vector<16xi32> to vector<16x1xi32>
      %gather3A_528 = vector.shape_cast %broadcast_in_dim3A_527 : vector<16x1xi32> to vector<16xi32>
      %gather3A_529 = tpu.dynamic_gather %max3A_522[%gather3A_528] in [0] : vector<16xf32>, vector<16xi32> -> vector<16xf32>
      %max3A_530 = arith.maximumf %max3A_522, %gather3A_529 : vector<16xf32>
      %iota3A_531 = tpu.iota {dimensions = array<i32: 0>} : vector<16xi32>
      %xor3A_532 = arith.constant 1 : i32
      %xor3A_533 = vector.broadcast %xor3A_532 : i32 to vector<16xi32>
      %xor3A_534 = arith.xori %iota3A_531, %xor3A_533 : vector<16xi32>
      %broadcast_in_dim3A_535 = vector.shape_cast %xor3A_534 : vector<16xi32> to vector<16x1xi32>
      %gather3A_536 = vector.shape_cast %broadcast_in_dim3A_535 : vector<16x1xi32> to vector<16xi32>
      %gather3A_537 = tpu.dynamic_gather %max3A_530[%gather3A_536] in [0] : vector<16xf32>, vector<16xi32> -> vector<16xf32>
      %max3A_538 = arith.maximumf %max3A_530, %gather3A_537 : vector<16xf32>
      %broadcast_in_dim3A_539 = arith.constant 1.000000e+00 : f32
      %broadcast_in_dim3A_540 = vector.broadcast %broadcast_in_dim3A_539 : f32 to vector<16xf32>
      %broadcast_in_dim3A_541 = arith.constant 0.000000e+00 : f32
      %broadcast_in_dim3A_542 = vector.broadcast %broadcast_in_dim3A_541 : f32 to vector<16xf32>
      %eq3A_543 = arith.cmpf oeq, %scan3A_494#0, %max3A_538 : vector<16xf32>
      %select_n3A_544 = arith.select %eq3A_543, %broadcast_in_dim3A_540, %broadcast_in_dim3A_542 : vector<16xi1>, vector<16xf32>
      %eq3A_545 = arith.cmpf oeq, %scan3A_494#1, %max3A_538 : vector<16xf32>
      %select_n3A_546 = arith.select %eq3A_545, %broadcast_in_dim3A_540, %broadcast_in_dim3A_542 : vector<16xi1>, vector<16xf32>
      %add3A_547 = arith.addf %select_n3A_544, %select_n3A_546 : vector<16xf32>
      %eq3A_548 = arith.cmpf oeq, %scan3A_494#2, %max3A_538 : vector<16xf32>
      %select_n3A_549 = arith.select %eq3A_548, %broadcast_in_dim3A_540, %broadcast_in_dim3A_542 : vector<16xi1>, vector<16xf32>
      %add3A_550 = arith.addf %add3A_547, %select_n3A_549 : vector<16xf32>
      %eq3A_551 = arith.cmpf oeq, %scan3A_494#3, %max3A_538 : vector<16xf32>
      %select_n3A_552 = arith.select %eq3A_551, %broadcast_in_dim3A_540, %broadcast_in_dim3A_542 : vector<16xi1>, vector<16xf32>
      %add3A_553 = arith.addf %add3A_550, %select_n3A_552 : vector<16xf32>
      %eq3A_554 = arith.cmpf oeq, %scan3A_494#4, %max3A_538 : vector<16xf32>
      %select_n3A_555 = arith.select %eq3A_554, %broadcast_in_dim3A_540, %broadcast_in_dim3A_542 : vector<16xi1>, vector<16xf32>
      %add3A_556 = arith.addf %add3A_553, %select_n3A_555 : vector<16xf32>
      %eq3A_557 = arith.cmpf oeq, %scan3A_494#5, %max3A_538 : vector<16xf32>
      %select_n3A_558 = arith.select %eq3A_557, %broadcast_in_dim3A_540, %broadcast_in_dim3A_542 : vector<16xi1>, vector<16xf32>
      %add3A_559 = arith.addf %add3A_556, %select_n3A_558 : vector<16xf32>
      %eq3A_560 = arith.cmpf oeq, %scan3A_494#6, %max3A_538 : vector<16xf32>
      %select_n3A_561 = arith.select %eq3A_560, %broadcast_in_dim3A_540, %broadcast_in_dim3A_542 : vector<16xi1>, vector<16xf32>
      %add3A_562 = arith.addf %add3A_559, %select_n3A_561 : vector<16xf32>
      %eq3A_563 = arith.cmpf oeq, %scan3A_494#7, %max3A_538 : vector<16xf32>
      %select_n3A_564 = arith.select %eq3A_563, %broadcast_in_dim3A_540, %broadcast_in_dim3A_542 : vector<16xi1>, vector<16xf32>
      %add3A_565 = arith.addf %add3A_562, %select_n3A_564 : vector<16xf32>
      %eq3A_566 = arith.cmpf oeq, %scan3A_494#8, %max3A_538 : vector<16xf32>
      %select_n3A_567 = arith.select %eq3A_566, %broadcast_in_dim3A_540, %broadcast_in_dim3A_542 : vector<16xi1>, vector<16xf32>
      %add3A_568 = arith.addf %add3A_565, %select_n3A_567 : vector<16xf32>
      %eq3A_569 = arith.cmpf oeq, %scan3A_494#9, %max3A_538 : vector<16xf32>
      %select_n3A_570 = arith.select %eq3A_569, %broadcast_in_dim3A_540, %broadcast_in_dim3A_542 : vector<16xi1>, vector<16xf32>
      %add3A_571 = arith.addf %add3A_568, %select_n3A_570 : vector<16xf32>
      %eq3A_572 = arith.cmpf oeq, %scan3A_494#10, %max3A_538 : vector<16xf32>
      %select_n3A_573 = arith.select %eq3A_572, %broadcast_in_dim3A_540, %broadcast_in_dim3A_542 : vector<16xi1>, vector<16xf32>
      %add3A_574 = arith.addf %add3A_571, %select_n3A_573 : vector<16xf32>
      %eq3A_575 = arith.cmpf oeq, %scan3A_494#11, %max3A_538 : vector<16xf32>
      %select_n3A_576 = arith.select %eq3A_575, %broadcast_in_dim3A_540, %broadcast_in_dim3A_542 : vector<16xi1>, vector<16xf32>
      %add3A_577 = arith.addf %add3A_574, %select_n3A_576 : vector<16xf32>
      %iota3A_578 = tpu.iota {dimensions = array<i32: 0>} : vector<16xi32>
      %xor3A_579 = arith.constant 8 : i32
      %xor3A_580 = vector.broadcast %xor3A_579 : i32 to vector<16xi32>
      %xor3A_581 = arith.xori %iota3A_578, %xor3A_580 : vector<16xi32>
      %broadcast_in_dim3A_582 = vector.shape_cast %xor3A_581 : vector<16xi32> to vector<16x1xi32>
      %gather3A_583 = vector.shape_cast %broadcast_in_dim3A_582 : vector<16x1xi32> to vector<16xi32>
      %gather3A_584 = tpu.dynamic_gather %add3A_577[%gather3A_583] in [0] : vector<16xf32>, vector<16xi32> -> vector<16xf32>
      %add3A_585 = arith.addf %add3A_577, %gather3A_584 : vector<16xf32>
      %iota3A_586 = tpu.iota {dimensions = array<i32: 0>} : vector<16xi32>
      %xor3A_587 = arith.constant 4 : i32
      %xor3A_588 = vector.broadcast %xor3A_587 : i32 to vector<16xi32>
      %xor3A_589 = arith.xori %iota3A_586, %xor3A_588 : vector<16xi32>
      %broadcast_in_dim3A_590 = vector.shape_cast %xor3A_589 : vector<16xi32> to vector<16x1xi32>
      %gather3A_591 = vector.shape_cast %broadcast_in_dim3A_590 : vector<16x1xi32> to vector<16xi32>
      %gather3A_592 = tpu.dynamic_gather %add3A_585[%gather3A_591] in [0] : vector<16xf32>, vector<16xi32> -> vector<16xf32>
      %add3A_593 = arith.addf %add3A_585, %gather3A_592 : vector<16xf32>
      %iota3A_594 = tpu.iota {dimensions = array<i32: 0>} : vector<16xi32>
      %xor3A_595 = arith.constant 2 : i32
      %xor3A_596 = vector.broadcast %xor3A_595 : i32 to vector<16xi32>
      %xor3A_597 = arith.xori %iota3A_594, %xor3A_596 : vector<16xi32>
      %broadcast_in_dim3A_598 = vector.shape_cast %xor3A_597 : vector<16xi32> to vector<16x1xi32>
      %gather3A_599 = vector.shape_cast %broadcast_in_dim3A_598 : vector<16x1xi32> to vector<16xi32>
      %gather3A_600 = tpu.dynamic_gather %add3A_593[%gather3A_599] in [0] : vector<16xf32>, vector<16xi32> -> vector<16xf32>
      %add3A_601 = arith.addf %add3A_593, %gather3A_600 : vector<16xf32>
      %iota3A_602 = tpu.iota {dimensions = array<i32: 0>} : vector<16xi32>
      %xor3A_603 = arith.constant 1 : i32
      %xor3A_604 = vector.broadcast %xor3A_603 : i32 to vector<16xi32>
      %xor3A_605 = arith.xori %iota3A_602, %xor3A_604 : vector<16xi32>
      %broadcast_in_dim3A_606 = vector.shape_cast %xor3A_605 : vector<16xi32> to vector<16x1xi32>
      %gather3A_607 = vector.shape_cast %broadcast_in_dim3A_606 : vector<16x1xi32> to vector<16xi32>
      %gather3A_608 = tpu.dynamic_gather %add3A_601[%gather3A_607] in [0] : vector<16xf32>, vector<16xi32> -> vector<16xf32>
      %add3A_609 = arith.addf %add3A_601, %gather3A_608 : vector<16xf32>
      %lt3A_610 = arith.cmpf olt, %scan3A_494#0, %max3A_538 : vector<16xf32>
      %select_n3A_611 = arith.select %lt3A_610, %scan3A_494#0, %broadcast_in_dim3A_489 : vector<16xi1>, vector<16xf32>
      %lt3A_612 = arith.cmpf olt, %scan3A_494#1, %max3A_538 : vector<16xf32>
      %select_n3A_613 = arith.select %lt3A_612, %scan3A_494#1, %broadcast_in_dim3A_489 : vector<16xi1>, vector<16xf32>
      %lt3A_614 = arith.cmpf olt, %scan3A_494#2, %max3A_538 : vector<16xf32>
      %select_n3A_615 = arith.select %lt3A_614, %scan3A_494#2, %broadcast_in_dim3A_489 : vector<16xi1>, vector<16xf32>
      %lt3A_616 = arith.cmpf olt, %scan3A_494#3, %max3A_538 : vector<16xf32>
      %select_n3A_617 = arith.select %lt3A_616, %scan3A_494#3, %broadcast_in_dim3A_489 : vector<16xi1>, vector<16xf32>
      %lt3A_618 = arith.cmpf olt, %scan3A_494#4, %max3A_538 : vector<16xf32>
      %select_n3A_619 = arith.select %lt3A_618, %scan3A_494#4, %broadcast_in_dim3A_489 : vector<16xi1>, vector<16xf32>
      %lt3A_620 = arith.cmpf olt, %scan3A_494#5, %max3A_538 : vector<16xf32>
      %select_n3A_621 = arith.select %lt3A_620, %scan3A_494#5, %broadcast_in_dim3A_489 : vector<16xi1>, vector<16xf32>
      %lt3A_622 = arith.cmpf olt, %scan3A_494#6, %max3A_538 : vector<16xf32>
      %select_n3A_623 = arith.select %lt3A_622, %scan3A_494#6, %broadcast_in_dim3A_489 : vector<16xi1>, vector<16xf32>
      %lt3A_624 = arith.cmpf olt, %scan3A_494#7, %max3A_538 : vector<16xf32>
      %select_n3A_625 = arith.select %lt3A_624, %scan3A_494#7, %broadcast_in_dim3A_489 : vector<16xi1>, vector<16xf32>
      %lt3A_626 = arith.cmpf olt, %scan3A_494#8, %max3A_538 : vector<16xf32>
      %select_n3A_627 = arith.select %lt3A_626, %scan3A_494#8, %broadcast_in_dim3A_489 : vector<16xi1>, vector<16xf32>
      %lt3A_628 = arith.cmpf olt, %scan3A_494#9, %max3A_538 : vector<16xf32>
      %select_n3A_629 = arith.select %lt3A_628, %scan3A_494#9, %broadcast_in_dim3A_489 : vector<16xi1>, vector<16xf32>
      %lt3A_630 = arith.cmpf olt, %scan3A_494#10, %max3A_538 : vector<16xf32>
      %select_n3A_631 = arith.select %lt3A_630, %scan3A_494#10, %broadcast_in_dim3A_489 : vector<16xi1>, vector<16xf32>
      %lt3A_632 = arith.cmpf olt, %scan3A_494#11, %max3A_538 : vector<16xf32>
      %select_n3A_633 = arith.select %lt3A_632, %scan3A_494#11, %broadcast_in_dim3A_489 : vector<16xi1>, vector<16xf32>
      %max3A_634 = arith.maximumf %select_n3A_611, %select_n3A_613 : vector<16xf32>
      %max3A_635 = arith.maximumf %max3A_634, %select_n3A_615 : vector<16xf32>
      %max3A_636 = arith.maximumf %max3A_635, %select_n3A_617 : vector<16xf32>
      %max3A_637 = arith.maximumf %max3A_636, %select_n3A_619 : vector<16xf32>
      %max3A_638 = arith.maximumf %max3A_637, %select_n3A_621 : vector<16xf32>
      %max3A_639 = arith.maximumf %max3A_638, %select_n3A_623 : vector<16xf32>
      %max3A_640 = arith.maximumf %max3A_639, %select_n3A_625 : vector<16xf32>
      %max3A_641 = arith.maximumf %max3A_640, %select_n3A_627 : vector<16xf32>
      %max3A_642 = arith.maximumf %max3A_641, %select_n3A_629 : vector<16xf32>
      %max3A_643 = arith.maximumf %max3A_642, %select_n3A_631 : vector<16xf32>
      %max3A_644 = arith.maximumf %max3A_643, %select_n3A_633 : vector<16xf32>
      %iota3A_645 = tpu.iota {dimensions = array<i32: 0>} : vector<16xi32>
      %xor3A_646 = arith.constant 8 : i32
      %xor3A_647 = vector.broadcast %xor3A_646 : i32 to vector<16xi32>
      %xor3A_648 = arith.xori %iota3A_645, %xor3A_647 : vector<16xi32>
      %broadcast_in_dim3A_649 = vector.shape_cast %xor3A_648 : vector<16xi32> to vector<16x1xi32>
      %gather3A_650 = vector.shape_cast %broadcast_in_dim3A_649 : vector<16x1xi32> to vector<16xi32>
      %gather3A_651 = tpu.dynamic_gather %max3A_644[%gather3A_650] in [0] : vector<16xf32>, vector<16xi32> -> vector<16xf32>
      %max3A_652 = arith.maximumf %max3A_644, %gather3A_651 : vector<16xf32>
      %iota3A_653 = tpu.iota {dimensions = array<i32: 0>} : vector<16xi32>
      %xor3A_654 = arith.constant 4 : i32
      %xor3A_655 = vector.broadcast %xor3A_654 : i32 to vector<16xi32>
      %xor3A_656 = arith.xori %iota3A_653, %xor3A_655 : vector<16xi32>
      %broadcast_in_dim3A_657 = vector.shape_cast %xor3A_656 : vector<16xi32> to vector<16x1xi32>
      %gather3A_658 = vector.shape_cast %broadcast_in_dim3A_657 : vector<16x1xi32> to vector<16xi32>
      %gather3A_659 = tpu.dynamic_gather %max3A_652[%gather3A_658] in [0] : vector<16xf32>, vector<16xi32> -> vector<16xf32>
      %max3A_660 = arith.maximumf %max3A_652, %gather3A_659 : vector<16xf32>
      %iota3A_661 = tpu.iota {dimensions = array<i32: 0>} : vector<16xi32>
      %xor3A_662 = arith.constant 2 : i32
      %xor3A_663 = vector.broadcast %xor3A_662 : i32 to vector<16xi32>
      %xor3A_664 = arith.xori %iota3A_661, %xor3A_663 : vector<16xi32>
      %broadcast_in_dim3A_665 = vector.shape_cast %xor3A_664 : vector<16xi32> to vector<16x1xi32>
      %gather3A_666 = vector.shape_cast %broadcast_in_dim3A_665 : vector<16x1xi32> to vector<16xi32>
      %gather3A_667 = tpu.dynamic_gather %max3A_660[%gather3A_666] in [0] : vector<16xf32>, vector<16xi32> -> vector<16xf32>
      %max3A_668 = arith.maximumf %max3A_660, %gather3A_667 : vector<16xf32>
      %iota3A_669 = tpu.iota {dimensions = array<i32: 0>} : vector<16xi32>
      %xor3A_670 = arith.constant 1 : i32
      %xor3A_671 = vector.broadcast %xor3A_670 : i32 to vector<16xi32>
      %xor3A_672 = arith.xori %iota3A_669, %xor3A_671 : vector<16xi32>
      %broadcast_in_dim3A_673 = vector.shape_cast %xor3A_672 : vector<16xi32> to vector<16x1xi32>
      %gather3A_674 = vector.shape_cast %broadcast_in_dim3A_673 : vector<16x1xi32> to vector<16xi32>
      %gather3A_675 = tpu.dynamic_gather %max3A_668[%gather3A_674] in [0] : vector<16xf32>, vector<16xi32> -> vector<16xf32>
      %max3A_676 = arith.maximumf %max3A_668, %gather3A_675 : vector<16xf32>
      %broadcast_in_dim3A_677 = arith.constant 1.000000e+00 : f32
      %broadcast_in_dim3A_678 = vector.broadcast %broadcast_in_dim3A_677 : f32 to vector<16xf32>
      %broadcast_in_dim3A_679 = arith.constant 0.000000e+00 : f32
      %broadcast_in_dim3A_680 = vector.broadcast %broadcast_in_dim3A_679 : f32 to vector<16xf32>
      %eq3A_681 = arith.cmpf oeq, %scan3A_494#0, %max3A_676 : vector<16xf32>
      %select_n3A_682 = arith.select %eq3A_681, %broadcast_in_dim3A_678, %broadcast_in_dim3A_680 : vector<16xi1>, vector<16xf32>
      %eq3A_683 = arith.cmpf oeq, %scan3A_494#1, %max3A_676 : vector<16xf32>
      %select_n3A_684 = arith.select %eq3A_683, %broadcast_in_dim3A_678, %broadcast_in_dim3A_680 : vector<16xi1>, vector<16xf32>
      %add3A_685 = arith.addf %select_n3A_682, %select_n3A_684 : vector<16xf32>
      %eq3A_686 = arith.cmpf oeq, %scan3A_494#2, %max3A_676 : vector<16xf32>
      %select_n3A_687 = arith.select %eq3A_686, %broadcast_in_dim3A_678, %broadcast_in_dim3A_680 : vector<16xi1>, vector<16xf32>
      %add3A_688 = arith.addf %add3A_685, %select_n3A_687 : vector<16xf32>
      %eq3A_689 = arith.cmpf oeq, %scan3A_494#3, %max3A_676 : vector<16xf32>
      %select_n3A_690 = arith.select %eq3A_689, %broadcast_in_dim3A_678, %broadcast_in_dim3A_680 : vector<16xi1>, vector<16xf32>
      %add3A_691 = arith.addf %add3A_688, %select_n3A_690 : vector<16xf32>
      %eq3A_692 = arith.cmpf oeq, %scan3A_494#4, %max3A_676 : vector<16xf32>
      %select_n3A_693 = arith.select %eq3A_692, %broadcast_in_dim3A_678, %broadcast_in_dim3A_680 : vector<16xi1>, vector<16xf32>
      %add3A_694 = arith.addf %add3A_691, %select_n3A_693 : vector<16xf32>
      %eq3A_695 = arith.cmpf oeq, %scan3A_494#5, %max3A_676 : vector<16xf32>
      %select_n3A_696 = arith.select %eq3A_695, %broadcast_in_dim3A_678, %broadcast_in_dim3A_680 : vector<16xi1>, vector<16xf32>
      %add3A_697 = arith.addf %add3A_694, %select_n3A_696 : vector<16xf32>
      %eq3A_698 = arith.cmpf oeq, %scan3A_494#6, %max3A_676 : vector<16xf32>
      %select_n3A_699 = arith.select %eq3A_698, %broadcast_in_dim3A_678, %broadcast_in_dim3A_680 : vector<16xi1>, vector<16xf32>
      %add3A_700 = arith.addf %add3A_697, %select_n3A_699 : vector<16xf32>
      %eq3A_701 = arith.cmpf oeq, %scan3A_494#7, %max3A_676 : vector<16xf32>
      %select_n3A_702 = arith.select %eq3A_701, %broadcast_in_dim3A_678, %broadcast_in_dim3A_680 : vector<16xi1>, vector<16xf32>
      %add3A_703 = arith.addf %add3A_700, %select_n3A_702 : vector<16xf32>
      %eq3A_704 = arith.cmpf oeq, %scan3A_494#8, %max3A_676 : vector<16xf32>
      %select_n3A_705 = arith.select %eq3A_704, %broadcast_in_dim3A_678, %broadcast_in_dim3A_680 : vector<16xi1>, vector<16xf32>
      %add3A_706 = arith.addf %add3A_703, %select_n3A_705 : vector<16xf32>
      %eq3A_707 = arith.cmpf oeq, %scan3A_494#9, %max3A_676 : vector<16xf32>
      %select_n3A_708 = arith.select %eq3A_707, %broadcast_in_dim3A_678, %broadcast_in_dim3A_680 : vector<16xi1>, vector<16xf32>
      %add3A_709 = arith.addf %add3A_706, %select_n3A_708 : vector<16xf32>
      %eq3A_710 = arith.cmpf oeq, %scan3A_494#10, %max3A_676 : vector<16xf32>
      %select_n3A_711 = arith.select %eq3A_710, %broadcast_in_dim3A_678, %broadcast_in_dim3A_680 : vector<16xi1>, vector<16xf32>
      %add3A_712 = arith.addf %add3A_709, %select_n3A_711 : vector<16xf32>
      %eq3A_713 = arith.cmpf oeq, %scan3A_494#11, %max3A_676 : vector<16xf32>
      %select_n3A_714 = arith.select %eq3A_713, %broadcast_in_dim3A_678, %broadcast_in_dim3A_680 : vector<16xi1>, vector<16xf32>
      %add3A_715 = arith.addf %add3A_712, %select_n3A_714 : vector<16xf32>
      %iota3A_716 = tpu.iota {dimensions = array<i32: 0>} : vector<16xi32>
      %xor3A_717 = arith.constant 8 : i32
      %xor3A_718 = vector.broadcast %xor3A_717 : i32 to vector<16xi32>
      %xor3A_719 = arith.xori %iota3A_716, %xor3A_718 : vector<16xi32>
      %broadcast_in_dim3A_720 = vector.shape_cast %xor3A_719 : vector<16xi32> to vector<16x1xi32>
      %gather3A_721 = vector.shape_cast %broadcast_in_dim3A_720 : vector<16x1xi32> to vector<16xi32>
      %gather3A_722 = tpu.dynamic_gather %add3A_715[%gather3A_721] in [0] : vector<16xf32>, vector<16xi32> -> vector<16xf32>
      %add3A_723 = arith.addf %add3A_715, %gather3A_722 : vector<16xf32>
      %iota3A_724 = tpu.iota {dimensions = array<i32: 0>} : vector<16xi32>
      %xor3A_725 = arith.constant 4 : i32
      %xor3A_726 = vector.broadcast %xor3A_725 : i32 to vector<16xi32>
      %xor3A_727 = arith.xori %iota3A_724, %xor3A_726 : vector<16xi32>
      %broadcast_in_dim3A_728 = vector.shape_cast %xor3A_727 : vector<16xi32> to vector<16x1xi32>
      %gather3A_729 = vector.shape_cast %broadcast_in_dim3A_728 : vector<16x1xi32> to vector<16xi32>
      %gather3A_730 = tpu.dynamic_gather %add3A_723[%gather3A_729] in [0] : vector<16xf32>, vector<16xi32> -> vector<16xf32>
      %add3A_731 = arith.addf %add3A_723, %gather3A_730 : vector<16xf32>
      %iota3A_732 = tpu.iota {dimensions = array<i32: 0>} : vector<16xi32>
      %xor3A_733 = arith.constant 2 : i32
      %xor3A_734 = vector.broadcast %xor3A_733 : i32 to vector<16xi32>
      %xor3A_735 = arith.xori %iota3A_732, %xor3A_734 : vector<16xi32>
      %broadcast_in_dim3A_736 = vector.shape_cast %xor3A_735 : vector<16xi32> to vector<16x1xi32>
      %gather3A_737 = vector.shape_cast %broadcast_in_dim3A_736 : vector<16x1xi32> to vector<16xi32>
      %gather3A_738 = tpu.dynamic_gather %add3A_731[%gather3A_737] in [0] : vector<16xf32>, vector<16xi32> -> vector<16xf32>
      %add3A_739 = arith.addf %add3A_731, %gather3A_738 : vector<16xf32>
      %iota3A_740 = tpu.iota {dimensions = array<i32: 0>} : vector<16xi32>
      %xor3A_741 = arith.constant 1 : i32
      %xor3A_742 = vector.broadcast %xor3A_741 : i32 to vector<16xi32>
      %xor3A_743 = arith.xori %iota3A_740, %xor3A_742 : vector<16xi32>
      %broadcast_in_dim3A_744 = vector.shape_cast %xor3A_743 : vector<16xi32> to vector<16x1xi32>
      %gather3A_745 = vector.shape_cast %broadcast_in_dim3A_744 : vector<16x1xi32> to vector<16xi32>
      %gather3A_746 = tpu.dynamic_gather %add3A_739[%gather3A_745] in [0] : vector<16xf32>, vector<16xi32> -> vector<16xf32>
      %add3A_747 = arith.addf %add3A_739, %gather3A_746 : vector<16xf32>
      %lt3A_748 = arith.cmpf olt, %select_n3A_611, %max3A_676 : vector<16xf32>
      %select_n3A_749 = arith.select %lt3A_748, %select_n3A_611, %broadcast_in_dim3A_489 : vector<16xi1>, vector<16xf32>
      %lt3A_750 = arith.cmpf olt, %select_n3A_613, %max3A_676 : vector<16xf32>
      %select_n3A_751 = arith.select %lt3A_750, %select_n3A_613, %broadcast_in_dim3A_489 : vector<16xi1>, vector<16xf32>
      %lt3A_752 = arith.cmpf olt, %select_n3A_615, %max3A_676 : vector<16xf32>
      %select_n3A_753 = arith.select %lt3A_752, %select_n3A_615, %broadcast_in_dim3A_489 : vector<16xi1>, vector<16xf32>
      %lt3A_754 = arith.cmpf olt, %select_n3A_617, %max3A_676 : vector<16xf32>
      %select_n3A_755 = arith.select %lt3A_754, %select_n3A_617, %broadcast_in_dim3A_489 : vector<16xi1>, vector<16xf32>
      %lt3A_756 = arith.cmpf olt, %select_n3A_619, %max3A_676 : vector<16xf32>
      %select_n3A_757 = arith.select %lt3A_756, %select_n3A_619, %broadcast_in_dim3A_489 : vector<16xi1>, vector<16xf32>
      %lt3A_758 = arith.cmpf olt, %select_n3A_621, %max3A_676 : vector<16xf32>
      %select_n3A_759 = arith.select %lt3A_758, %select_n3A_621, %broadcast_in_dim3A_489 : vector<16xi1>, vector<16xf32>
      %lt3A_760 = arith.cmpf olt, %select_n3A_623, %max3A_676 : vector<16xf32>
      %select_n3A_761 = arith.select %lt3A_760, %select_n3A_623, %broadcast_in_dim3A_489 : vector<16xi1>, vector<16xf32>
      %lt3A_762 = arith.cmpf olt, %select_n3A_625, %max3A_676 : vector<16xf32>
      %select_n3A_763 = arith.select %lt3A_762, %select_n3A_625, %broadcast_in_dim3A_489 : vector<16xi1>, vector<16xf32>
      %lt3A_764 = arith.cmpf olt, %select_n3A_627, %max3A_676 : vector<16xf32>
      %select_n3A_765 = arith.select %lt3A_764, %select_n3A_627, %broadcast_in_dim3A_489 : vector<16xi1>, vector<16xf32>
      %lt3A_766 = arith.cmpf olt, %select_n3A_629, %max3A_676 : vector<16xf32>
      %select_n3A_767 = arith.select %lt3A_766, %select_n3A_629, %broadcast_in_dim3A_489 : vector<16xi1>, vector<16xf32>
      %lt3A_768 = arith.cmpf olt, %select_n3A_631, %max3A_676 : vector<16xf32>
      %select_n3A_769 = arith.select %lt3A_768, %select_n3A_631, %broadcast_in_dim3A_489 : vector<16xi1>, vector<16xf32>
      %lt3A_770 = arith.cmpf olt, %select_n3A_633, %max3A_676 : vector<16xf32>
      %select_n3A_771 = arith.select %lt3A_770, %select_n3A_633, %broadcast_in_dim3A_489 : vector<16xi1>, vector<16xf32>
      %max3A_772 = arith.maximumf %select_n3A_749, %select_n3A_751 : vector<16xf32>
      %max3A_773 = arith.maximumf %max3A_772, %select_n3A_753 : vector<16xf32>
      %max3A_774 = arith.maximumf %max3A_773, %select_n3A_755 : vector<16xf32>
      %max3A_775 = arith.maximumf %max3A_774, %select_n3A_757 : vector<16xf32>
      %max3A_776 = arith.maximumf %max3A_775, %select_n3A_759 : vector<16xf32>
      %max3A_777 = arith.maximumf %max3A_776, %select_n3A_761 : vector<16xf32>
      %max3A_778 = arith.maximumf %max3A_777, %select_n3A_763 : vector<16xf32>
      %max3A_779 = arith.maximumf %max3A_778, %select_n3A_765 : vector<16xf32>
      %max3A_780 = arith.maximumf %max3A_779, %select_n3A_767 : vector<16xf32>
      %max3A_781 = arith.maximumf %max3A_780, %select_n3A_769 : vector<16xf32>
      %max3A_782 = arith.maximumf %max3A_781, %select_n3A_771 : vector<16xf32>
      %iota3A_783 = tpu.iota {dimensions = array<i32: 0>} : vector<16xi32>
      %xor3A_784 = arith.constant 8 : i32
      %xor3A_785 = vector.broadcast %xor3A_784 : i32 to vector<16xi32>
      %xor3A_786 = arith.xori %iota3A_783, %xor3A_785 : vector<16xi32>
      %broadcast_in_dim3A_787 = vector.shape_cast %xor3A_786 : vector<16xi32> to vector<16x1xi32>
      %gather3A_788 = vector.shape_cast %broadcast_in_dim3A_787 : vector<16x1xi32> to vector<16xi32>
      %gather3A_789 = tpu.dynamic_gather %max3A_782[%gather3A_788] in [0] : vector<16xf32>, vector<16xi32> -> vector<16xf32>
      %max3A_790 = arith.maximumf %max3A_782, %gather3A_789 : vector<16xf32>
      %iota3A_791 = tpu.iota {dimensions = array<i32: 0>} : vector<16xi32>
      %xor3A_792 = arith.constant 4 : i32
      %xor3A_793 = vector.broadcast %xor3A_792 : i32 to vector<16xi32>
      %xor3A_794 = arith.xori %iota3A_791, %xor3A_793 : vector<16xi32>
      %broadcast_in_dim3A_795 = vector.shape_cast %xor3A_794 : vector<16xi32> to vector<16x1xi32>
      %gather3A_796 = vector.shape_cast %broadcast_in_dim3A_795 : vector<16x1xi32> to vector<16xi32>
      %gather3A_797 = tpu.dynamic_gather %max3A_790[%gather3A_796] in [0] : vector<16xf32>, vector<16xi32> -> vector<16xf32>
      %max3A_798 = arith.maximumf %max3A_790, %gather3A_797 : vector<16xf32>
      %iota3A_799 = tpu.iota {dimensions = array<i32: 0>} : vector<16xi32>
      %xor3A_800 = arith.constant 2 : i32
      %xor3A_801 = vector.broadcast %xor3A_800 : i32 to vector<16xi32>
      %xor3A_802 = arith.xori %iota3A_799, %xor3A_801 : vector<16xi32>
      %broadcast_in_dim3A_803 = vector.shape_cast %xor3A_802 : vector<16xi32> to vector<16x1xi32>
      %gather3A_804 = vector.shape_cast %broadcast_in_dim3A_803 : vector<16x1xi32> to vector<16xi32>
      %gather3A_805 = tpu.dynamic_gather %max3A_798[%gather3A_804] in [0] : vector<16xf32>, vector<16xi32> -> vector<16xf32>
      %max3A_806 = arith.maximumf %max3A_798, %gather3A_805 : vector<16xf32>
      %iota3A_807 = tpu.iota {dimensions = array<i32: 0>} : vector<16xi32>
      %xor3A_808 = arith.constant 1 : i32
      %xor3A_809 = vector.broadcast %xor3A_808 : i32 to vector<16xi32>
      %xor3A_810 = arith.xori %iota3A_807, %xor3A_809 : vector<16xi32>
      %broadcast_in_dim3A_811 = vector.shape_cast %xor3A_810 : vector<16xi32> to vector<16x1xi32>
      %gather3A_812 = vector.shape_cast %broadcast_in_dim3A_811 : vector<16x1xi32> to vector<16xi32>
      %gather3A_813 = tpu.dynamic_gather %max3A_806[%gather3A_812] in [0] : vector<16xf32>, vector<16xi32> -> vector<16xf32>
      %max3A_814 = arith.maximumf %max3A_806, %gather3A_813 : vector<16xf32>
      %broadcast_in_dim3A_815 = arith.constant 3.000000e+00 : f32
      %broadcast_in_dim3A_816 = vector.broadcast %broadcast_in_dim3A_815 : f32 to vector<16xf32>
      %ge3A_817 = arith.cmpf oge, %add3A_609, %broadcast_in_dim3A_816 : vector<16xf32>
      %add3A_818 = arith.addf %add3A_609, %add3A_747 : vector<16xf32>
      %ge3A_819 = arith.cmpf oge, %add3A_818, %broadcast_in_dim3A_816 : vector<16xf32>
      %select_n3A_820 = arith.select %ge3A_819, %max3A_676, %max3A_814 : vector<16xi1>, vector<16xf32>
      %select_n3A_821 = arith.select %ge3A_817, %max3A_538, %select_n3A_820 : vector<16xi1>, vector<16xf32>
      %broadcast_in_dim3A_822 = arith.constant 0.000000e+00 : f32
      %broadcast_in_dim3A_823 = vector.broadcast %broadcast_in_dim3A_822 : f32 to vector<16xf32>
      %broadcast_in_dim3A_824 = arith.constant 1.000000e+00 : f32
      %broadcast_in_dim3A_825 = vector.broadcast %broadcast_in_dim3A_824 : f32 to vector<16xf32>
      %eq3A_826 = arith.cmpf oeq, %scan3A_494#2, %select_n3A_821 : vector<16xf32>
      %select_n3A_827 = arith.select %eq3A_826, %broadcast_in_dim3A_825, %broadcast_in_dim3A_823 : vector<16xi1>, vector<16xf32>
      %max3A_828 = arith.maximumf %broadcast_in_dim3A_823, %select_n3A_827 : vector<16xf32>
      %eq3A_829 = arith.cmpf oeq, %scan3A_494#5, %select_n3A_821 : vector<16xf32>
      %select_n3A_830 = arith.select %eq3A_829, %broadcast_in_dim3A_825, %broadcast_in_dim3A_823 : vector<16xi1>, vector<16xf32>
      %max3A_831 = arith.maximumf %max3A_828, %select_n3A_830 : vector<16xf32>
      %eq3A_832 = arith.cmpf oeq, %scan3A_494#8, %select_n3A_821 : vector<16xf32>
      %select_n3A_833 = arith.select %eq3A_832, %broadcast_in_dim3A_825, %broadcast_in_dim3A_823 : vector<16xi1>, vector<16xf32>
      %max3A_834 = arith.maximumf %max3A_831, %select_n3A_833 : vector<16xf32>
      %eq3A_835 = arith.cmpf oeq, %scan3A_494#11, %select_n3A_821 : vector<16xf32>
      %select_n3A_836 = arith.select %eq3A_835, %broadcast_in_dim3A_825, %broadcast_in_dim3A_823 : vector<16xi1>, vector<16xf32>
      %max3A_837 = arith.maximumf %max3A_834, %select_n3A_836 : vector<16xf32>
      %iota3A_838 = tpu.iota {dimensions = array<i32: 0>} : vector<16xi32>
      %xor3A_839 = arith.constant 8 : i32
      %xor3A_840 = vector.broadcast %xor3A_839 : i32 to vector<16xi32>
      %xor3A_841 = arith.xori %iota3A_838, %xor3A_840 : vector<16xi32>
      %broadcast_in_dim3A_842 = vector.shape_cast %xor3A_841 : vector<16xi32> to vector<16x1xi32>
      %gather3A_843 = vector.shape_cast %broadcast_in_dim3A_842 : vector<16x1xi32> to vector<16xi32>
      %gather3A_844 = tpu.dynamic_gather %max3A_837[%gather3A_843] in [0] : vector<16xf32>, vector<16xi32> -> vector<16xf32>
      %max3A_845 = arith.maximumf %max3A_837, %gather3A_844 : vector<16xf32>
      %iota3A_846 = tpu.iota {dimensions = array<i32: 0>} : vector<16xi32>
      %xor3A_847 = arith.constant 4 : i32
      %xor3A_848 = vector.broadcast %xor3A_847 : i32 to vector<16xi32>
      %xor3A_849 = arith.xori %iota3A_846, %xor3A_848 : vector<16xi32>
      %broadcast_in_dim3A_850 = vector.shape_cast %xor3A_849 : vector<16xi32> to vector<16x1xi32>
      %gather3A_851 = vector.shape_cast %broadcast_in_dim3A_850 : vector<16x1xi32> to vector<16xi32>
      %gather3A_852 = tpu.dynamic_gather %max3A_845[%gather3A_851] in [0] : vector<16xf32>, vector<16xi32> -> vector<16xf32>
      %max3A_853 = arith.maximumf %max3A_845, %gather3A_852 : vector<16xf32>
      %iota3A_854 = tpu.iota {dimensions = array<i32: 0>} : vector<16xi32>
      %xor3A_855 = arith.constant 2 : i32
      %xor3A_856 = vector.broadcast %xor3A_855 : i32 to vector<16xi32>
      %xor3A_857 = arith.xori %iota3A_854, %xor3A_856 : vector<16xi32>
      %broadcast_in_dim3A_858 = vector.shape_cast %xor3A_857 : vector<16xi32> to vector<16x1xi32>
      %gather3A_859 = vector.shape_cast %broadcast_in_dim3A_858 : vector<16x1xi32> to vector<16xi32>
      %gather3A_860 = tpu.dynamic_gather %max3A_853[%gather3A_859] in [0] : vector<16xf32>, vector<16xi32> -> vector<16xf32>
      %max3A_861 = arith.maximumf %max3A_853, %gather3A_860 : vector<16xf32>
      %iota3A_862 = tpu.iota {dimensions = array<i32: 0>} : vector<16xi32>
      %xor3A_863 = arith.constant 1 : i32
      %xor3A_864 = vector.broadcast %xor3A_863 : i32 to vector<16xi32>
      %xor3A_865 = arith.xori %iota3A_862, %xor3A_864 : vector<16xi32>
      %broadcast_in_dim3A_866 = vector.shape_cast %xor3A_865 : vector<16xi32> to vector<16x1xi32>
      %gather3A_867 = vector.shape_cast %broadcast_in_dim3A_866 : vector<16x1xi32> to vector<16xi32>
      %gather3A_868 = tpu.dynamic_gather %max3A_861[%gather3A_867] in [0] : vector<16xf32>, vector<16xi32> -> vector<16xf32>
      %max3A_869 = arith.maximumf %max3A_861, %gather3A_868 : vector<16xf32>
      %slice3A_870 = vector.extract_strided_slice %max3A_869 {offsets = [0], sizes = [1], strides = [1]} : vector<16xf32> to vector<1xf32>
      %squeeze3A_871 = vector.extract %slice3A_870[0] : f32 from vector<1xf32>
      %gt3A_872 = arith.constant 0.000000e+00 : f32
      %gt3A_873 = arith.cmpf ogt, %squeeze3A_871, %gt3A_872 : f32
      %convert_element_type3A_874 = arith.extui %gt3A_873 : i1 to i32
      %cond3A_875 = arith.constant 0 : i32
      %cond3A_876 = arith.cmpi ne, %convert_element_type3A_874, %cond3A_875 : i32
      scf.if %cond3A_876 {
        %scan3A_940 = arith.constant 0 : i32
        %scan3A_941 = arith.constant 128 : i32
        %scan3A_942 = arith.addi %scan3A_940, %scan3A_941 : i32
        %scan3A_943 = arith.constant 1 : i32
        %scan3A_944:4 = scf.for %scan3A_952 = %scan3A_940 to %scan3A_942 step %scan3A_943 iter_args(%scan3A_953 = %broadcast_in_dim3A_823, %scan3A_954 = %broadcast_in_dim3A_823, %scan3A_955 = %broadcast_in_dim3A_823, %scan3A_956 = %broadcast_in_dim3A_823) -> (vector<16xf32>, vector<16xf32>, vector<16xf32>, vector<16xf32>)  : i32 {
          %mul3A_957 = arith.constant 256 : i32
          %mul3A_958 = arith.muli %scan3A_952, %mul3A_957 : i32
          %add3A_959 = arith.constant 0 : i32
          %add3A_960 = arith.addi %mul3A_958, %add3A_959 : i32
          %get3A_961 = arith.index_cast %add3A_960 : i32 to index
          %get3A_962 = tpu.vector_load %arg5[%get3A_961] {strides = array<i32>} : memref<32768xf32, #tpu.memory_space<vmem>>, vector<16xf32>,
          %get3A_963 = vector.shape_cast %get3A_962 : vector<16xf32> to vector<16xf32>
          %ge3A_964 = arith.cmpf oge, %get3A_963, %select_n3A_821 : vector<16xf32>
          %jit3A = arith.constant 0.000000e+00 : f32
          %broadcast_in_dim3A_965 = vector.broadcast %jit3A : f32 to vector<16xf32>
          %select_n3A_966 = arith.select %ge3A_964, %get3A_963, %broadcast_in_dim3A_965 : vector<16xi1>, vector<16xf32>
          %add3A_967 = arith.addf %scan3A_953, %select_n3A_966 : vector<16xf32>
          %add3A_968 = arith.constant 16 : i32
          %add3A_969 = arith.addi %mul3A_958, %add3A_968 : i32
          %get3A_970 = arith.index_cast %add3A_969 : i32 to index
          %get3A_971 = tpu.vector_load %arg5[%get3A_970] {strides = array<i32>} : memref<32768xf32, #tpu.memory_space<vmem>>, vector<16xf32>,
          %get3A_972 = vector.shape_cast %get3A_971 : vector<16xf32> to vector<16xf32>
          %ge3A_973 = arith.cmpf oge, %get3A_972, %select_n3A_821 : vector<16xf32>
          %jit3A_974 = arith.constant 0.000000e+00 : f32
          %broadcast_in_dim3A_975 = vector.broadcast %jit3A_974 : f32 to vector<16xf32>
          %select_n3A_976 = arith.select %ge3A_973, %get3A_972, %broadcast_in_dim3A_975 : vector<16xi1>, vector<16xf32>
          %add3A_977 = arith.addf %scan3A_954, %select_n3A_976 : vector<16xf32>
          %add3A_978 = arith.constant 32 : i32
          %add3A_979 = arith.addi %mul3A_958, %add3A_978 : i32
          %get3A_980 = arith.index_cast %add3A_979 : i32 to index
          %get3A_981 = tpu.vector_load %arg5[%get3A_980] {strides = array<i32>} : memref<32768xf32, #tpu.memory_space<vmem>>, vector<16xf32>,
          %get3A_982 = vector.shape_cast %get3A_981 : vector<16xf32> to vector<16xf32>
          %ge3A_983 = arith.cmpf oge, %get3A_982, %select_n3A_821 : vector<16xf32>
          %jit3A_984 = arith.constant 0.000000e+00 : f32
          %broadcast_in_dim3A_985 = vector.broadcast %jit3A_984 : f32 to vector<16xf32>
          %select_n3A_986 = arith.select %ge3A_983, %get3A_982, %broadcast_in_dim3A_985 : vector<16xi1>, vector<16xf32>
          %add3A_987 = arith.addf %scan3A_955, %select_n3A_986 : vector<16xf32>
          %add3A_988 = arith.constant 48 : i32
          %add3A_989 = arith.addi %mul3A_958, %add3A_988 : i32
          %get3A_990 = arith.index_cast %add3A_989 : i32 to index
          %get3A_991 = tpu.vector_load %arg5[%get3A_990] {strides = array<i32>} : memref<32768xf32, #tpu.memory_space<vmem>>, vector<16xf32>,
          %get3A_992 = vector.shape_cast %get3A_991 : vector<16xf32> to vector<16xf32>
          %ge3A_993 = arith.cmpf oge, %get3A_992, %select_n3A_821 : vector<16xf32>
          %jit3A_994 = arith.constant 0.000000e+00 : f32
          %broadcast_in_dim3A_995 = vector.broadcast %jit3A_994 : f32 to vector<16xf32>
          %select_n3A_996 = arith.select %ge3A_993, %get3A_992, %broadcast_in_dim3A_995 : vector<16xi1>, vector<16xf32>
          %add3A_997 = arith.addf %scan3A_956, %select_n3A_996 : vector<16xf32>
          %add3A_998 = arith.constant 64 : i32
          %add3A_999 = arith.addi %mul3A_958, %add3A_998 : i32
          %get3A_1000 = arith.index_cast %add3A_999 : i32 to index
          %get3A_1001 = tpu.vector_load %arg5[%get3A_1000] {strides = array<i32>} : memref<32768xf32, #tpu.memory_space<vmem>>, vector<16xf32>,
          %get3A_1002 = vector.shape_cast %get3A_1001 : vector<16xf32> to vector<16xf32>
          %ge3A_1003 = arith.cmpf oge, %get3A_1002, %select_n3A_821 : vector<16xf32>
          %jit3A_1004 = arith.constant 0.000000e+00 : f32
          %broadcast_in_dim3A_1005 = vector.broadcast %jit3A_1004 : f32 to vector<16xf32>
          %select_n3A_1006 = arith.select %ge3A_1003, %get3A_1002, %broadcast_in_dim3A_1005 : vector<16xi1>, vector<16xf32>
          %add3A_1007 = arith.addf %add3A_967, %select_n3A_1006 : vector<16xf32>
          %add3A_1008 = arith.constant 80 : i32
          %add3A_1009 = arith.addi %mul3A_958, %add3A_1008 : i32
          %get3A_1010 = arith.index_cast %add3A_1009 : i32 to index
          %get3A_1011 = tpu.vector_load %arg5[%get3A_1010] {strides = array<i32>} : memref<32768xf32, #tpu.memory_space<vmem>>, vector<16xf32>,
          %get3A_1012 = vector.shape_cast %get3A_1011 : vector<16xf32> to vector<16xf32>
          %ge3A_1013 = arith.cmpf oge, %get3A_1012, %select_n3A_821 : vector<16xf32>
          %jit3A_1014 = arith.constant 0.000000e+00 : f32
          %broadcast_in_dim3A_1015 = vector.broadcast %jit3A_1014 : f32 to vector<16xf32>
          %select_n3A_1016 = arith.select %ge3A_1013, %get3A_1012, %broadcast_in_dim3A_1015 : vector<16xi1>, vector<16xf32>
          %add3A_1017 = arith.addf %add3A_977, %select_n3A_1016 : vector<16xf32>
          %add3A_1018 = arith.constant 96 : i32
          %add3A_1019 = arith.addi %mul3A_958, %add3A_1018 : i32
          %get3A_1020 = arith.index_cast %add3A_1019 : i32 to index
          %get3A_1021 = tpu.vector_load %arg5[%get3A_1020] {strides = array<i32>} : memref<32768xf32, #tpu.memory_space<vmem>>, vector<16xf32>,
          %get3A_1022 = vector.shape_cast %get3A_1021 : vector<16xf32> to vector<16xf32>
          %ge3A_1023 = arith.cmpf oge, %get3A_1022, %select_n3A_821 : vector<16xf32>
          %jit3A_1024 = arith.constant 0.000000e+00 : f32
          %broadcast_in_dim3A_1025 = vector.broadcast %jit3A_1024 : f32 to vector<16xf32>
          %select_n3A_1026 = arith.select %ge3A_1023, %get3A_1022, %broadcast_in_dim3A_1025 : vector<16xi1>, vector<16xf32>
          %add3A_1027 = arith.addf %add3A_987, %select_n3A_1026 : vector<16xf32>
          %add3A_1028 = arith.constant 112 : i32
          %add3A_1029 = arith.addi %mul3A_958, %add3A_1028 : i32
          %get3A_1030 = arith.index_cast %add3A_1029 : i32 to index
          %get3A_1031 = tpu.vector_load %arg5[%get3A_1030] {strides = array<i32>} : memref<32768xf32, #tpu.memory_space<vmem>>, vector<16xf32>,
          %get3A_1032 = vector.shape_cast %get3A_1031 : vector<16xf32> to vector<16xf32>
          %ge3A_1033 = arith.cmpf oge, %get3A_1032, %select_n3A_821 : vector<16xf32>
          %jit3A_1034 = arith.constant 0.000000e+00 : f32
          %broadcast_in_dim3A_1035 = vector.broadcast %jit3A_1034 : f32 to vector<16xf32>
          %select_n3A_1036 = arith.select %ge3A_1033, %get3A_1032, %broadcast_in_dim3A_1035 : vector<16xi1>, vector<16xf32>
          %add3A_1037 = arith.addf %add3A_997, %select_n3A_1036 : vector<16xf32>
          %add3A_1038 = arith.constant 128 : i32
          %add3A_1039 = arith.addi %mul3A_958, %add3A_1038 : i32
          %get3A_1040 = arith.index_cast %add3A_1039 : i32 to index
          %get3A_1041 = tpu.vector_load %arg5[%get3A_1040] {strides = array<i32>} : memref<32768xf32, #tpu.memory_space<vmem>>, vector<16xf32>,
          %get3A_1042 = vector.shape_cast %get3A_1041 : vector<16xf32> to vector<16xf32>
          %ge3A_1043 = arith.cmpf oge, %get3A_1042, %select_n3A_821 : vector<16xf32>
          %jit3A_1044 = arith.constant 0.000000e+00 : f32
          %broadcast_in_dim3A_1045 = vector.broadcast %jit3A_1044 : f32 to vector<16xf32>
          %select_n3A_1046 = arith.select %ge3A_1043, %get3A_1042, %broadcast_in_dim3A_1045 : vector<16xi1>, vector<16xf32>
          %add3A_1047 = arith.addf %add3A_1007, %select_n3A_1046 : vector<16xf32>
          %add3A_1048 = arith.constant 144 : i32
          %add3A_1049 = arith.addi %mul3A_958, %add3A_1048 : i32
          %get3A_1050 = arith.index_cast %add3A_1049 : i32 to index
          %get3A_1051 = tpu.vector_load %arg5[%get3A_1050] {strides = array<i32>} : memref<32768xf32, #tpu.memory_space<vmem>>, vector<16xf32>,
          %get3A_1052 = vector.shape_cast %get3A_1051 : vector<16xf32> to vector<16xf32>
          %ge3A_1053 = arith.cmpf oge, %get3A_1052, %select_n3A_821 : vector<16xf32>
          %jit3A_1054 = arith.constant 0.000000e+00 : f32
          %broadcast_in_dim3A_1055 = vector.broadcast %jit3A_1054 : f32 to vector<16xf32>
          %select_n3A_1056 = arith.select %ge3A_1053, %get3A_1052, %broadcast_in_dim3A_1055 : vector<16xi1>, vector<16xf32>
          %add3A_1057 = arith.addf %add3A_1017, %select_n3A_1056 : vector<16xf32>
          %add3A_1058 = arith.constant 160 : i32
          %add3A_1059 = arith.addi %mul3A_958, %add3A_1058 : i32
          %get3A_1060 = arith.index_cast %add3A_1059 : i32 to index
          %get3A_1061 = tpu.vector_load %arg5[%get3A_1060] {strides = array<i32>} : memref<32768xf32, #tpu.memory_space<vmem>>, vector<16xf32>,
          %get3A_1062 = vector.shape_cast %get3A_1061 : vector<16xf32> to vector<16xf32>
          %ge3A_1063 = arith.cmpf oge, %get3A_1062, %select_n3A_821 : vector<16xf32>
          %jit3A_1064 = arith.constant 0.000000e+00 : f32
          %broadcast_in_dim3A_1065 = vector.broadcast %jit3A_1064 : f32 to vector<16xf32>
          %select_n3A_1066 = arith.select %ge3A_1063, %get3A_1062, %broadcast_in_dim3A_1065 : vector<16xi1>, vector<16xf32>
          %add3A_1067 = arith.addf %add3A_1027, %select_n3A_1066 : vector<16xf32>
          %add3A_1068 = arith.constant 176 : i32
          %add3A_1069 = arith.addi %mul3A_958, %add3A_1068 : i32
          %get3A_1070 = arith.index_cast %add3A_1069 : i32 to index
          %get3A_1071 = tpu.vector_load %arg5[%get3A_1070] {strides = array<i32>} : memref<32768xf32, #tpu.memory_space<vmem>>, vector<16xf32>,
          %get3A_1072 = vector.shape_cast %get3A_1071 : vector<16xf32> to vector<16xf32>
          %ge3A_1073 = arith.cmpf oge, %get3A_1072, %select_n3A_821 : vector<16xf32>
          %jit3A_1074 = arith.constant 0.000000e+00 : f32
          %broadcast_in_dim3A_1075 = vector.broadcast %jit3A_1074 : f32 to vector<16xf32>
          %select_n3A_1076 = arith.select %ge3A_1073, %get3A_1072, %broadcast_in_dim3A_1075 : vector<16xi1>, vector<16xf32>
          %add3A_1077 = arith.addf %add3A_1037, %select_n3A_1076 : vector<16xf32>
          %add3A_1078 = arith.constant 192 : i32
          %add3A_1079 = arith.addi %mul3A_958, %add3A_1078 : i32
          %get3A_1080 = arith.index_cast %add3A_1079 : i32 to index
          %get3A_1081 = tpu.vector_load %arg5[%get3A_1080] {strides = array<i32>} : memref<32768xf32, #tpu.memory_space<vmem>>, vector<16xf32>,
          %get3A_1082 = vector.shape_cast %get3A_1081 : vector<16xf32> to vector<16xf32>
          %ge3A_1083 = arith.cmpf oge, %get3A_1082, %select_n3A_821 : vector<16xf32>
          %jit3A_1084 = arith.constant 0.000000e+00 : f32
          %broadcast_in_dim3A_1085 = vector.broadcast %jit3A_1084 : f32 to vector<16xf32>
          %select_n3A_1086 = arith.select %ge3A_1083, %get3A_1082, %broadcast_in_dim3A_1085 : vector<16xi1>, vector<16xf32>
          %add3A_1087 = arith.addf %add3A_1047, %select_n3A_1086 : vector<16xf32>
          %add3A_1088 = arith.constant 208 : i32
          %add3A_1089 = arith.addi %mul3A_958, %add3A_1088 : i32
          %get3A_1090 = arith.index_cast %add3A_1089 : i32 to index
          %get3A_1091 = tpu.vector_load %arg5[%get3A_1090] {strides = array<i32>} : memref<32768xf32, #tpu.memory_space<vmem>>, vector<16xf32>,
          %get3A_1092 = vector.shape_cast %get3A_1091 : vector<16xf32> to vector<16xf32>
          %ge3A_1093 = arith.cmpf oge, %get3A_1092, %select_n3A_821 : vector<16xf32>
          %jit3A_1094 = arith.constant 0.000000e+00 : f32
          %broadcast_in_dim3A_1095 = vector.broadcast %jit3A_1094 : f32 to vector<16xf32>
          %select_n3A_1096 = arith.select %ge3A_1093, %get3A_1092, %broadcast_in_dim3A_1095 : vector<16xi1>, vector<16xf32>
          %add3A_1097 = arith.addf %add3A_1057, %select_n3A_1096 : vector<16xf32>
          %add3A_1098 = arith.constant 224 : i32
          %add3A_1099 = arith.addi %mul3A_958, %add3A_1098 : i32
          %get3A_1100 = arith.index_cast %add3A_1099 : i32 to index
          %get3A_1101 = tpu.vector_load %arg5[%get3A_1100] {strides = array<i32>} : memref<32768xf32, #tpu.memory_space<vmem>>, vector<16xf32>,
          %get3A_1102 = vector.shape_cast %get3A_1101 : vector<16xf32> to vector<16xf32>
          %ge3A_1103 = arith.cmpf oge, %get3A_1102, %select_n3A_821 : vector<16xf32>
          %jit3A_1104 = arith.constant 0.000000e+00 : f32
          %broadcast_in_dim3A_1105 = vector.broadcast %jit3A_1104 : f32 to vector<16xf32>
          %select_n3A_1106 = arith.select %ge3A_1103, %get3A_1102, %broadcast_in_dim3A_1105 : vector<16xi1>, vector<16xf32>
          %add3A_1107 = arith.addf %add3A_1067, %select_n3A_1106 : vector<16xf32>
          %add3A_1108 = arith.constant 240 : i32
          %add3A_1109 = arith.addi %mul3A_958, %add3A_1108 : i32
          %get3A_1110 = arith.index_cast %add3A_1109 : i32 to index
          %get3A_1111 = tpu.vector_load %arg5[%get3A_1110] {strides = array<i32>} : memref<32768xf32, #tpu.memory_space<vmem>>, vector<16xf32>,
          %get3A_1112 = vector.shape_cast %get3A_1111 : vector<16xf32> to vector<16xf32>
          %ge3A_1113 = arith.cmpf oge, %get3A_1112, %select_n3A_821 : vector<16xf32>
          %jit3A_1114 = arith.constant 0.000000e+00 : f32
          %broadcast_in_dim3A_1115 = vector.broadcast %jit3A_1114 : f32 to vector<16xf32>
          %select_n3A_1116 = arith.select %ge3A_1113, %get3A_1112, %broadcast_in_dim3A_1115 : vector<16xi1>, vector<16xf32>
          %add3A_1117 = arith.addf %add3A_1077, %select_n3A_1116 : vector<16xf32>
          scf.yield %add3A_1087, %add3A_1097, %add3A_1107, %add3A_1117 : vector<16xf32>, vector<16xf32>, vector<16xf32>, vector<16xf32>
        }
        %scan3A_945 = arith.constant 128 : i32
        %add3A_946 = arith.addf %scan3A_944#0, %scan3A_944#1 : vector<16xf32>
        %add3A_947 = arith.addf %add3A_946, %scan3A_944#2 : vector<16xf32>
        %add3A_948 = arith.addf %add3A_947, %scan3A_944#3 : vector<16xf32>
        %swap3A = arith.constant 0 : index
        %swap3A_949 = tpu.vector_load %arg7[%swap3A] {strides = array<i32>} : memref<16xf32, #tpu.memory_space<vmem>>, vector<16xf32>,
        %swap3A_950 = vector.shape_cast %swap3A_949 : vector<16xf32> to vector<16xf32>
        %swap3A_951 = vector.shape_cast %add3A_948 : vector<16xf32> to vector<16xf32>
        tpu.vector_store %arg7[%swap3A], %swap3A_951 {strides = array<i32>} : memref<16xf32, #tpu.memory_space<vmem>>, vector<16xf32>,
      } else {
        %ge3A_940 = arith.cmpf oge, %scan3A_494#0, %select_n3A_821 : vector<16xf32>
        %jit3A = arith.constant 0.000000e+00 : f32
        %broadcast_in_dim3A_941 = vector.broadcast %jit3A : f32 to vector<16xf32>
        %select_n3A_942 = arith.select %ge3A_940, %scan3A_494#0, %broadcast_in_dim3A_941 : vector<16xi1>, vector<16xf32>
        %add3A_943 = arith.addf %broadcast_in_dim3A_823, %select_n3A_942 : vector<16xf32>
        %ge3A_944 = arith.cmpf oge, %scan3A_494#1, %select_n3A_821 : vector<16xf32>
        %jit3A_945 = arith.constant 0.000000e+00 : f32
        %broadcast_in_dim3A_946 = vector.broadcast %jit3A_945 : f32 to vector<16xf32>
        %select_n3A_947 = arith.select %ge3A_944, %scan3A_494#1, %broadcast_in_dim3A_946 : vector<16xi1>, vector<16xf32>
        %add3A_948 = arith.addf %add3A_943, %select_n3A_947 : vector<16xf32>
        %ge3A_949 = arith.cmpf oge, %scan3A_494#2, %select_n3A_821 : vector<16xf32>
        %jit3A_950 = arith.constant 0.000000e+00 : f32
        %broadcast_in_dim3A_951 = vector.broadcast %jit3A_950 : f32 to vector<16xf32>
        %select_n3A_952 = arith.select %ge3A_949, %scan3A_494#2, %broadcast_in_dim3A_951 : vector<16xi1>, vector<16xf32>
        %add3A_953 = arith.addf %add3A_948, %select_n3A_952 : vector<16xf32>
        %ge3A_954 = arith.cmpf oge, %scan3A_494#3, %select_n3A_821 : vector<16xf32>
        %jit3A_955 = arith.constant 0.000000e+00 : f32
        %broadcast_in_dim3A_956 = vector.broadcast %jit3A_955 : f32 to vector<16xf32>
        %select_n3A_957 = arith.select %ge3A_954, %scan3A_494#3, %broadcast_in_dim3A_956 : vector<16xi1>, vector<16xf32>
        %add3A_958 = arith.addf %add3A_953, %select_n3A_957 : vector<16xf32>
        %ge3A_959 = arith.cmpf oge, %scan3A_494#4, %select_n3A_821 : vector<16xf32>
        %jit3A_960 = arith.constant 0.000000e+00 : f32
        %broadcast_in_dim3A_961 = vector.broadcast %jit3A_960 : f32 to vector<16xf32>
        %select_n3A_962 = arith.select %ge3A_959, %scan3A_494#4, %broadcast_in_dim3A_961 : vector<16xi1>, vector<16xf32>
        %add3A_963 = arith.addf %add3A_958, %select_n3A_962 : vector<16xf32>
        %ge3A_964 = arith.cmpf oge, %scan3A_494#5, %select_n3A_821 : vector<16xf32>
        %jit3A_965 = arith.constant 0.000000e+00 : f32
        %broadcast_in_dim3A_966 = vector.broadcast %jit3A_965 : f32 to vector<16xf32>
        %select_n3A_967 = arith.select %ge3A_964, %scan3A_494#5, %broadcast_in_dim3A_966 : vector<16xi1>, vector<16xf32>
        %add3A_968 = arith.addf %add3A_963, %select_n3A_967 : vector<16xf32>
        %ge3A_969 = arith.cmpf oge, %scan3A_494#6, %select_n3A_821 : vector<16xf32>
        %jit3A_970 = arith.constant 0.000000e+00 : f32
        %broadcast_in_dim3A_971 = vector.broadcast %jit3A_970 : f32 to vector<16xf32>
        %select_n3A_972 = arith.select %ge3A_969, %scan3A_494#6, %broadcast_in_dim3A_971 : vector<16xi1>, vector<16xf32>
        %add3A_973 = arith.addf %add3A_968, %select_n3A_972 : vector<16xf32>
        %ge3A_974 = arith.cmpf oge, %scan3A_494#7, %select_n3A_821 : vector<16xf32>
        %jit3A_975 = arith.constant 0.000000e+00 : f32
        %broadcast_in_dim3A_976 = vector.broadcast %jit3A_975 : f32 to vector<16xf32>
        %select_n3A_977 = arith.select %ge3A_974, %scan3A_494#7, %broadcast_in_dim3A_976 : vector<16xi1>, vector<16xf32>
        %add3A_978 = arith.addf %add3A_973, %select_n3A_977 : vector<16xf32>
        %ge3A_979 = arith.cmpf oge, %scan3A_494#8, %select_n3A_821 : vector<16xf32>
        %jit3A_980 = arith.constant 0.000000e+00 : f32
        %broadcast_in_dim3A_981 = vector.broadcast %jit3A_980 : f32 to vector<16xf32>
        %select_n3A_982 = arith.select %ge3A_979, %scan3A_494#8, %broadcast_in_dim3A_981 : vector<16xi1>, vector<16xf32>
        %add3A_983 = arith.addf %add3A_978, %select_n3A_982 : vector<16xf32>
        %ge3A_984 = arith.cmpf oge, %scan3A_494#9, %select_n3A_821 : vector<16xf32>
        %jit3A_985 = arith.constant 0.000000e+00 : f32
        %broadcast_in_dim3A_986 = vector.broadcast %jit3A_985 : f32 to vector<16xf32>
        %select_n3A_987 = arith.select %ge3A_984, %scan3A_494#9, %broadcast_in_dim3A_986 : vector<16xi1>, vector<16xf32>
        %add3A_988 = arith.addf %add3A_983, %select_n3A_987 : vector<16xf32>
        %ge3A_989 = arith.cmpf oge, %scan3A_494#10, %select_n3A_821 : vector<16xf32>
        %jit3A_990 = arith.constant 0.000000e+00 : f32
        %broadcast_in_dim3A_991 = vector.broadcast %jit3A_990 : f32 to vector<16xf32>
        %select_n3A_992 = arith.select %ge3A_989, %scan3A_494#10, %broadcast_in_dim3A_991 : vector<16xi1>, vector<16xf32>
        %add3A_993 = arith.addf %add3A_988, %select_n3A_992 : vector<16xf32>
        %ge3A_994 = arith.cmpf oge, %scan3A_494#11, %select_n3A_821 : vector<16xf32>
        %jit3A_995 = arith.constant 0.000000e+00 : f32
        %broadcast_in_dim3A_996 = vector.broadcast %jit3A_995 : f32 to vector<16xf32>
        %select_n3A_997 = arith.select %ge3A_994, %scan3A_494#11, %broadcast_in_dim3A_996 : vector<16xi1>, vector<16xf32>
        %add3A_998 = arith.addf %add3A_993, %select_n3A_997 : vector<16xf32>
        %swap3A = arith.constant 0 : index
        %swap3A_999 = tpu.vector_load %arg7[%swap3A] {strides = array<i32>} : memref<16xf32, #tpu.memory_space<vmem>>, vector<16xf32>,
        %swap3A_1000 = vector.shape_cast %swap3A_999 : vector<16xf32> to vector<16xf32>
        %swap3A_1001 = vector.shape_cast %add3A_998 : vector<16xf32> to vector<16xf32>
        tpu.vector_store %arg7[%swap3A], %swap3A_1001 {strides = array<i32>} : memref<16xf32, #tpu.memory_space<vmem>>, vector<16xf32>,
      }
      %get3A_877 = arith.constant 0 : index
      %get3A_878 = tpu.vector_load %arg7[%get3A_877] {strides = array<i32>} : memref<16xf32, #tpu.memory_space<vmem>>, vector<16xf32>,
      %get3A_879 = vector.shape_cast %get3A_878 : vector<16xf32> to vector<16xf32>
      %iota3A_880 = tpu.iota {dimensions = array<i32: 0>} : vector<16xi32>
      %xor3A_881 = arith.constant 8 : i32
      %xor3A_882 = vector.broadcast %xor3A_881 : i32 to vector<16xi32>
      %xor3A_883 = arith.xori %iota3A_880, %xor3A_882 : vector<16xi32>
      %broadcast_in_dim3A_884 = vector.shape_cast %xor3A_883 : vector<16xi32> to vector<16x1xi32>
      %gather3A_885 = vector.shape_cast %broadcast_in_dim3A_884 : vector<16x1xi32> to vector<16xi32>
      %gather3A_886 = tpu.dynamic_gather %get3A_879[%gather3A_885] in [0] : vector<16xf32>, vector<16xi32> -> vector<16xf32>
      %add3A_887 = arith.addf %get3A_879, %gather3A_886 : vector<16xf32>
      %iota3A_888 = tpu.iota {dimensions = array<i32: 0>} : vector<16xi32>
      %xor3A_889 = arith.constant 4 : i32
      %xor3A_890 = vector.broadcast %xor3A_889 : i32 to vector<16xi32>
      %xor3A_891 = arith.xori %iota3A_888, %xor3A_890 : vector<16xi32>
      %broadcast_in_dim3A_892 = vector.shape_cast %xor3A_891 : vector<16xi32> to vector<16x1xi32>
      %gather3A_893 = vector.shape_cast %broadcast_in_dim3A_892 : vector<16x1xi32> to vector<16xi32>
      %gather3A_894 = tpu.dynamic_gather %add3A_887[%gather3A_893] in [0] : vector<16xf32>, vector<16xi32> -> vector<16xf32>
      %add3A_895 = arith.addf %add3A_887, %gather3A_894 : vector<16xf32>
      %iota3A_896 = tpu.iota {dimensions = array<i32: 0>} : vector<16xi32>
      %xor3A_897 = arith.constant 2 : i32
      %xor3A_898 = vector.broadcast %xor3A_897 : i32 to vector<16xi32>
      %xor3A_899 = arith.xori %iota3A_896, %xor3A_898 : vector<16xi32>
      %broadcast_in_dim3A_900 = vector.shape_cast %xor3A_899 : vector<16xi32> to vector<16x1xi32>
      %gather3A_901 = vector.shape_cast %broadcast_in_dim3A_900 : vector<16x1xi32> to vector<16xi32>
      %gather3A_902 = tpu.dynamic_gather %add3A_895[%gather3A_901] in [0] : vector<16xf32>, vector<16xi32> -> vector<16xf32>
      %add3A_903 = arith.addf %add3A_895, %gather3A_902 : vector<16xf32>
      %iota3A_904 = tpu.iota {dimensions = array<i32: 0>} : vector<16xi32>
      %xor3A_905 = arith.constant 1 : i32
      %xor3A_906 = vector.broadcast %xor3A_905 : i32 to vector<16xi32>
      %xor3A_907 = arith.xori %iota3A_904, %xor3A_906 : vector<16xi32>
      %broadcast_in_dim3A_908 = vector.shape_cast %xor3A_907 : vector<16xi32> to vector<16x1xi32>
      %gather3A_909 = vector.shape_cast %broadcast_in_dim3A_908 : vector<16x1xi32> to vector<16xi32>
      %gather3A_910 = tpu.dynamic_gather %add3A_903[%gather3A_909] in [0] : vector<16xf32>, vector<16xi32> -> vector<16xf32>
      %add3A_911 = arith.addf %add3A_903, %gather3A_910 : vector<16xf32>
      %div3A_912 = arith.constant 1.000000e+00 : f32
      %div3A_913 = vector.broadcast %div3A_912 : f32 to vector<16xf32>
      %div3A_914 = arith.divf %div3A_913, %add3A_911 : vector<16xf32>
      %gt3A_915 = arith.constant 0 : i32
      %gt3A_916 = arith.cmpi sgt, %add3A_480, %gt3A_915 : i32
      %convert_element_type3A_917 = arith.extui %gt3A_916 : i1 to i32
      %cond3A_918 = arith.constant 0 : i32
      %cond3A_919 = arith.cmpi ne, %convert_element_type3A_917, %cond3A_918 : i32
      scf.if %cond3A_919 {
        %add3A_940 = arith.addi %mul3A_2, %add3A_480 : i32
        %sub3A_941 = arith.constant 1 : i32
        %sub3A_942 = arith.subi %add3A_940, %sub3A_941 : i32
        %dma_wait3A_943 = arith.constant 0 : i32
        %dma_wait3A_944 = tpu.memref_slice %arg3[%sub3A_942, %dma_wait3A_943] : memref<1024x32768xf32, #tpu.memory_space<hbm>> -> memref<1x32768xf32, #tpu.memory_space<hbm>>
        %dma_wait3A_945 = tpu.memref_squeeze %dma_wait3A_944 : memref<1x32768xf32, #tpu.memory_space<hbm>> -> memref<32768xf32, #tpu.memory_space<hbm>>
        %dma_wait3A_946 = arith.constant 0 : i32
        %dma_wait3A_947 = tpu.memref_slice %arg3[%sub3A_942, %dma_wait3A_946] : memref<1024x32768xf32, #tpu.memory_space<hbm>> -> memref<1x32768xf32, #tpu.memory_space<hbm>>
        %dma_wait3A_948 = tpu.memref_squeeze %dma_wait3A_947 : memref<1x32768xf32, #tpu.memory_space<hbm>> -> memref<32768xf32, #tpu.memory_space<hbm>>
        tpu.wait_dma2 semaphore(%arg10 : memref<!tpu.dma_semaphore, #tpu.memory_space<semaphore_mem>>) src(%arg6 : memref<32768xf32, #tpu.memory_space<vmem>>) dst(%dma_wait3A_948 : memref<32768xf32, #tpu.memory_space<hbm>>)
      } else {
      }
      %scan3A_920 = arith.constant 0 : i32
      %scan3A_921 = arith.constant 0 : i32
      %scan3A_922 = arith.constant 128 : i32
      %scan3A_923 = arith.addi %scan3A_921, %scan3A_922 : i32
      %scan3A_924 = arith.constant 1 : i32
      scf.for %scan3A_940 = %scan3A_921 to %scan3A_923 step %scan3A_924  : i32 {
        %mul3A_941 = arith.constant 256 : i32
        %mul3A_942 = arith.muli %scan3A_940, %mul3A_941 : i32
        %add3A_943 = arith.constant 0 : i32
        %add3A_944 = arith.addi %mul3A_942, %add3A_943 : i32
        %get3A_945 = arith.index_cast %add3A_944 : i32 to index
        %get3A_946 = tpu.vector_load %arg5[%get3A_945] {strides = array<i32>} : memref<32768xf32, #tpu.memory_space<vmem>>, vector<16xf32>,
        %get3A_947 = vector.shape_cast %get3A_946 : vector<16xf32> to vector<16xf32>
        %ge3A_948 = arith.cmpf oge, %get3A_947, %select_n3A_821 : vector<16xf32>
        %mul3A_949 = arith.mulf %get3A_947, %div3A_914 : vector<16xf32>
        %jit3A = arith.constant 0.000000e+00 : f32
        %broadcast_in_dim3A_950 = vector.broadcast %jit3A : f32 to vector<16xf32>
        %select_n3A_951 = arith.select %ge3A_948, %mul3A_949, %broadcast_in_dim3A_950 : vector<16xi1>, vector<16xf32>
        %swap3A = arith.index_cast %add3A_944 : i32 to index
        %swap3A_952 = tpu.vector_load %arg6[%swap3A] {strides = array<i32>} : memref<32768xf32, #tpu.memory_space<vmem>>, vector<16xf32>,
        %swap3A_953 = vector.shape_cast %swap3A_952 : vector<16xf32> to vector<16xf32>
        %swap3A_954 = vector.shape_cast %select_n3A_951 : vector<16xf32> to vector<16xf32>
        tpu.vector_store %arg6[%swap3A], %swap3A_954 {strides = array<i32>} : memref<32768xf32, #tpu.memory_space<vmem>>, vector<16xf32>,
        %add3A_955 = arith.constant 16 : i32
        %add3A_956 = arith.addi %mul3A_942, %add3A_955 : i32
        %get3A_957 = arith.index_cast %add3A_956 : i32 to index
        %get3A_958 = tpu.vector_load %arg5[%get3A_957] {strides = array<i32>} : memref<32768xf32, #tpu.memory_space<vmem>>, vector<16xf32>,
        %get3A_959 = vector.shape_cast %get3A_958 : vector<16xf32> to vector<16xf32>
        %ge3A_960 = arith.cmpf oge, %get3A_959, %select_n3A_821 : vector<16xf32>
        %mul3A_961 = arith.mulf %get3A_959, %div3A_914 : vector<16xf32>
        %jit3A_962 = arith.constant 0.000000e+00 : f32
        %broadcast_in_dim3A_963 = vector.broadcast %jit3A_962 : f32 to vector<16xf32>
        %select_n3A_964 = arith.select %ge3A_960, %mul3A_961, %broadcast_in_dim3A_963 : vector<16xi1>, vector<16xf32>
        %swap3A_965 = arith.index_cast %add3A_956 : i32 to index
        %swap3A_966 = tpu.vector_load %arg6[%swap3A_965] {strides = array<i32>} : memref<32768xf32, #tpu.memory_space<vmem>>, vector<16xf32>,
        %swap3A_967 = vector.shape_cast %swap3A_966 : vector<16xf32> to vector<16xf32>
        %swap3A_968 = vector.shape_cast %select_n3A_964 : vector<16xf32> to vector<16xf32>
        tpu.vector_store %arg6[%swap3A_965], %swap3A_968 {strides = array<i32>} : memref<32768xf32, #tpu.memory_space<vmem>>, vector<16xf32>,
        %add3A_969 = arith.constant 32 : i32
        %add3A_970 = arith.addi %mul3A_942, %add3A_969 : i32
        %get3A_971 = arith.index_cast %add3A_970 : i32 to index
        %get3A_972 = tpu.vector_load %arg5[%get3A_971] {strides = array<i32>} : memref<32768xf32, #tpu.memory_space<vmem>>, vector<16xf32>,
        %get3A_973 = vector.shape_cast %get3A_972 : vector<16xf32> to vector<16xf32>
        %ge3A_974 = arith.cmpf oge, %get3A_973, %select_n3A_821 : vector<16xf32>
        %mul3A_975 = arith.mulf %get3A_973, %div3A_914 : vector<16xf32>
        %jit3A_976 = arith.constant 0.000000e+00 : f32
        %broadcast_in_dim3A_977 = vector.broadcast %jit3A_976 : f32 to vector<16xf32>
        %select_n3A_978 = arith.select %ge3A_974, %mul3A_975, %broadcast_in_dim3A_977 : vector<16xi1>, vector<16xf32>
        %swap3A_979 = arith.index_cast %add3A_970 : i32 to index
        %swap3A_980 = tpu.vector_load %arg6[%swap3A_979] {strides = array<i32>} : memref<32768xf32, #tpu.memory_space<vmem>>, vector<16xf32>,
        %swap3A_981 = vector.shape_cast %swap3A_980 : vector<16xf32> to vector<16xf32>
        %swap3A_982 = vector.shape_cast %select_n3A_978 : vector<16xf32> to vector<16xf32>
        tpu.vector_store %arg6[%swap3A_979], %swap3A_982 {strides = array<i32>} : memref<32768xf32, #tpu.memory_space<vmem>>, vector<16xf32>,
        %add3A_983 = arith.constant 48 : i32
        %add3A_984 = arith.addi %mul3A_942, %add3A_983 : i32
        %get3A_985 = arith.index_cast %add3A_984 : i32 to index
        %get3A_986 = tpu.vector_load %arg5[%get3A_985] {strides = array<i32>} : memref<32768xf32, #tpu.memory_space<vmem>>, vector<16xf32>,
        %get3A_987 = vector.shape_cast %get3A_986 : vector<16xf32> to vector<16xf32>
        %ge3A_988 = arith.cmpf oge, %get3A_987, %select_n3A_821 : vector<16xf32>
        %mul3A_989 = arith.mulf %get3A_987, %div3A_914 : vector<16xf32>
        %jit3A_990 = arith.constant 0.000000e+00 : f32
        %broadcast_in_dim3A_991 = vector.broadcast %jit3A_990 : f32 to vector<16xf32>
        %select_n3A_992 = arith.select %ge3A_988, %mul3A_989, %broadcast_in_dim3A_991 : vector<16xi1>, vector<16xf32>
        %swap3A_993 = arith.index_cast %add3A_984 : i32 to index
        %swap3A_994 = tpu.vector_load %arg6[%swap3A_993] {strides = array<i32>} : memref<32768xf32, #tpu.memory_space<vmem>>, vector<16xf32>,
        %swap3A_995 = vector.shape_cast %swap3A_994 : vector<16xf32> to vector<16xf32>
        %swap3A_996 = vector.shape_cast %select_n3A_992 : vector<16xf32> to vector<16xf32>
        tpu.vector_store %arg6[%swap3A_993], %swap3A_996 {strides = array<i32>} : memref<32768xf32, #tpu.memory_space<vmem>>, vector<16xf32>,
        %add3A_997 = arith.constant 64 : i32
        %add3A_998 = arith.addi %mul3A_942, %add3A_997 : i32
        %get3A_999 = arith.index_cast %add3A_998 : i32 to index
        %get3A_1000 = tpu.vector_load %arg5[%get3A_999] {strides = array<i32>} : memref<32768xf32, #tpu.memory_space<vmem>>, vector<16xf32>,
        %get3A_1001 = vector.shape_cast %get3A_1000 : vector<16xf32> to vector<16xf32>
        %ge3A_1002 = arith.cmpf oge, %get3A_1001, %select_n3A_821 : vector<16xf32>
        %mul3A_1003 = arith.mulf %get3A_1001, %div3A_914 : vector<16xf32>
        %jit3A_1004 = arith.constant 0.000000e+00 : f32
        %broadcast_in_dim3A_1005 = vector.broadcast %jit3A_1004 : f32 to vector<16xf32>
        %select_n3A_1006 = arith.select %ge3A_1002, %mul3A_1003, %broadcast_in_dim3A_1005 : vector<16xi1>, vector<16xf32>
        %swap3A_1007 = arith.index_cast %add3A_998 : i32 to index
        %swap3A_1008 = tpu.vector_load %arg6[%swap3A_1007] {strides = array<i32>} : memref<32768xf32, #tpu.memory_space<vmem>>, vector<16xf32>,
        %swap3A_1009 = vector.shape_cast %swap3A_1008 : vector<16xf32> to vector<16xf32>
        %swap3A_1010 = vector.shape_cast %select_n3A_1006 : vector<16xf32> to vector<16xf32>
        tpu.vector_store %arg6[%swap3A_1007], %swap3A_1010 {strides = array<i32>} : memref<32768xf32, #tpu.memory_space<vmem>>, vector<16xf32>,
        %add3A_1011 = arith.constant 80 : i32
        %add3A_1012 = arith.addi %mul3A_942, %add3A_1011 : i32
        %get3A_1013 = arith.index_cast %add3A_1012 : i32 to index
        %get3A_1014 = tpu.vector_load %arg5[%get3A_1013] {strides = array<i32>} : memref<32768xf32, #tpu.memory_space<vmem>>, vector<16xf32>,
        %get3A_1015 = vector.shape_cast %get3A_1014 : vector<16xf32> to vector<16xf32>
        %ge3A_1016 = arith.cmpf oge, %get3A_1015, %select_n3A_821 : vector<16xf32>
        %mul3A_1017 = arith.mulf %get3A_1015, %div3A_914 : vector<16xf32>
        %jit3A_1018 = arith.constant 0.000000e+00 : f32
        %broadcast_in_dim3A_1019 = vector.broadcast %jit3A_1018 : f32 to vector<16xf32>
        %select_n3A_1020 = arith.select %ge3A_1016, %mul3A_1017, %broadcast_in_dim3A_1019 : vector<16xi1>, vector<16xf32>
        %swap3A_1021 = arith.index_cast %add3A_1012 : i32 to index
        %swap3A_1022 = tpu.vector_load %arg6[%swap3A_1021] {strides = array<i32>} : memref<32768xf32, #tpu.memory_space<vmem>>, vector<16xf32>,
        %swap3A_1023 = vector.shape_cast %swap3A_1022 : vector<16xf32> to vector<16xf32>
        %swap3A_1024 = vector.shape_cast %select_n3A_1020 : vector<16xf32> to vector<16xf32>
        tpu.vector_store %arg6[%swap3A_1021], %swap3A_1024 {strides = array<i32>} : memref<32768xf32, #tpu.memory_space<vmem>>, vector<16xf32>,
        %add3A_1025 = arith.constant 96 : i32
        %add3A_1026 = arith.addi %mul3A_942, %add3A_1025 : i32
        %get3A_1027 = arith.index_cast %add3A_1026 : i32 to index
        %get3A_1028 = tpu.vector_load %arg5[%get3A_1027] {strides = array<i32>} : memref<32768xf32, #tpu.memory_space<vmem>>, vector<16xf32>,
        %get3A_1029 = vector.shape_cast %get3A_1028 : vector<16xf32> to vector<16xf32>
        %ge3A_1030 = arith.cmpf oge, %get3A_1029, %select_n3A_821 : vector<16xf32>
        %mul3A_1031 = arith.mulf %get3A_1029, %div3A_914 : vector<16xf32>
        %jit3A_1032 = arith.constant 0.000000e+00 : f32
        %broadcast_in_dim3A_1033 = vector.broadcast %jit3A_1032 : f32 to vector<16xf32>
        %select_n3A_1034 = arith.select %ge3A_1030, %mul3A_1031, %broadcast_in_dim3A_1033 : vector<16xi1>, vector<16xf32>
        %swap3A_1035 = arith.index_cast %add3A_1026 : i32 to index
        %swap3A_1036 = tpu.vector_load %arg6[%swap3A_1035] {strides = array<i32>} : memref<32768xf32, #tpu.memory_space<vmem>>, vector<16xf32>,
        %swap3A_1037 = vector.shape_cast %swap3A_1036 : vector<16xf32> to vector<16xf32>
        %swap3A_1038 = vector.shape_cast %select_n3A_1034 : vector<16xf32> to vector<16xf32>
        tpu.vector_store %arg6[%swap3A_1035], %swap3A_1038 {strides = array<i32>} : memref<32768xf32, #tpu.memory_space<vmem>>, vector<16xf32>,
        %add3A_1039 = arith.constant 112 : i32
        %add3A_1040 = arith.addi %mul3A_942, %add3A_1039 : i32
        %get3A_1041 = arith.index_cast %add3A_1040 : i32 to index
        %get3A_1042 = tpu.vector_load %arg5[%get3A_1041] {strides = array<i32>} : memref<32768xf32, #tpu.memory_space<vmem>>, vector<16xf32>,
        %get3A_1043 = vector.shape_cast %get3A_1042 : vector<16xf32> to vector<16xf32>
        %ge3A_1044 = arith.cmpf oge, %get3A_1043, %select_n3A_821 : vector<16xf32>
        %mul3A_1045 = arith.mulf %get3A_1043, %div3A_914 : vector<16xf32>
        %jit3A_1046 = arith.constant 0.000000e+00 : f32
        %broadcast_in_dim3A_1047 = vector.broadcast %jit3A_1046 : f32 to vector<16xf32>
        %select_n3A_1048 = arith.select %ge3A_1044, %mul3A_1045, %broadcast_in_dim3A_1047 : vector<16xi1>, vector<16xf32>
        %swap3A_1049 = arith.index_cast %add3A_1040 : i32 to index
        %swap3A_1050 = tpu.vector_load %arg6[%swap3A_1049] {strides = array<i32>} : memref<32768xf32, #tpu.memory_space<vmem>>, vector<16xf32>,
        %swap3A_1051 = vector.shape_cast %swap3A_1050 : vector<16xf32> to vector<16xf32>
        %swap3A_1052 = vector.shape_cast %select_n3A_1048 : vector<16xf32> to vector<16xf32>
        tpu.vector_store %arg6[%swap3A_1049], %swap3A_1052 {strides = array<i32>} : memref<32768xf32, #tpu.memory_space<vmem>>, vector<16xf32>,
        %add3A_1053 = arith.constant 128 : i32
        %add3A_1054 = arith.addi %mul3A_942, %add3A_1053 : i32
        %get3A_1055 = arith.index_cast %add3A_1054 : i32 to index
        %get3A_1056 = tpu.vector_load %arg5[%get3A_1055] {strides = array<i32>} : memref<32768xf32, #tpu.memory_space<vmem>>, vector<16xf32>,
        %get3A_1057 = vector.shape_cast %get3A_1056 : vector<16xf32> to vector<16xf32>
        %ge3A_1058 = arith.cmpf oge, %get3A_1057, %select_n3A_821 : vector<16xf32>
        %mul3A_1059 = arith.mulf %get3A_1057, %div3A_914 : vector<16xf32>
        %jit3A_1060 = arith.constant 0.000000e+00 : f32
        %broadcast_in_dim3A_1061 = vector.broadcast %jit3A_1060 : f32 to vector<16xf32>
        %select_n3A_1062 = arith.select %ge3A_1058, %mul3A_1059, %broadcast_in_dim3A_1061 : vector<16xi1>, vector<16xf32>
        %swap3A_1063 = arith.index_cast %add3A_1054 : i32 to index
        %swap3A_1064 = tpu.vector_load %arg6[%swap3A_1063] {strides = array<i32>} : memref<32768xf32, #tpu.memory_space<vmem>>, vector<16xf32>,
        %swap3A_1065 = vector.shape_cast %swap3A_1064 : vector<16xf32> to vector<16xf32>
        %swap3A_1066 = vector.shape_cast %select_n3A_1062 : vector<16xf32> to vector<16xf32>
        tpu.vector_store %arg6[%swap3A_1063], %swap3A_1066 {strides = array<i32>} : memref<32768xf32, #tpu.memory_space<vmem>>, vector<16xf32>,
        %add3A_1067 = arith.constant 144 : i32
        %add3A_1068 = arith.addi %mul3A_942, %add3A_1067 : i32
        %get3A_1069 = arith.index_cast %add3A_1068 : i32 to index
        %get3A_1070 = tpu.vector_load %arg5[%get3A_1069] {strides = array<i32>} : memref<32768xf32, #tpu.memory_space<vmem>>, vector<16xf32>,
        %get3A_1071 = vector.shape_cast %get3A_1070 : vector<16xf32> to vector<16xf32>
        %ge3A_1072 = arith.cmpf oge, %get3A_1071, %select_n3A_821 : vector<16xf32>
        %mul3A_1073 = arith.mulf %get3A_1071, %div3A_914 : vector<16xf32>
        %jit3A_1074 = arith.constant 0.000000e+00 : f32
        %broadcast_in_dim3A_1075 = vector.broadcast %jit3A_1074 : f32 to vector<16xf32>
        %select_n3A_1076 = arith.select %ge3A_1072, %mul3A_1073, %broadcast_in_dim3A_1075 : vector<16xi1>, vector<16xf32>
        %swap3A_1077 = arith.index_cast %add3A_1068 : i32 to index
        %swap3A_1078 = tpu.vector_load %arg6[%swap3A_1077] {strides = array<i32>} : memref<32768xf32, #tpu.memory_space<vmem>>, vector<16xf32>,
        %swap3A_1079 = vector.shape_cast %swap3A_1078 : vector<16xf32> to vector<16xf32>
        %swap3A_1080 = vector.shape_cast %select_n3A_1076 : vector<16xf32> to vector<16xf32>
        tpu.vector_store %arg6[%swap3A_1077], %swap3A_1080 {strides = array<i32>} : memref<32768xf32, #tpu.memory_space<vmem>>, vector<16xf32>,
        %add3A_1081 = arith.constant 160 : i32
        %add3A_1082 = arith.addi %mul3A_942, %add3A_1081 : i32
        %get3A_1083 = arith.index_cast %add3A_1082 : i32 to index
        %get3A_1084 = tpu.vector_load %arg5[%get3A_1083] {strides = array<i32>} : memref<32768xf32, #tpu.memory_space<vmem>>, vector<16xf32>,
        %get3A_1085 = vector.shape_cast %get3A_1084 : vector<16xf32> to vector<16xf32>
        %ge3A_1086 = arith.cmpf oge, %get3A_1085, %select_n3A_821 : vector<16xf32>
        %mul3A_1087 = arith.mulf %get3A_1085, %div3A_914 : vector<16xf32>
        %jit3A_1088 = arith.constant 0.000000e+00 : f32
        %broadcast_in_dim3A_1089 = vector.broadcast %jit3A_1088 : f32 to vector<16xf32>
        %select_n3A_1090 = arith.select %ge3A_1086, %mul3A_1087, %broadcast_in_dim3A_1089 : vector<16xi1>, vector<16xf32>
        %swap3A_1091 = arith.index_cast %add3A_1082 : i32 to index
        %swap3A_1092 = tpu.vector_load %arg6[%swap3A_1091] {strides = array<i32>} : memref<32768xf32, #tpu.memory_space<vmem>>, vector<16xf32>,
        %swap3A_1093 = vector.shape_cast %swap3A_1092 : vector<16xf32> to vector<16xf32>
        %swap3A_1094 = vector.shape_cast %select_n3A_1090 : vector<16xf32> to vector<16xf32>
        tpu.vector_store %arg6[%swap3A_1091], %swap3A_1094 {strides = array<i32>} : memref<32768xf32, #tpu.memory_space<vmem>>, vector<16xf32>,
        %add3A_1095 = arith.constant 176 : i32
        %add3A_1096 = arith.addi %mul3A_942, %add3A_1095 : i32
        %get3A_1097 = arith.index_cast %add3A_1096 : i32 to index
        %get3A_1098 = tpu.vector_load %arg5[%get3A_1097] {strides = array<i32>} : memref<32768xf32, #tpu.memory_space<vmem>>, vector<16xf32>,
        %get3A_1099 = vector.shape_cast %get3A_1098 : vector<16xf32> to vector<16xf32>
        %ge3A_1100 = arith.cmpf oge, %get3A_1099, %select_n3A_821 : vector<16xf32>
        %mul3A_1101 = arith.mulf %get3A_1099, %div3A_914 : vector<16xf32>
        %jit3A_1102 = arith.constant 0.000000e+00 : f32
        %broadcast_in_dim3A_1103 = vector.broadcast %jit3A_1102 : f32 to vector<16xf32>
        %select_n3A_1104 = arith.select %ge3A_1100, %mul3A_1101, %broadcast_in_dim3A_1103 : vector<16xi1>, vector<16xf32>
        %swap3A_1105 = arith.index_cast %add3A_1096 : i32 to index
        %swap3A_1106 = tpu.vector_load %arg6[%swap3A_1105] {strides = array<i32>} : memref<32768xf32, #tpu.memory_space<vmem>>, vector<16xf32>,
        %swap3A_1107 = vector.shape_cast %swap3A_1106 : vector<16xf32> to vector<16xf32>
        %swap3A_1108 = vector.shape_cast %select_n3A_1104 : vector<16xf32> to vector<16xf32>
        tpu.vector_store %arg6[%swap3A_1105], %swap3A_1108 {strides = array<i32>} : memref<32768xf32, #tpu.memory_space<vmem>>, vector<16xf32>,
        %add3A_1109 = arith.constant 192 : i32
        %add3A_1110 = arith.addi %mul3A_942, %add3A_1109 : i32
        %get3A_1111 = arith.index_cast %add3A_1110 : i32 to index
        %get3A_1112 = tpu.vector_load %arg5[%get3A_1111] {strides = array<i32>} : memref<32768xf32, #tpu.memory_space<vmem>>, vector<16xf32>,
        %get3A_1113 = vector.shape_cast %get3A_1112 : vector<16xf32> to vector<16xf32>
        %ge3A_1114 = arith.cmpf oge, %get3A_1113, %select_n3A_821 : vector<16xf32>
        %mul3A_1115 = arith.mulf %get3A_1113, %div3A_914 : vector<16xf32>
        %jit3A_1116 = arith.constant 0.000000e+00 : f32
        %broadcast_in_dim3A_1117 = vector.broadcast %jit3A_1116 : f32 to vector<16xf32>
        %select_n3A_1118 = arith.select %ge3A_1114, %mul3A_1115, %broadcast_in_dim3A_1117 : vector<16xi1>, vector<16xf32>
        %swap3A_1119 = arith.index_cast %add3A_1110 : i32 to index
        %swap3A_1120 = tpu.vector_load %arg6[%swap3A_1119] {strides = array<i32>} : memref<32768xf32, #tpu.memory_space<vmem>>, vector<16xf32>,
        %swap3A_1121 = vector.shape_cast %swap3A_1120 : vector<16xf32> to vector<16xf32>
        %swap3A_1122 = vector.shape_cast %select_n3A_1118 : vector<16xf32> to vector<16xf32>
        tpu.vector_store %arg6[%swap3A_1119], %swap3A_1122 {strides = array<i32>} : memref<32768xf32, #tpu.memory_space<vmem>>, vector<16xf32>,
        %add3A_1123 = arith.constant 208 : i32
        %add3A_1124 = arith.addi %mul3A_942, %add3A_1123 : i32
        %get3A_1125 = arith.index_cast %add3A_1124 : i32 to index
        %get3A_1126 = tpu.vector_load %arg5[%get3A_1125] {strides = array<i32>} : memref<32768xf32, #tpu.memory_space<vmem>>, vector<16xf32>,
        %get3A_1127 = vector.shape_cast %get3A_1126 : vector<16xf32> to vector<16xf32>
        %ge3A_1128 = arith.cmpf oge, %get3A_1127, %select_n3A_821 : vector<16xf32>
        %mul3A_1129 = arith.mulf %get3A_1127, %div3A_914 : vector<16xf32>
        %jit3A_1130 = arith.constant 0.000000e+00 : f32
        %broadcast_in_dim3A_1131 = vector.broadcast %jit3A_1130 : f32 to vector<16xf32>
        %select_n3A_1132 = arith.select %ge3A_1128, %mul3A_1129, %broadcast_in_dim3A_1131 : vector<16xi1>, vector<16xf32>
        %swap3A_1133 = arith.index_cast %add3A_1124 : i32 to index
        %swap3A_1134 = tpu.vector_load %arg6[%swap3A_1133] {strides = array<i32>} : memref<32768xf32, #tpu.memory_space<vmem>>, vector<16xf32>,
        %swap3A_1135 = vector.shape_cast %swap3A_1134 : vector<16xf32> to vector<16xf32>
        %swap3A_1136 = vector.shape_cast %select_n3A_1132 : vector<16xf32> to vector<16xf32>
        tpu.vector_store %arg6[%swap3A_1133], %swap3A_1136 {strides = array<i32>} : memref<32768xf32, #tpu.memory_space<vmem>>, vector<16xf32>,
        %add3A_1137 = arith.constant 224 : i32
        %add3A_1138 = arith.addi %mul3A_942, %add3A_1137 : i32
        %get3A_1139 = arith.index_cast %add3A_1138 : i32 to index
        %get3A_1140 = tpu.vector_load %arg5[%get3A_1139] {strides = array<i32>} : memref<32768xf32, #tpu.memory_space<vmem>>, vector<16xf32>,
        %get3A_1141 = vector.shape_cast %get3A_1140 : vector<16xf32> to vector<16xf32>
        %ge3A_1142 = arith.cmpf oge, %get3A_1141, %select_n3A_821 : vector<16xf32>
        %mul3A_1143 = arith.mulf %get3A_1141, %div3A_914 : vector<16xf32>
        %jit3A_1144 = arith.constant 0.000000e+00 : f32
        %broadcast_in_dim3A_1145 = vector.broadcast %jit3A_1144 : f32 to vector<16xf32>
        %select_n3A_1146 = arith.select %ge3A_1142, %mul3A_1143, %broadcast_in_dim3A_1145 : vector<16xi1>, vector<16xf32>
        %swap3A_1147 = arith.index_cast %add3A_1138 : i32 to index
        %swap3A_1148 = tpu.vector_load %arg6[%swap3A_1147] {strides = array<i32>} : memref<32768xf32, #tpu.memory_space<vmem>>, vector<16xf32>,
        %swap3A_1149 = vector.shape_cast %swap3A_1148 : vector<16xf32> to vector<16xf32>
        %swap3A_1150 = vector.shape_cast %select_n3A_1146 : vector<16xf32> to vector<16xf32>
        tpu.vector_store %arg6[%swap3A_1147], %swap3A_1150 {strides = array<i32>} : memref<32768xf32, #tpu.memory_space<vmem>>, vector<16xf32>,
        %add3A_1151 = arith.constant 240 : i32
        %add3A_1152 = arith.addi %mul3A_942, %add3A_1151 : i32
        %get3A_1153 = arith.index_cast %add3A_1152 : i32 to index
        %get3A_1154 = tpu.vector_load %arg5[%get3A_1153] {strides = array<i32>} : memref<32768xf32, #tpu.memory_space<vmem>>, vector<16xf32>,
        %get3A_1155 = vector.shape_cast %get3A_1154 : vector<16xf32> to vector<16xf32>
        %ge3A_1156 = arith.cmpf oge, %get3A_1155, %select_n3A_821 : vector<16xf32>
        %mul3A_1157 = arith.mulf %get3A_1155, %div3A_914 : vector<16xf32>
        %jit3A_1158 = arith.constant 0.000000e+00 : f32
        %broadcast_in_dim3A_1159 = vector.broadcast %jit3A_1158 : f32 to vector<16xf32>
        %select_n3A_1160 = arith.select %ge3A_1156, %mul3A_1157, %broadcast_in_dim3A_1159 : vector<16xi1>, vector<16xf32>
        %swap3A_1161 = arith.index_cast %add3A_1152 : i32 to index
        %swap3A_1162 = tpu.vector_load %arg6[%swap3A_1161] {strides = array<i32>} : memref<32768xf32, #tpu.memory_space<vmem>>, vector<16xf32>,
        %swap3A_1163 = vector.shape_cast %swap3A_1162 : vector<16xf32> to vector<16xf32>
        %swap3A_1164 = vector.shape_cast %select_n3A_1160 : vector<16xf32> to vector<16xf32>
        tpu.vector_store %arg6[%swap3A_1161], %swap3A_1164 {strides = array<i32>} : memref<32768xf32, #tpu.memory_space<vmem>>, vector<16xf32>,
      }
      %scan3A_925 = arith.constant 128 : i32
      %add3A_926 = arith.addi %mul3A_2, %add3A_480 : i32
      %dma_start3A_927 = arith.constant 0 : i32
      %dma_start3A_928 = tpu.memref_slice %arg3[%add3A_926, %dma_start3A_927] : memref<1024x32768xf32, #tpu.memory_space<hbm>> -> memref<1x32768xf32, #tpu.memory_space<hbm>>
      %dma_start3A_929 = tpu.memref_squeeze %dma_start3A_928 : memref<1x32768xf32, #tpu.memory_space<hbm>> -> memref<32768xf32, #tpu.memory_space<hbm>>
      %dma_start3A_930 = arith.constant 0 : i32
      %dma_start3A_931 = tpu.memref_slice %arg3[%add3A_926, %dma_start3A_930] : memref<1024x32768xf32, #tpu.memory_space<hbm>> -> memref<1x32768xf32, #tpu.memory_space<hbm>>
      %dma_start3A_932 = tpu.memref_squeeze %dma_start3A_931 : memref<1x32768xf32, #tpu.memory_space<hbm>> -> memref<32768xf32, #tpu.memory_space<hbm>>
      tpu.enqueue_dma source(%arg6 : memref<32768xf32, #tpu.memory_space<vmem>>) target(%dma_start3A_932 : memref<32768xf32, #tpu.memory_space<hbm>>) target_semaphore(%arg10 : memref<!tpu.dma_semaphore, #tpu.memory_space<semaphore_mem>>)
      %add3A_933 = arith.constant 2 : i32
      %add3A_934 = arith.addi %add3A_480, %add3A_933 : i32
      %lt3A_935 = arith.constant 32 : i32
      %lt3A_936 = arith.cmpi slt, %add3A_934, %lt3A_935 : i32
      %convert_element_type3A_937 = arith.extui %lt3A_936 : i1 to i32
      %cond3A_938 = arith.constant 0 : i32
      %cond3A_939 = arith.cmpi ne, %convert_element_type3A_937, %cond3A_938 : i32
      scf.if %cond3A_939 {
        %add3A_940 = arith.addi %mul3A_2, %add3A_480 : i32
        %add3A_941 = arith.constant 2 : i32
        %add3A_942 = arith.addi %add3A_940, %add3A_941 : i32
        %dma_start3A_943 = arith.constant 0 : i32
        %dma_start3A_944 = tpu.memref_slice %arg2[%add3A_942, %dma_start3A_943] : memref<1024x32768xf32, #tpu.memory_space<hbm>> -> memref<1x32768xf32, #tpu.memory_space<hbm>>
        %dma_start3A_945 = tpu.memref_squeeze %dma_start3A_944 : memref<1x32768xf32, #tpu.memory_space<hbm>> -> memref<32768xf32, #tpu.memory_space<hbm>>
        %dma_start3A_946 = arith.constant 0 : i32
        %dma_start3A_947 = tpu.memref_slice %arg2[%add3A_942, %dma_start3A_946] : memref<1024x32768xf32, #tpu.memory_space<hbm>> -> memref<1x32768xf32, #tpu.memory_space<hbm>>
        %dma_start3A_948 = tpu.memref_squeeze %dma_start3A_947 : memref<1x32768xf32, #tpu.memory_space<hbm>> -> memref<32768xf32, #tpu.memory_space<hbm>>
        tpu.enqueue_dma source(%dma_start3A_948 : memref<32768xf32, #tpu.memory_space<hbm>>) target(%arg5 : memref<32768xf32, #tpu.memory_space<vmem>>) target_semaphore(%arg9 : memref<!tpu.dma_semaphore, #tpu.memory_space<semaphore_mem>>)
      } else {
      }
    }
    %scan3A_20 = arith.constant 16 : i32
    %add3A_21 = arith.constant 32 : i32
    %add3A_22 = arith.addi %mul3A_2, %add3A_21 : i32
    %sub3A = arith.constant 1 : i32
    %sub3A_23 = arith.subi %add3A_22, %sub3A : i32
    %dma_wait3A = arith.constant 0 : i32
    %dma_wait3A_24 = tpu.memref_slice %arg3[%sub3A_23, %dma_wait3A] : memref<1024x32768xf32, #tpu.memory_space<hbm>> -> memref<1x32768xf32, #tpu.memory_space<hbm>>
    %dma_wait3A_25 = tpu.memref_squeeze %dma_wait3A_24 : memref<1x32768xf32, #tpu.memory_space<hbm>> -> memref<32768xf32, #tpu.memory_space<hbm>>
    %dma_wait3A_26 = arith.constant 0 : i32
    %dma_wait3A_27 = tpu.memref_slice %arg3[%sub3A_23, %dma_wait3A_26] : memref<1024x32768xf32, #tpu.memory_space<hbm>> -> memref<1x32768xf32, #tpu.memory_space<hbm>>
    %dma_wait3A_28 = tpu.memref_squeeze %dma_wait3A_27 : memref<1x32768xf32, #tpu.memory_space<hbm>> -> memref<32768xf32, #tpu.memory_space<hbm>>
    tpu.wait_dma2 semaphore(%arg10 : memref<!tpu.dma_semaphore, #tpu.memory_space<semaphore_mem>>) src(%arg6 : memref<32768xf32, #tpu.memory_space<vmem>>) dst(%dma_wait3A_28 : memref<32768xf32, #tpu.memory_space<hbm>>)
    return
  }
}

</mosaic_0001>

<sc_bundles>
// kernel: kernel.3.cloned.1.call-start
scs
__scs_entry_jumppad:
0x0: {  	(pc) =	sbr.rel $0x88, $3  }
0x1: {  	(tag) =	ssettag $0x0;
	lr =	simm.s32 $0x1  }
0x2: {  	[smem:$0x3FA0] =	sst lr;
	_ =	strace $0xD0000000  }
0x3: {  	_ = 	snop  }
0x4: {  	_ = 	snop  }
0x5: {  	_ = 	snop  }
0x6: {  	_ = 	snop  }
0x7: {  	_ = 	snop  }
__scs_overlays_trampoline_lowered:
0x8: {  	[smem:$0x3FAF] =	sst s0  }
0x9: {  	[smem:$0x3FB0] =	sst s1  }
0xa: {  	[smem:$0x3FB1] =	sst s2  }
0xb: {  	[smem:$0x3FB2] =	sst s3  }
0xc: {  	[smem:$0x3FB3] =	sst s4  }
0xd: {  	[smem:$0x3FB4] =	sst s5  }
0xe: {  	[smem:$0x3FB5] =	sst s6  }
0xf: {  	[smem:$0x3FB6] =	sst s7  }
0x10: {  	[smem:$0x3FB7] =	sst s8  }
0x11: {  	[smem:$0x3FB8] =	sst s9;
	s0 =	simm.s32 @!p0 $0x0  }
0x12: {  	s1 =	sld [smem:$0x3F9E];
	s0 =	simm.s32 @p0 $0x1  }
0x13: {  	[smem:$0x3FB9] =	sst s0;
	s0 =	simm.s32 @!p1 $0x0  }
0x14: {  	s2 =	sld [smem:$0x3F9D];
	s0 =	simm.s32 @p1 $0x1  }
0x15: {  	[smem:$0x3FBA] =	sst s0;
	s0 =	simm.s32 @!p2 $0x0  }
0x16: {  	s3 =	sld [smem:$0x3FDB];
	s0 =	simm.s32 @p2 $0x1  }
0x17: {  	s4 =	simm.s32 $0x1BF5;
	[smem:$0x3FBC] =	sst s0  }
0x18: {  	s0 =	sld [smem:$0x3F9F];
	_ =	swait.ge [sflag:s4], $0x0  }
0x19: {  	s7 =	sld [smem:$0x3FA0]  }
0x1a: {  	s8 =	sadd.s32 $0xFFFFE003, lr  }
0x1b: {  	s9 =	sadd.s32 $0xFFFFFEF7, lr;
	s5 =	simm.s32 $0xFFFFFFFF;
	p2 =	slt.u32 s8, $0xFFFFF086  }
0x1c: {  	p1 =	slt.u32 s9, $0xF7A;
	s5 =	simm.s32 @!p2 $0x0  }
0x1d: {  	s5 =	simm.s32 @p1 $0x1;
	p0 =	seq.s32 s7, s2  }
0x1e: {  	s7 =	smul.u32 @!p0 $0xF7A, s2;
	p2 =	seq.s32 @!p0 s5, $0x0  }
0x1f: {  	s9 =	smul.u32 $0xF7A, s1;
	s8 =	simm.s32 @!p0 $0x1BF5;
	p2 =	por !p2, p0  }
0x20: {  	[sflag:s8] =	ssyncset.s32 @!p0 $0xFFFFF086;
	s6 =	sadd.s32 @!p0 s3, s7;
	s7 =	simm.s32 @!p0 $0x108  }
0x21: {  	s3 =	sadd.s32 s3, s9;
	s6 =	sadd.s32 @!p0 $0x88, s6;
	s7 =	simm.s32 @p2 $0x1082  }
0x22: {  	[simem:s7], [sflag:s8] =	dma.local @!p0 [hbm:s6], $0xF7A  }
0x23: {  	s9 =	sor.u32 $0xD0000000, s2;
	s6 =	simm.s32 $0x108;
	_ =	swait.ge @!p0 [sflag:s8], $0x0  }
0x24: {  	s3 =	sadd.s32 $0x88, s3;
	s6 =	simm.s32 @!p1 $0x1082;
	[sflag:s4] =	ssyncset.s32 $0xFFFFF086  }
0x25: {  	[simem:s6], [sflag:s4] =	dma.local [hbm:s3], $0xF7A  }
0x26: {  	[smem:$0x3FA0] =	sst s1;
	(tag) =	ssettag s2;
	_ =	strace s9  }
0x27: {  	s1 =	sld [smem:$0x3FB0]  }
0x28: {  	s2 =	sld [smem:$0x3FB1]  }
0x29: {  	s4 =	sld [smem:$0x3FB3]  }
0x2a: {  	p0 =	seq.s32 s5, $0x0;
	s5 =	sld [smem:$0x3FB4]  }
0x2b: {  	s6 =	sld [smem:$0x3FB5]  }
0x2c: {  	s7 =	sld [smem:$0x3FB6]  }
0x2d: {  	s3 =	simm.s32 $0x108;
	s8 =	sld [smem:$0x3FB7]  }
0x2e: {  	s3 =	simm.s32 @!p0 $0x1082;
	s9 =	sld [smem:$0x3FB8]  }
0x2f: {  	lr =	sadd.s32 s0, s3;
	s0 =	sld [smem:$0x3FAF]  }
0x30: {  	s3 =	sld [smem:$0x3FB2]  }
0x31: {  	[smem:$0x3FBB] =	sst s10  }
0x32: {  	s10 =	sld [smem:$0x3FB9];
	_ =	sdelay $0x3  }
0x33: {  	p0 =	seq.s32 s10, $0x1;
	s10 =	sld [smem:$0x3FBB];
	_ =	sdelay $0x3  }
0x34: {  	[smem:$0x3FBB] =	sst s10  }
0x35: {  	s10 =	sld [smem:$0x3FBA];
	_ =	sdelay $0x3  }
0x36: {  	p1 =	seq.s32 s10, $0x1;
	s10 =	sld [smem:$0x3FBB];
	_ =	sdelay $0x3  }
0x37: {  	[smem:$0x3FBB] =	sst s10  }
0x38: {  	s10 =	sld [smem:$0x3FBC]  }
0x39: {  	_ = 	snop;
	(pc) =	sbr.ind lr, $3  }
0x3a: {  	_ = 	snop  }
0x3b: {  	_ = 	snop  }
0x3c: {  	p2 =	seq.s32 s10, $0x1;
	s10 =	sld [smem:$0x3FBB]  }
0x3d: {  	_ =	shalt  }
0x3e: {  	_ =	shalt  }
0x3f: {  	_ =	shalt  }
0x40: {  	_ =	shalt  }
0x41: {  	_ =	shalt  }
0x42: {  	_ =	shalt  }
0x43: {  	_ =	shalt  }
0x44: {  	_ =	shalt  }
0x45: {  	_ =	shalt  }
0x46: {  	_ =	shalt  }
0x47: {  	_ =	shalt  }
0x48: {  	_ =	shalt  }
0x49: {  	_ =	shalt  }
0x4a: {  	_ =	shalt  }
0x4b: {  	_ =	shalt  }
0x4c: {  	_ =	shalt  }
0x4d: {  	_ =	shalt  }
0x4e: {  	_ =	shalt  }
0x4f: {  	_ =	shalt  }
0x50: {  	_ =	shalt  }
0x51: {  	_ =	shalt  }
0x52: {  	_ =	shalt  }
0x53: {  	_ =	shalt  }
0x54: {  	_ =	shalt  }
0x55: {  	_ =	shalt  }
0x56: {  	_ =	shalt  }
0x57: {  	_ =	shalt  }
0x58: {  	_ =	shalt  }
0x59: {  	_ =	shalt  }
0x5a: {  	_ =	shalt  }
0x5b: {  	_ =	shalt  }
0x5c: {  	_ =	shalt  }
0x5d: {  	_ =	shalt  }
0x5e: {  	_ =	shalt  }
0x5f: {  	_ =	shalt  }
0x60: {  	_ =	shalt  }
0x61: {  	_ =	shalt  }
0x62: {  	_ =	shalt  }
0x63: {  	_ =	shalt  }
0x64: {  	_ =	shalt  }
0x65: {  	_ =	shalt  }
0x66: {  	_ =	shalt  }
0x67: {  	_ =	shalt  }
0x68: {  	_ =	shalt  }
0x69: {  	_ =	shalt  }
0x6a: {  	_ =	shalt  }
0x6b: {  	_ =	shalt  }
0x6c: {  	_ =	shalt  }
0x6d: {  	_ =	shalt  }
0x6e: {  	_ =	shalt  }
0x6f: {  	_ =	shalt  }
0x70: {  	_ =	shalt  }
0x71: {  	_ =	shalt  }
0x72: {  	_ =	shalt  }
0x73: {  	_ =	shalt  }
0x74: {  	_ =	shalt  }
0x75: {  	_ =	shalt  }
0x76: {  	_ =	shalt  }
0x77: {  	_ =	shalt  }
0x78: {  	_ =	shalt  }
0x79: {  	_ =	shalt  }
0x7a: {  	_ =	shalt  }
0x7b: {  	_ =	shalt  }
0x7c: {  	_ =	shalt  }
0x7d: {  	_ =	shalt  }
0x7e: {  	_ =	shalt  }
0x7f: {  	_ =	shalt  }
0x80: {  	_ =	shalt  }
0x81: {  	_ =	shalt  }
0x82: {  	_ =	shalt  }
0x83: {  	_ =	shalt  }
0x84: {  	_ =	shalt  }
0x85: {  	_ =	shalt  }
0x86: {  	_ =	shalt  }
0x87: {  	_ =	shalt  }
.Lfunc_end0:
.L_simem_size_0:
called_computation_lowered:
.L_overlay_start_0:
0x88: {  	s2 =	sld [smem:$0x3FD9]  }
0x89: {  	s3 =	sld [smem:$0x3FFE];
	_ =	sdelay $0x1  }
0x8a: {  	s1 =	srdreg.scid  }
0x8b: {  	s0 =	sand.u32 $0x1, s1  }
0x8c: {  	s18 =	sshll.u32 s0, $0xA;
	s2 =	sadd.s32 s3, s2  }
0x8d: {  	s2 =	sadd.s32 s2, s18  }
0x8e: {  	[smem:$0x3FC7] =	sst s2  }
0x8f: {  	_ = 	snop  }
0x90: {  	s2 =	sld [smem:$0x3FC9]  }
0x91: {  	s19 =	sld [smem:$0x3FD0];
	(tm) =	ssettm $0x1  }
0x92: {  	s4 =	sld [smem:$0x3FFB];
	_ =	sdelay $0x3  }
0x93: {  	_ =	strace s4  }
0x94: {  	s4 =	sld [smem:$0x3FFC];
	_ =	sdelay $0x3  }
0x95: {  	_ =	strace s4  }
0x96: {  	s4 =	sld [smem:$0x3FFD];
	_ =	sdelay $0x3  }
0x97: {  	_ =	strace s4  }
0x98: {  	_ =	strace $0x8FFFFFFF  }
0x99: {  	s20 =	sld [smem:$0x3FDB];
	_ =	sdelay $0x1  }
0x9a: {  	s5 =	simm.s32 $_scs_section_size  }
0x9b: {  	s6 =	simm.s32 $_size__tile_overlayer_lowered;
	s7 =	simm.s32 $_tile_overlayer_lowered  }
0x9c: {  	s23 =	simm.s32 $0x1BFF;
	s22 =	sshll.u32 s7, $0x1;
	s4 =	sadd.s32 s5, s20  }
0x9d: {  	s8 =	simm.s32 $0x0;
	s21 =	sshll.u32 s6, $0x1;
	s6 =	sadd.s32 s22, s4  }
0x9e: {  	[timem:s8], [sflag:s23] =	dma.local [hbm:s6], s21  }
0x9f: {  	_ =	swait.ge [sflag:s23], s21  }
0xa0: {  	s5 =	ssub.s32 $0x0, s21;
	[sflag:s23] =	ssyncset.done $0x0  }
0xa1: {  	[sflag:s23] =	ssyncadd.s32 s5;
	_ =	sdelay $0x1  }
0xa2: {  	s24 =	simm.s32 $0x1B8B  }
0xa3: {  	_ =	swait.ge [sflag:s24], $0x1  }
0xa4: {  	[sflag:s24] =	ssyncset.done $0x0  }
0xa5: {  	s25 =	simm.s32 $0x1B8E;
	[sflag:s24] =	ssyncadd.s32 $0xFFFFFFFF  }
0xa6: {  	s26 =	simm.s32 $execute0_lowered;
	[smem:$0x3FD2] =	sst s25  }
0xa7: {  	s5 =	sshll.u32 s26, $0x1;
	_ =	strace $0x80000046;
	[dreg:$0x1] =	wrdreg $0xFFFFFFFF  }
0xa8: {  	s28 =	simm.s32 $_size_execute0_lowered;
	s4 =	sadd.s32 s4, s5;
	[dreg:$0x0] =	wrdreg $0x0  }
0xa9: {  	s5 =	sshll.u32 s28, $0x1;
	[dreg:$0x2] =	wrdreg s4  }
0xaa: {  	[dreg:$0x3] =	wrdreg s5  }
0xab: {  	[dreg:$0x4] =	wrdreg $0xC0  }
0xac: {  	_ =	task [dreg:s8], $0x5FFFF  }
0xad: {  	[dreg:$0x1] =	wrdreg $0xFFFFFFFF  }
0xae: {  	[dreg:$0x0] =	wrdreg $0x60  }
0xaf: {  	[dreg:$0x2] =	wrdreg s2  }
0xb0: {  	[dreg:$0x3] =	wrdreg s19  }
0xb1: {  	[dreg:$0x4] =	wrdreg $0x9  }
0xb2: {  	_ =	task.clear_ibuf [dreg:s8], $0x5FFFF;
	_ =	strace $0x90000046  }
0xb3: {  	s29 =	simm.s32 $0x9;
	_ =	strace $0x80000048  }
0xb4: {  	_ =	swait.ge [sflag:s29], $0x1  }
0xb5: {  	[sflag:s29] =	ssyncadd.s32 $0xFFFFFFFF  }
0xb6: {  	_ =	strace $0x90000048  }
0xb7: {  	_ =	sfence  }
0xb8: {  	s30 =	sld [smem:$0x0];
	_ =	sdelay $0x2  }
0xb9: {  	s31 =	sshll.u32 s1, $0xD;
	s1 =	sshrl.u32 s1, $0x2  }
0xba: {  	s3 =	sand.u32 $0x4000, s31;
	s1 =	sadd.s32 s1, s30  }
0xbb: {  	s0 =	sor.u32 s3, s0;
	s1 =	sshll.u32 s1, $0x11  }
0xbc: {  	s0 =	sor.u32 s1, s0  }
0xbd: {  	s0 =	sadd.s32 $0x8F2B, s0  }
0xbe: {  	[sflag:s0] =	ssyncadd.remote.s32 $0x1  }
0xbf: {  	_ =	sfence.sel $0xFFFF  }
0xc0: {  	[dreg:$0x0] =	wrdreg $0xFFFFFFFF;
	(pc) =	sbr.abs _section_cstart, $3  }
0xc1: {  	[dreg:$0x1] =	wrdreg $0xFFFFFFFF  }
0xc2: {  	_ =	task.clear_ibuf [dreg:s8], $0x2FFFF;
	_ =	strace $0x9FFFFFFF  }
0xc3: {  	(tm) =	ssettm $0x7FFFFFFF  }
tec
execute0_lowered:
.L_overlay_start_1:
0x0: {  	(tag) =	ssettag $0x1  }
0x1: {  	v0 =	vimm.s32 $0xFEDCBA98;
	v1 =	vimm.s32 $0x76543210  }
0x2: {  	v3 =	vimm.s32 $0x32107654;
	v4 =	vimm.s32 $0xDCFE98BA;
	v5 =	vimm.s32 $0x54761032  }
0x3: {  	s2 =	srdreg.scid;
	s1 =	rddreg [dreg:$0x0];
	v6 =	vimm.s32 $0xEFCDAB89;
	v7 =	vimm.s32 $0x67452301;
	v0 =	vunpack.c.l.s4.s8 v0  }
0x4: {  	s0 =	stileid.u32;
	s3 =	rddreg [dreg:$0x1];
	v1 =	vunpack.c.l.s4.s8 v1;
	v3 =	vunpack.c.l.s4.s8 v3;
	v6 =	vunpack.c.l.s4.s8 v6  }
0x5: {  	s9 =	simm.s32 $0x80;
	s10 =	simm.s32 $0x400;
	s11 =	simm.s32 $0x8000;
	v7 =	vunpack.c.l.s4.s8 v7;
	v2 =	vunpack.c.0.s8.s32 v0;
	v0 =	vimm.s32 $0xBA98FEDC  }
0x6: {  	s12 =	simm.s32 $0x1;
	s13 =	simm.s32 $0x10000;
	s14 =	simm.s32 $0x2;
	v4 =	vunpack.c.l.s4.s8 v4;
	v5 =	vunpack.c.l.s4.s8 v5;
	v0 =	vunpack.c.l.s4.s8 v0  }
0x7: {  	s15 =	simm.s32 $0x3;
	s16 =	simm.s32 $0x0;
	s6 =	sand.u32 $0x1, s2;
	v3 =	vunpack.c.0.s8.s32 v3;
	v6 =	vunpack.c.0.s8.s32 v6;
	v7 =	vunpack.c.0.s8.s32 v7  }
.Ltmp0:
0x8: {  	s4 =	sshll.u32 s0, $0x6;
	s5 =	sshll.u32 s6, $0x5;
	v4 =	vunpack.c.0.s8.s32 v4;
	v5 =	vunpack.c.0.s8.s32 v5;
	v0 =	vunpack.c.0.s8.s32 v0;
	(pc) =	sbr.rel .LBB2_1-.Ltmp0, $4  }
0x9: {  	s2 =	rddreg [dreg:$0x2];
	s7 =	ssub.s32 $0x2, s6;
	s4 =	sor.u32 s5, s4;
	v8 =	vand.u32 $0xF, v2;
	v2 =	vcombine.low v7, v6  }
0xa: {  	s5 =	simm.s32 $0x0;
	s8 =	sshrl.u32 s7, $0x1;
	s31 =	sshll.u32 s4, $0xC;
	v0 =	vcombine.low v3, v0;
	v3 =	vunpack.c.0.s8.s32 v1;
	v1 =	vcombine.low v5, v4  }
0xb: {  	[smem:$0x7FF] =	sst s5;
	s8 =	ssub.s32 s7, s8;
	s6 =	sadd.s32 s1, s31;
	v6 =	vand.u32 $0xF, v2  }
0xc: {  	_ =	strace $0x80000047;
	s8 =	smax.u32 s8, $0x1;
	s7 =	sadd.s32 $0x10, s6;
	v3 =	vcombine.low v8, v3;
	v4 =	vand.u32 $0xF, v0;
	v5 =	vand.u32 $0xF, v1  }
.LBB2_22:
0xd: {  	s16 =	sadd.s32 $0x1, s16  }
0xe: {  	p0 =	sne.s32 s16, s8  }
.Ltmp1:
0xf: {  	_ = 	snop;
	(pc) =	sbr.rel @!p0 .LBB2_23-.Ltmp1, $4  }
0x10: {  	_ = 	snop  }
0x11: {  	_ =	swait.ge [sflag:s15], $0x8000  }
0x12: {  	[sflag:s15] =	ssyncset.done $0x0  }
0x13: {  	[sflag:s15] =	ssyncadd.s32 $0xFFFF8000  }
.LBB2_1:
0x14: {  	[tilespmem:s5], [sflag:$0x1] =	stream.strided.gather [hbm4b:s6+s9], $0x8000, s10, s9, $0x38;
	[tilespmem:$0x18080] =	vst v63  }
0x15: {  	s17 =	simm.s32 $0x0  }
0x16: {  	[tilespmem:s11], [sflag:$0x2] =	stream.strided.gather [hbm4b:s7+s9], $0x8000, s10, s9, $0x38;
	[tilespmem:$0x18080] =	vst v63  }
.LBB2_2:
0x17: {  	_ =	swait.ge [sflag:s12], $0x8000  }
0x18: {  	[sflag:s12] =	ssyncset.done $0x0  }
0x19: {  	s19 =	simm.s32 $0x0;
	[sflag:s12] =	ssyncadd.s32 $0xFFFF8000  }
0x1a: {  	v7 =	vld [tilespmem:s19+$0x20]  }
0x1b: {  	v8 =	vld [tilespmem:s19+$0x10]  }
0x1c: {  	v9 =	vld [tilespmem:s19+$0x0];
	_ =	sdelay $0x1  }
0x1d: {  	v10 =	vld [tilespmem:s19+$0x60]  }
0x1e: {  	v12 =	vimm.f32 $-Inf;
	v11 =	vld [tilespmem:s19+$0x50]  }
0x1f: {  	v13 =	vmin.f32 v12, v7;
	v15 =	vmax.f32 v12, v8;
	v8 =	vmin.f32 v12, v8  }
0x20: {  	v14 =	vld [tilespmem:s19+$0xA0];
	v7 =	vmax.f32 v12, v7;
	v19 =	vmax.f32 v12, v9;
	v21 =	vmin.f32 v12, v9  }
0x21: {  	v20 =	vld [tilespmem:s19+$0xE0];
	v16 =	vmax.f32 v12, v8;
	v17 =	vmax.f32 v12, v13;
	v8 =	vmin.f32 v12, v8  }
0x22: {  	v13 =	vmin.f32 v12, v13;
	v18 =	vmax.f32 v7, v10;
	v23 =	vmin.f32 v12, v21  }
0x23: {  	v22 =	vld [tilespmem:s19+$0x90];
	v10 =	vmin.f32 v7, v10;
	v9 =	vmax.f32 v12, v13;
	v13 =	vmin.f32 v15, v11  }
0x24: {  	v8 =	vmax.f32 v12, v8;
	v24 =	vmax.f32 v16, v13;
	v13 =	vmin.f32 v16, v13;
	v16 =	vld [tilespmem:s19+$0xD0]  }
0x25: {  	v25 =	vmax.f32 v18, v14;
	v27 =	vmax.f32 v17, v10;
	v10 =	vmin.f32 v17, v10  }
0x26: {  	v18 =	vmin.f32 v18, v14;
	v7 =	vmin.f32 v25, v20;
	v17 =	vmax.f32 v9, v10  }
0x27: {  	v14 =	vmax.f32 v27, v18;
	v26 =	vmax.f32 v8, v13;
	v8 =	vmax.f32 v15, v11;
	v15 =	vld [tilespmem:s19+$0x30]  }
0x28: {  	v13 =	vmax.f32 v12, v23;
	v11 =	vmax.f32 v8, v22;
	v8 =	vmin.f32 v8, v22  }
0x29: {  	v22 =	vld [tilespmem:s19+$0x70];
	v9 =	vmax.f32 v24, v8;
	v23 =	vmin.f32 v11, v16;
	v10 =	vmax.f32 v11, v16  }
0x2a: {  	v28 =	vld [tilespmem:s19+$0x40];
	v11 =	vmin.f32 v24, v8;
	v16 =	vmax.f32 v12, v21;
	v29 =	vmin.f32 v9, v23  }
0x2b: {  	v9 =	vmax.f32 v9, v23;
	v26 =	vmax.f32 v26, v11;
	v23 =	vld [tilespmem:s19+$0xB0];
	v11 =	vmax.f32 v25, v20  }
0x2c: {  	v21 =	vmax.f32 v12, v15;
	v15 =	vmin.f32 v12, v15;
	v20 =	vmin.f32 v27, v18  }
0x2d: {  	v24 =	vmax.f32 v12, v15;
	v25 =	vmin.f32 v12, v15;
	v15 =	vmax.f32 v17, v20  }
0x2e: {  	v18 =	vld [tilespmem:s19+$0x80];
	v12 =	vmax.f32 v12, v25;
	v25 =	vmax.f32 v21, v22;
	v21 =	vmin.f32 v21, v22  }
0x2f: {  	v17 =	vmin.f32 v19, v28;
	v27 =	vmax.f32 v24, v21;
	v22 =	vmin.f32 v24, v21;
	v21 =	vld [tilespmem:s19+$0xF0]  }
0x30: {  	v20 =	vmax.f32 v19, v28;
	v28 =	vmin.f32 v25, v23;
	v23 =	vmax.f32 v25, v23;
	v25 =	vld [tilespmem:s19+$0xC0]  }
0x31: {  	v8 =	vmax.f32 v14, v7  }
0x32: {  	v19 =	vmin.f32 v16, v17;
	v24 =	vmax.f32 v12, v22;
	v12 =	vmax.f32 v26, v29  }
0x33: {  	s18 =	simm.s32 $0x400;
	v26 =	vmin.f32 v20, v18;
	v22 =	vmax.f32 v27, v28;
	v27 =	vmin.f32 v27, v28  }
.LBB2_3:
0x34: {  	s19 =	sshra.s32 s18, $0x2;
	p0 =	sne.s32 s18, $0x1FC00;
	s18 =	sadd.s32 $0x400, s18;
	v18 =	vmax.f32 v20, v18;
	v20 =	vmax.f32 v24, v27;
	v24 =	vmax.f32 v23, v21  }
0x35: {  	v7 =	vmin.f32 v14, v7;
	v27 =	vld [tilespmem:s19+$0x20];
	v28 =	vmax.f32 v18, v25;
	v18 =	vmin.f32 v18, v25  }
0x36: {  	v16 =	vmax.f32 v16, v17;
	v13 =	vmax.f32 v13, v19;
	v17 =	vmin.f32 v23, v21;
	v14 =	vld [tilespmem:s19+$0x10]  }
0x37: {  	v21 =	vmax.f32 v16, v26;
	v16 =	vmin.f32 v16, v26;
	v23 =	vmin.f32 v22, v17;
	v19 =	vld [tilespmem:s19+$0x0]  }
0x38: {  	v17 =	vmax.f32 v22, v17;
	v26 =	vmin.f32 v21, v18;
	v20 =	vmax.f32 v20, v23;
	v25 =	vld [tilespmem:s19+$0x60]  }
0x39: {  	v7 =	vmax.f32 v15, v7;
	v13 =	vmax.f32 v13, v16;
	v16 =	vmax.f32 v21, v18;
	v22 =	vld [tilespmem:s19+$0x50]  }
0x3a: {  	v13 =	vmax.f32 v13, v26;
	v15 =	vmin.f32 v11, v27;
	v18 =	vld [tilespmem:s19+$0xA0]  }
0x3b: {  	v11 =	vmax.f32 v11, v27;
	v21 =	vmax.f32 v10, v14;
	v10 =	vmin.f32 v10, v14  }
0x3c: {  	v26 =	vmax.f32 v8, v15;
	v23 =	vmax.f32 v28, v19;
	v14 =	vmax.f32 v9, v10  }
0x3d: {  	v8 =	vmin.f32 v8, v15;
	v9 =	vmin.f32 v9, v10;
	v10 =	vmax.f32 v11, v25;
	v15 =	vld [tilespmem:s19+$0xE0]  }
0x3e: {  	v19 =	vmin.f32 v28, v19;
	v8 =	vmax.f32 v7, v8;
	v7 =	vmin.f32 v21, v22;
	v27 =	vld [tilespmem:s19+$0x90]  }
0x3f: {  	v28 =	vmin.f32 v16, v19;
	v29 =	vmax.f32 v14, v7;
	v7 =	vmin.f32 v14, v7;
	v30 =	vld [tilespmem:s19+$0xD0]  }
0x40: {  	v9 =	vmax.f32 v12, v9;
	v11 =	vmin.f32 v11, v25;
	v12 =	vmax.f32 v10, v18  }
0x41: {  	v31 =	vmax.f32 v26, v11;
	v18 =	vmin.f32 v10, v18;
	v25 =	vmax.f32 v9, v7  }
0x42: {  	v13 =	vmax.f32 v13, v28;
	v9 =	vmax.f32 v21, v22;
	v7 =	vmin.f32 v12, v15  }
0x43: {  	v10 =	vmin.f32 v26, v11;
	v21 =	vld [tilespmem:s19+$0x30];
	v11 =	vmax.f32 v9, v27;
	v9 =	vmin.f32 v9, v27  }
0x44: {  	v22 =	vmax.f32 v8, v10;
	v26 =	vld [tilespmem:s19+$0x70];
	v8 =	vmax.f32 v29, v9;
	v27 =	vmin.f32 v11, v30  }
0x45: {  	v14 =	vmax.f32 v31, v18;
	v10 =	vmax.f32 v11, v30;
	v28 =	vld [tilespmem:s19+$0x40];
	v30 =	vmin.f32 v8, v27  }
0x46: {  	v11 =	vmin.f32 v29, v9;
	v9 =	vmax.f32 v8, v27;
	v8 =	vmax.f32 v14, v7  }
0x47: {  	v16 =	vmax.f32 v16, v19;
	v27 =	vmax.f32 v25, v11;
	v11 =	vmax.f32 v12, v15;
	v29 =	vld [tilespmem:s19+$0xB0]  }
0x48: {  	v19 =	vmin.f32 v31, v18;
	v12 =	vmax.f32 v24, v21;
	v15 =	vmin.f32 v24, v21;
	v21 =	vld [tilespmem:s19+$0xF0]  }
0x49: {  	v24 =	vmax.f32 v17, v15;
	v17 =	vmin.f32 v17, v15;
	v18 =	vld [tilespmem:s19+$0x80];
	v15 =	vmax.f32 v22, v19  }
.Ltmp2:
0x4a: {  	v31 =	vmax.f32 v12, v26;
	v22 =	vmax.f32 v20, v17;
	v17 =	vmin.f32 v23, v28;
	v25 =	vld [tilespmem:s19+$0xC0];
	(pc) =	sbr.rel @p0 .LBB2_3-.Ltmp2, $4  }
0x4b: {  	v12 =	vmin.f32 v12, v26;
	v20 =	vmax.f32 v23, v28;
	v19 =	vmin.f32 v16, v17  }
0x4c: {  	v28 =	vmax.f32 v24, v12;
	v12 =	vmin.f32 v24, v12;
	v32 =	vmin.f32 v31, v29  }
0x4d: {  	v24 =	vmax.f32 v22, v12;
	v12 =	vmax.f32 v27, v30;
	v23 =	vmax.f32 v31, v29  }
0x4e: {  	v22 =	vmax.f32 v28, v32;
	v27 =	vmin.f32 v28, v32;
	v26 =	vmin.f32 v20, v18  }
0x4f: {  	v20 =	vmax.f32 v20, v18  }
0x50: {  	v16 =	vmax.f32 v16, v17;
	v13 =	vmax.f32 v13, v19;
	v18 =	vmax.f32 v20, v25  }
0x51: {  	v20 =	vmin.f32 v20, v25;
	v17 =	vmax.f32 v16, v26;
	v16 =	vmin.f32 v16, v26  }
0x52: {  	v19 =	vmin.f32 v17, v20;
	v13 =	vmax.f32 v13, v16;
	v20 =	vmax.f32 v17, v20  }
0x53: {  	v19 =	vmax.f32 v13, v19;
	v13 =	vmax.f32 v18, v20  }
0x54: {  	v13 =	vmax.f32 v13, v19  }
0x55: {  	v13 =	vmax.f32 v13, v10  }
0x56: {  	v13 =	vmax.f32 v13, v9  }
0x57: {  	v13 =	vmax.f32 v13, v12  }
0x58: {  	v7 =	vmin.f32 v14, v7;
	v13 =	vmax.f32 v13, v11  }
0x59: {  	v24 =	vmax.f32 v24, v27;
	v17 =	vmax.f32 v15, v7;
	v7 =	vmax.f32 v13, v8  }
0x5a: {  	v14 =	vmax.f32 v23, v21;
	v13 =	vmin.f32 v23, v21;
	v7 =	vmax.f32 v7, v17  }
0x5b: {  	v15 =	vmin.f32 v22, v13;
	v16 =	vmax.f32 v22, v13;
	v7 =	vmax.f32 v7, v14  }
0x5c: {  	v15 =	vmax.f32 v24, v15;
	v7 =	vmax.f32 v7, v16  }
0x5d: {  	v7 =	vmax.f32 v7, v15  }
0x5e: {  	v13 =	vperm.xlane v7, v3;
	_ =	sdelay $0x1  }
0x5f: {  	v7 =	vmax.f32 v7, v13  }
0x60: {  	v13 =	vperm.xlane v7, v4;
	_ =	sdelay $0x1  }
0x61: {  	v7 =	vmax.f32 v7, v13  }
0x62: {  	v13 =	vperm.xlane v7, v5;
	_ =	sdelay $0x1  }
0x63: {  	v7 =	vmax.f32 v7, v13  }
0x64: {  	v13 =	vperm.xlane v7, v6;
	_ =	sdelay $0x1  }
0x65: {  	v7 =	vmax.f32 v7, v13  }
0x66: {  	vm1 =	vlt.f32 v18, v7;
	vm2 =	vlt.f32 v20, v7  }
0x67: {  	vm14 =	vlt.f32 v19, v7;
	v21 =	vnsel vm1, $0xFF800000, v18;
	v22 =	vnsel vm2, $0xFF800000, v20  }
0x68: {  	vm15 =	vlt.f32 v10, v7;
	v23 =	vnsel vm14, $0xFF800000, v19;
	v61 =	vmax.f32 v21, v22  }
0x69: {  	vm4 =	vlt.f32 v9, v7;
	v62 =	vnsel vm15, $0xFF800000, v10;
	v24 =	vmax.f32 v61, v23  }
0x6a: {  	vm5 =	vlt.f32 v12, v7;
	v63 =	vnsel vm4, $0xFF800000, v9;
	v24 =	vmax.f32 v24, v62  }
0x6b: {  	vm6 =	vlt.f32 v11, v7;
	v40 =	vnsel vm5, $0xFF800000, v12;
	v24 =	vmax.f32 v24, v63  }
0x6c: {  	vm7 =	vlt.f32 v8, v7;
	v28 =	vnsel vm6, $0xFF800000, v11;
	v24 =	vmax.f32 v24, v40  }
0x6d: {  	vm8 =	vlt.f32 v17, v7;
	v29 =	vnsel vm7, $0xFF800000, v8;
	v24 =	vmax.f32 v24, v28  }
0x6e: {  	vm9 =	vlt.f32 v14, v7;
	v30 =	vnsel vm8, $0xFF800000, v17;
	v24 =	vmax.f32 v24, v29  }
0x6f: {  	vm10 =	vlt.f32 v16, v7;
	v31 =	vnsel vm9, $0xFF800000, v14;
	v24 =	vmax.f32 v24, v30  }
0x70: {  	vm11 =	vlt.f32 v15, v7;
	v32 =	vnsel vm10, $0xFF800000, v16;
	v24 =	vmax.f32 v24, v31  }
0x71: {  	v13 =	vimm.f32 $0.0e+00;
	v33 =	vnsel vm11, $0xFF800000, v15;
	v24 =	vmax.f32 v24, v32  }
0x72: {  	vm0 =	veq.f32 v18, v7;
	vm12 =	veq.f32 v20, v7;
	v24 =	vmax.f32 v24, v33  }
0x73: {  	v34 =	vsel vm0, $0x3F800000, v13;
	v35 =	vsel vm12, $0x3F800000, v13;
	v41 =	vperm.xlane v24, v3  }
0x74: {  	vm13 =	veq.f32 v19, v7;
	v34 =	vadd.f32 v35, v34  }
0x75: {  	v36 =	vsel vm13, $0x3F800000, v13;
	v24 =	vmax.f32 v24, v41  }
0x76: {  	vm14 =	veq.f32 v10, v7;
	v34 =	vadd.f32 v34, v36;
	v43 =	vperm.xlane v24, v4  }
0x77: {  	v42 =	vsel vm14, $0x3F800000, v13  }
0x78: {  	vm15 =	veq.f32 v9, v7;
	v34 =	vadd.f32 v34, v42;
	v24 =	vmax.f32 v24, v43  }
0x79: {  	v44 =	vsel vm15, $0x3F800000, v13;
	v45 =	vperm.xlane v24, v5  }
0x7a: {  	vm4 =	veq.f32 v12, v7;
	v34 =	vadd.f32 v34, v44  }
0x7b: {  	vm5 =	veq.f32 v11, v7;
	v46 =	vsel vm4, $0x3F800000, v13;
	v24 =	vmax.f32 v24, v45  }
0x7c: {  	vm6 =	veq.f32 v8, v7;
	v34 =	vadd.f32 v34, v46;
	v48 =	vperm.xlane v24, v6  }
0x7d: {  	vm9 =	veq.f32 v17, v7;
	vm11 =	veq.f32 v14, v7;
	v47 =	vsel vm5, $0x3F800000, v13  }
0x7e: {  	vm13 =	veq.f32 v16, v7;
	v34 =	vadd.f32 v34, v47;
	v24 =	vmax.f32 v24, v48  }
0x7f: {  	v49 =	vsel vm6, $0x3F800000, v13;
	vm7 =	veq.f32 v18, v24;
	vm8 =	veq.f32 v20, v24  }
0x80: {  	v34 =	vadd.f32 v34, v49;
	v50 =	vsel vm7, $0x3F800000, v13;
	v51 =	vsel vm8, $0x3F800000, v13  }
0x81: {  	v52 =	vsel vm9, $0x3F800000, v13;
	vm10 =	veq.f32 v19, v24;
	v35 =	vadd.f32 v51, v50  }
0x82: {  	v54 =	vsel vm11, $0x3F800000, v13;
	v34 =	vadd.f32 v34, v52;
	v53 =	vsel vm10, $0x3F800000, v13  }
0x83: {  	v56 =	vsel vm13, $0x3F800000, v13;
	vm12 =	veq.f32 v10, v24;
	v35 =	vadd.f32 v35, v53  }
0x84: {  	vm5 =	veq.f32 v15, v7;
	v34 =	vadd.f32 v34, v54;
	v55 =	vsel vm12, $0x3F800000, v13  }
0x85: {  	v59 =	vsel vm5, $0x3F800000, v13;
	vm14 =	veq.f32 v9, v24;
	v35 =	vadd.f32 v35, v55  }
0x86: {  	v34 =	vadd.f32 v34, v56;
	vm4 =	vlt.f32 v22, v24;
	v57 =	vsel vm14, $0x3F800000, v13  }
0x87: {  	vm15 =	veq.f32 v12, v24;
	v22 =	vnsel vm4, $0xFF800000, v22;
	v35 =	vadd.f32 v35, v57  }
0x88: {  	vm6 =	vlt.f32 v21, v24;
	v58 =	vsel vm15, $0x3F800000, v13;
	v21 =	vmax.f32 v21, v22  }
0x89: {  	vm7 =	veq.f32 v11, v24;
	v21 =	vsel vm6, v21, v22;
	v35 =	vadd.f32 v35, v58  }
0x8a: {  	vm8 =	vlt.f32 v23, v24;
	v22 =	vsel vm7, $0x3F800000, v13;
	v23 =	vmax.f32 v21, v23  }
0x8b: {  	vm9 =	veq.f32 v8, v24;
	v21 =	vsel vm8, v23, v21;
	v22 =	vadd.f32 v35, v22  }
0x8c: {  	vm10 =	vlt.f32 v62, v24;
	v23 =	vsel vm9, $0x3F800000, v13;
	v25 =	vmax.f32 v21, v62  }
0x8d: {  	vm11 =	veq.f32 v17, v24;
	v21 =	vsel vm10, v25, v21;
	v22 =	vadd.f32 v22, v23  }
0x8e: {  	vm12 =	vlt.f32 v63, v24;
	v25 =	vmax.f32 v21, v63;
	v23 =	vsel vm11, $0x3F800000, v13  }
0x8f: {  	vm13 =	veq.f32 v14, v24;
	v21 =	vsel vm12, v25, v21;
	v22 =	vadd.f32 v22, v23  }
0x90: {  	vm14 =	vlt.f32 v40, v24;
	v25 =	vmax.f32 v21, v40;
	v23 =	vsel vm13, $0x3F800000, v13  }
0x91: {  	vm15 =	veq.f32 v16, v24;
	v21 =	vsel vm14, v25, v21;
	v22 =	vadd.f32 v22, v23  }
0x92: {  	vm4 =	vlt.f32 v28, v24;
	v25 =	vmax.f32 v21, v28;
	v23 =	vsel vm15, $0x3F800000, v13  }
0x93: {  	vm5 =	veq.f32 v15, v24;
	v21 =	vsel vm4, v25, v21;
	v22 =	vadd.f32 v22, v23  }
0x94: {  	vm6 =	vlt.f32 v29, v24;
	v25 =	vmax.f32 v21, v29;
	v23 =	vsel vm5, $0x3F800000, v13  }
0x95: {  	v60 =	vadd.f32 v34, v59;
	v21 =	vsel vm6, v25, v21;
	v22 =	vadd.f32 v22, v23  }
0x96: {  	vm7 =	vlt.f32 v30, v24;
	v23 =	vmax.f32 v21, v30  }
0x97: {  	v61 =	vperm.xlane v60, v3;
	v21 =	vsel vm7, v23, v21;
	v62 =	vperm.xlane v22, v3  }
0x98: {  	vm8 =	vlt.f32 v31, v24;
	v23 =	vmax.f32 v21, v31  }
0x99: {  	v25 =	vadd.f32 v60, v61;
	v21 =	vsel vm8, v23, v21;
	v22 =	vadd.f32 v22, v62  }
0x9a: {  	vm9 =	vlt.f32 v32, v24;
	v23 =	vmax.f32 v21, v32  }
0x9b: {  	v26 =	vperm.xlane v25, v4;
	v21 =	vsel vm9, v23, v21;
	v27 =	vperm.xlane v22, v4  }
0x9c: {  	vm10 =	vlt.f32 v33, v24;
	v23 =	vmax.f32 v21, v33  }
0x9d: {  	v25 =	vadd.f32 v25, v26;
	v21 =	vsel vm10, v23, v21;
	v22 =	vadd.f32 v22, v27  }
0x9e: {  	v23 =	vperm.xlane v21, v3  }
0x9f: {  	v26 =	vperm.xlane v25, v5;
	v27 =	vperm.xlane v22, v5  }
0xa0: {  	v21 =	vmax.f32 v21, v23  }
0xa1: {  	v23 =	vadd.f32 v25, v26;
	v63 =	vperm.xlane v21, v4;
	v22 =	vadd.f32 v22, v27;
	_ =	sdelay $0x1  }
0xa2: {  	v26 =	vperm.xlane v23, v6;
	v21 =	vmax.f32 v21, v63;
	v27 =	vperm.xlane v22, v6  }
0xa3: {  	v25 =	vperm.xlane v21, v5  }
0xa4: {  	v23 =	vadd.f32 v23, v26;
	v22 =	vadd.f32 v22, v27  }
0xa5: {  	v21 =	vmax.f32 v21, v25  }
0xa6: {  	v25 =	vperm.xlane v21, v6;
	v22 =	vadd.f32 v22, v23;
	_ =	sdelay $0x1  }
0xa7: {  	v21 =	vmax.f32 v21, v25;
	vm11 =	vge.f32 v22, $3.000000000e+00  }
0xa8: {  	vm12 =	vge.f32 v23, $3.000000000e+00;
	v21 =	vsel vm11, v24, v21  }
0xa9: {  	v7 =	vsel vm12, v7, v21  }
0xaa: {  	vm13 =	veq.f32 v19, v7;
	vm1 =	veq.f32 v12, v7  }
0xab: {  	vm14 =	veq.f32 v17, v7;
	v21 =	vsel vm13, $0x3F800000, v13;
	v22 =	vsel vm1, $0x3F800000, v13  }
0xac: {  	vm15 =	veq.f32 v15, v7;
	v21 =	vmax.f32 v21, v22;
	v22 =	vsel vm14, $0x3F800000, v13  }
0xad: {  	v21 =	vmax.f32 v21, v22;
	v22 =	vsel vm15, $0x3F800000, v13  }
0xae: {  	v21 =	vmax.f32 v21, v22  }
0xaf: {  	v22 =	vperm.xlane v21, v3;
	_ =	sdelay $0x1  }
0xb0: {  	v21 =	vmax.f32 v21, v22  }
0xb1: {  	v22 =	vperm.xlane v21, v4;
	_ =	sdelay $0x1  }
0xb2: {  	v21 =	vmax.f32 v21, v22  }
0xb3: {  	v22 =	vperm.xlane v21, v5;
	_ =	sdelay $0x1  }
0xb4: {  	v21 =	vmax.f32 v21, v22  }
0xb5: {  	v22 =	vperm.xlane v21, v6;
	_ =	sdelay $0x1  }
0xb6: {  	v21 =	vmax.f32 v21, v22  }
0xb7: {  	(v2sf) =	vpush v21, $0x0;
	_ =	sdelay $0xe  }
0xb8: {  	s18 =	spop (v2sf)  }
0xb9: {  	p0 =	sgt.f32 s18, $0.0e+00  }
.Ltmp3:
0xba: {  	_ = 	snop;
	(pc) =	sbr.rel @!p0 .LBB2_8-.Ltmp3, $2  }
0xbb: {  	_ =	sdelay $0x2  }
0xbc: {  	s19 =	simm.s32 $0x0  }
0xbd: {  	s18 =	sshra.s32 s19, $0x2  }
0xbe: {  	v12 =	vld [tilespmem:s18+$0x40]  }
0xbf: {  	v9 =	vld [tilespmem:s18+$0x70]  }
0xc0: {  	v17 =	vld [tilespmem:s18+$0x20]  }
0xc1: {  	v14 =	vld [tilespmem:s18+$0x10]  }
0xc2: {  	v10 =	vld [tilespmem:s18+$0x60]  }
0xc3: {  	v18 =	vld [tilespmem:s18+$0x30]  }
0xc4: {  	v8 =	vld [tilespmem:s18+$0x0]  }
0xc5: {  	v19 =	vld [tilespmem:s18+$0x50]  }
0xc6: {  	v16 =	vld [tilespmem:s18+$0xA0];
	vm0 =	vge.f32 v9, v7;
	vm1 =	vge.f32 v17, v7;
	vm2 =	vge.f32 v14, v7  }
0xc7: {  	v11 =	vld [tilespmem:s18+$0xB0];
	v15 =	vnsel vm0, $0x0, v9;
	vm0 =	vge.f32 v10, v7;
	v14 =	vnsel vm2, $0x0, v14  }
0xc8: {  	vm2 =	vge.f32 v18, v7;
	v9 =	vld [tilespmem:s18+$0xE0];
	v17 =	vnsel vm1, $0x0, v17;
	vm1 =	vge.f32 v12, v7  }
0xc9: {  	v20 =	vnsel vm0, $0x0, v10;
	vm0 =	vge.f32 v8, v7;
	v10 =	vld [tilespmem:s18+$0xF0];
	v22 =	vadd.f32 v17, v13  }
0xca: {  	v17 =	vnsel vm2, $0x0, v18;
	v12 =	vnsel vm1, $0x0, v12;
	v18 =	vld [tilespmem:s18+$0x80];
	vm1 =	vge.f32 v19, v7  }
0xcb: {  	vm2 =	vge.f32 v16, v7;
	v23 =	vadd.f32 v17, v13;
	v17 =	vld [tilespmem:s18+$0x90];
	v21 =	vnsel vm1, $0x0, v19  }
0xcc: {  	s19 =	sadd.s32 $0x400, s19;
	vm1 =	vge.f32 v11, v7;
	v19 =	vld [tilespmem:s18+$0xC0];
	v22 =	vadd.f32 v20, v22;
	v20 =	vimm.f32 $0.0e+00  }
.LBB2_6:
0xcd: {  	p0 =	sne.s32 s19, $0x1FC00;
	v15 =	vadd.f32 v15, v23;
	v16 =	vnsel vm2, $0x0, v16;
	v23 =	vld [tilespmem:s18+$0xD0];
	s18 =	sshra.s32 s19, $0x2;
	s19 =	sadd.s32 $0x400, s19;
	vm2 =	vge.f32 v9, v7  }
0xce: {  	v11 =	vnsel vm1, $0x0, v11;
	v24 =	vld [tilespmem:s18+$0x40];
	v16 =	vadd.f32 v16, v22;
	vm1 =	vge.f32 v10, v7  }
0xcf: {  	v8 =	vnsel vm0, $0x0, v8;
	v9 =	vnsel vm2, $0x0, v9;
	v22 =	vld [tilespmem:s18+$0x70];
	v11 =	vadd.f32 v11, v15  }
0xd0: {  	v25 =	vld [tilespmem:s18+$0x60];
	vm0 =	vge.f32 v17, v7;
	v26 =	vadd.f32 v9, v16;
	v9 =	vnsel vm1, $0x0, v10  }
0xd1: {  	v13 =	vadd.f32 v14, v13;
	vm1 =	vge.f32 v18, v7;
	v10 =	vld [tilespmem:s18+$0x20];
	v27 =	vadd.f32 v9, v11  }
0xd2: {  	v11 =	vadd.f32 v8, v20;
	v14 =	vnsel vm1, $0x0, v18;
	v9 =	vld [tilespmem:s18+$0x10];
	vm1 =	vge.f32 v23, v7  }
0xd3: {  	v13 =	vadd.f32 v21, v13;
	v16 =	vnsel vm0, $0x0, v17;
	vm0 =	vge.f32 v19, v7;
	v18 =	vld [tilespmem:s18+$0x30]  }
0xd4: {  	v11 =	vadd.f32 v12, v11;
	v12 =	vnsel vm0, $0x0, v19;
	v8 =	vld [tilespmem:s18+$0x0];
	vm2 =	vge.f32 v22, v7  }
0xd5: {  	v13 =	vadd.f32 v16, v13;
	v17 =	vnsel vm1, $0x0, v23;
	v19 =	vld [tilespmem:s18+$0x50];
	v15 =	vnsel vm2, $0x0, v22  }
0xd6: {  	vm0 =	vge.f32 v25, v7;
	v20 =	vadd.f32 v14, v11;
	vm1 =	vge.f32 v10, v7;
	v16 =	vld [tilespmem:s18+$0xA0]  }
0xd7: {  	v13 =	vadd.f32 v17, v13;
	v22 =	vnsel vm0, $0x0, v25;
	vm2 =	vge.f32 v9, v7;
	v11 =	vld [tilespmem:s18+$0xB0]  }
.Ltmp4:
0xd8: {  	v20 =	vadd.f32 v12, v20;
	v14 =	vnsel vm2, $0x0, v9;
	vm2 =	vge.f32 v18, v7;
	v9 =	vld [tilespmem:s18+$0xE0];
	(pc) =	sbr.rel @p0 .LBB2_6-.Ltmp4, $4  }
0xd9: {  	v12 =	vnsel vm1, $0x0, v10;
	vm1 =	vge.f32 v24, v7;
	vm0 =	vge.f32 v8, v7;
	v10 =	vld [tilespmem:s18+$0xF0]  }
0xda: {  	v25 =	vadd.f32 v12, v26;
	v12 =	vnsel vm1, $0x0, v24;
	v17 =	vnsel vm2, $0x0, v18;
	v18 =	vld [tilespmem:s18+$0x80]  }
0xdb: {  	v23 =	vadd.f32 v17, v27;
	vm1 =	vge.f32 v19, v7;
	v17 =	vld [tilespmem:s18+$0x90];
	vm2 =	vge.f32 v16, v7  }
0xdc: {  	v22 =	vadd.f32 v22, v25;
	v21 =	vnsel vm1, $0x0, v19;
	vm1 =	vge.f32 v11, v7;
	v19 =	vld [tilespmem:s18+$0xC0]  }
0xdd: {  	v24 =	vld [tilespmem:s18+$0xD0];
	v15 =	vadd.f32 v15, v23;
	v8 =	vnsel vm0, $0x0, v8  }
0xde: {  	v13 =	vadd.f32 v14, v13;
	v8 =	vadd.f32 v8, v20  }
0xdf: {  	v58 =	vnsel vm2, $0x0, v16;
	vm14 =	vge.f32 v9, v7;
	vm11 =	vge.f32 v18, v7  }
0xe0: {  	v13 =	vadd.f32 v21, v13;
	vm10 =	vge.f32 v17, v7;
	v8 =	vadd.f32 v12, v8  }
0xe1: {  	v59 =	vnsel vm11, $0x0, v18;
	v60 =	vnsel vm10, $0x0, v17;
	vm13 =	vge.f32 v19, v7  }
0xe2: {  	vm12 =	vge.f32 v24, v7;
	v12 =	vadd.f32 v60, v13;
	v8 =	vadd.f32 v59, v8  }
0xe3: {  	v62 =	vadd.f32 v58, v22;
	v61 =	vnsel vm13, $0x0, v19;
	v63 =	vnsel vm12, $0x0, v24  }
0xe4: {  	v11 =	vnsel vm1, $0x0, v11;
	v12 =	vadd.f32 v63, v12;
	v8 =	vadd.f32 v61, v8  }
0xe5: {  	v9 =	vnsel vm14, $0x0, v9;
	v11 =	vadd.f32 v11, v15  }
.Ltmp5:
0xe6: {  	vm15 =	vge.f32 v10, v7;
	v9 =	vadd.f32 v9, v62;
	v8 =	vadd.f32 v12, v8;
	(pc) =	sbr.rel .LBB2_9-.Ltmp5, $3  }
0xe7: {  	v10 =	vnsel vm15, $0x0, v10  }
0xe8: {  	v10 =	vadd.f32 v10, v11;
	v8 =	vadd.f32 v9, v8;
	_ =	sdelay $0x1  }
0xe9: {  	v8 =	vadd.f32 v10, v8  }
.LBB2_8:
0xea: {  	v13 =	vadd.f32 $0.0e+00, v18  }
0xeb: {  	vm0 =	vge.f32 v18, v7;
	vm1 =	vge.f32 v20, v7  }
0xec: {  	v62 =	vnsel vm1, $0x0, v20;
	v13 =	vnsel vm0, $0x0, v13  }
0xed: {  	vm6 =	vge.f32 v19, v7;
	v13 =	vadd.f32 v62, v13  }
0xee: {  	v63 =	vnsel vm6, $0x0, v19  }
0xef: {  	vm7 =	vge.f32 v10, v7;
	v13 =	vadd.f32 v13, v63  }
0xf0: {  	v10 =	vnsel vm7, $0x0, v10  }
0xf1: {  	vm8 =	vge.f32 v9, v7;
	v10 =	vadd.f32 v13, v10  }
0xf2: {  	v9 =	vnsel vm8, $0x0, v9  }
0xf3: {  	vm9 =	vge.f32 v12, v7;
	v9 =	vadd.f32 v10, v9  }
0xf4: {  	v10 =	vnsel vm9, $0x0, v12  }
0xf5: {  	vm10 =	vge.f32 v11, v7;
	v9 =	vadd.f32 v9, v10  }
0xf6: {  	v10 =	vnsel vm10, $0x0, v11  }
0xf7: {  	vm11 =	vge.f32 v8, v7;
	v9 =	vadd.f32 v9, v10  }
0xf8: {  	v8 =	vnsel vm11, $0x0, v8  }
0xf9: {  	vm12 =	vge.f32 v17, v7;
	v8 =	vadd.f32 v9, v8  }
0xfa: {  	v9 =	vnsel vm12, $0x0, v17  }
0xfb: {  	vm13 =	vge.f32 v14, v7;
	v8 =	vadd.f32 v8, v9  }
0xfc: {  	v9 =	vnsel vm13, $0x0, v14  }
0xfd: {  	vm14 =	vge.f32 v16, v7;
	v8 =	vadd.f32 v8, v9  }
0xfe: {  	v9 =	vnsel vm14, $0x0, v16  }
0xff: {  	vm15 =	vge.f32 v15, v7;
	v8 =	vadd.f32 v8, v9  }
0x100: {  	v9 =	vnsel vm15, $0x0, v15  }
0x101: {  	v8 =	vadd.f32 v8, v9  }
.LBB2_9:
0x102: {  	_ = 	snop  }
0x103: {  	v9 =	vperm.xlane v8, v3;
	_ =	sdelay $0x1  }
0x104: {  	v9 =	vadd.f32 v9, v8;
	_ =	sdelay $0x1  }
0x105: {  	v10 =	vperm.xlane v9, v0;
	_ =	sdelay $0x1  }
0x106: {  	v9 =	vadd.f32 v10, v9;
	_ =	sdelay $0x1  }
0x107: {  	v10 =	vperm.xlane v9, v1;
	_ =	sdelay $0x1  }
0x108: {  	v9 =	vadd.f32 v10, v9;
	_ =	sdelay $0x1  }
0x109: {  	v10 =	vperm.xlane v9, v2;
	_ =	sdelay $0x1  }
0x10a: {  	v9 =	vadd.f32 v10, v9;
	_ =	sdelay $0x1  }
0x10b: {  	(erf) = vrcp.f32 v9;
	_ =	sdelay $0x7  }
0x10c: {  	p0 =	seq.s32 s17, $0x0  }
0x10d: {  	[tilespmem:$0x18000] =	vst v8;
	s18 =	simm.s32 @!p0 $0x3;
	v8 =	vpop (erf)  }
0x10e: {  	_ =	swait.ge @!p0 [sflag:s18], $0x8000  }
0x10f: {  	[sflag:s18] =	ssyncset.done @!p0 $0x0  }
0x110: {  	s20 =	simm.s32 $0x0;
	[sflag:s18] =	ssyncadd.s32 @!p0 $0xFFFF8000  }
0x111: {  	v9 =	vld [tilespmem:s20+$0xF0]  }
0x112: {  	v10 =	vld [tilespmem:s20+$0x0]  }
0x113: {  	v11 =	vld [tilespmem:s20+$0x10];
	_ =	sdelay $0x1  }
0x114: {  	v12 =	vld [tilespmem:s20+$0x20]  }
0x115: {  	v13 =	vld [tilespmem:s20+$0x30]  }
0x116: {  	v15 =	vmul.f32 v9, v8  }
0x117: {  	v14 =	vld [tilespmem:s20+$0x40];
	v17 =	vmul.f32 v10, v8;
	vm0 =	vge.f32 v9, v7;
	v18 =	vmul.f32 v11, v8  }
0x118: {  	v16 =	vld [tilespmem:s20+$0x50];
	vm1 =	vge.f32 v10, v7;
	v10 =	vnsel vm0, $0x0, v15;
	vm0 =	vge.f32 v11, v7  }
0x119: {  	[tilespmem:s20+$0x100F0] =	vst v10;
	v10 =	vmul.f32 v12, v8;
	v11 =	vnsel vm0, $0x0, v18  }
0x11a: {  	v9 =	vld [tilespmem:s20+$0x60];
	v17 =	vnsel vm1, $0x0, v17;
	vm0 =	vge.f32 v12, v7;
	[tilespmem:s20+$0x10010] =	vst v11;
	v11 =	vmul.f32 v13, v8  }
0x11b: {  	v15 =	vld [tilespmem:s20+$0x70];
	[tilespmem:s20+$0x10000] =	vst v17;
	v10 =	vnsel vm0, $0x0, v10;
	vm0 =	vge.f32 v13, v7  }
0x11c: {  	[tilespmem:s20+$0x10020] =	vst v10;
	v10 =	vmul.f32 v14, v8;
	v11 =	vnsel vm0, $0x0, v11  }
0x11d: {  	v17 =	vld [tilespmem:s20+$0x80];
	vm0 =	vge.f32 v14, v7;
	[tilespmem:s20+$0x10030] =	vst v11;
	v11 =	vmul.f32 v16, v8  }
0x11e: {  	v12 =	vld [tilespmem:s20+$0x90];
	v10 =	vnsel vm0, $0x0, v10;
	vm0 =	vge.f32 v16, v7  }
0x11f: {  	[tilespmem:s20+$0x10040] =	vst v10;
	v10 =	vmul.f32 v9, v8;
	v11 =	vnsel vm0, $0x0, v11  }
0x120: {  	v13 =	vld [tilespmem:s20+$0xA0];
	vm0 =	vge.f32 v9, v7;
	[tilespmem:s20+$0x10050] =	vst v11;
	v11 =	vmul.f32 v15, v8  }
0x121: {  	v14 =	vld [tilespmem:s20+$0xB0];
	v9 =	vnsel vm0, $0x0, v10;
	vm0 =	vge.f32 v15, v7  }
0x122: {  	s19 =	simm.s32 $0x100;
	v16 =	vld [tilespmem:s20+$0xC0];
	v15 =	vmul.f32 v17, v8;
	[tilespmem:s20+$0x10060] =	vst v9;
	v11 =	vnsel vm0, $0x0, v11  }
0x123: {  	vm0 =	vge.f32 v17, v7;
	v18 =	vld [tilespmem:s19+$0xF0];
	[tilespmem:s20+$0x10070] =	vst v11;
	v11 =	vmul.f32 v12, v8  }
0x124: {  	v10 =	vld [tilespmem:s20+$0xD0];
	v15 =	vnsel vm0, $0x0, v15;
	vm0 =	vge.f32 v12, v7  }
0x125: {  	v12 =	vmul.f32 v13, v8;
	v17 =	vld [tilespmem:s19+$0x0];
	[tilespmem:s20+$0x10080] =	vst v15;
	v11 =	vnsel vm0, $0x0, v11  }
0x126: {  	v15 =	vld [tilespmem:s19+$0x10];
	vm0 =	vge.f32 v13, v7;
	[tilespmem:s20+$0x10090] =	vst v11;
	v11 =	vmul.f32 v14, v8  }
0x127: {  	v12 =	vnsel vm0, $0x0, v12;
	vm0 =	vge.f32 v14, v7  }
0x128: {  	v13 =	vld [tilespmem:s19+$0x20];
	[tilespmem:s20+$0x100A0] =	vst v12;
	v12 =	vmul.f32 v16, v8;
	v11 =	vnsel vm0, $0x0, v11  }
0x129: {  	v14 =	vld [tilespmem:s19+$0x30];
	vm0 =	vge.f32 v16, v7;
	[tilespmem:s20+$0x100B0] =	vst v11;
	v11 =	vmul.f32 v10, v8  }
0x12a: {  	v12 =	vnsel vm0, $0x0, v12;
	vm0 =	vge.f32 v10, v7  }
0x12b: {  	v16 =	vld [tilespmem:s19+$0x40];
	[tilespmem:s20+$0x100C0] =	vst v12;
	v10 =	vnsel vm0, $0x0, v11;
	v11 =	vmul.f32 v18, v8  }
0x12c: {  	v19 =	vld [tilespmem:s19+$0x50];
	vm0 =	vge.f32 v18, v7;
	[tilespmem:s20+$0x100D0] =	vst v10;
	v10 =	vmul.f32 v17, v8  }
0x12d: {  	v9 =	vld [tilespmem:s20+$0xE0];
	vm1 =	vge.f32 v17, v7;
	v11 =	vnsel vm0, $0x0, v11  }
0x12e: {  	v18 =	vld [tilespmem:s19+$0x60];
	[tilespmem:s19+$0x100F0] =	vst v11;
	v11 =	vmul.f32 v15, v8;
	v10 =	vnsel vm1, $0x0, v10  }
0x12f: {  	v17 =	vld [tilespmem:s19+$0x70];
	vm0 =	vge.f32 v15, v7;
	[tilespmem:s19+$0x10000] =	vst v10;
	v10 =	vmul.f32 v13, v8  }
0x130: {  	v11 =	vnsel vm0, $0x0, v11;
	vm0 =	vge.f32 v13, v7  }
0x131: {  	[tilespmem:s19+$0x10010] =	vst v11;
	v11 =	vmul.f32 v14, v8;
	v10 =	vnsel vm0, $0x0, v10  }
0x132: {  	v15 =	vld [tilespmem:s19+$0x80];
	vm0 =	vge.f32 v14, v7;
	[tilespmem:s19+$0x10020] =	vst v10;
	v10 =	vmul.f32 v16, v8  }
0x133: {  	v20 =	vld [tilespmem:s19+$0x90];
	v13 =	vmul.f32 v19, v8;
	v11 =	vnsel vm0, $0x0, v11;
	vm0 =	vge.f32 v16, v7  }
0x134: {  	v12 =	vld [tilespmem:s19+$0xA0];
	vm1 =	vge.f32 v18, v7;
	vm2 =	vge.f32 v17, v7;
	[tilespmem:s19+$0x10030] =	vst v11;
	v10 =	vnsel vm0, $0x0, v10  }
0x135: {  	s18 =	sshll.u32 s17, $0x1;
	v16 =	vmul.f32 v17, v8;
	v11 =	vld [tilespmem:s19+$0xB0];
	vm0 =	vge.f32 v19, v7;
	[tilespmem:s19+$0x10040] =	vst v10;
	v10 =	vmul.f32 v18, v8  }
0x136: {  	s21 =	sor.u32 s4, s18;
	v14 =	vnsel vm0, $0x0, v13;
	v13 =	vld [tilespmem:s19+$0xC0];
	vm0 =	vge.f32 v9, v7;
	v9 =	vmul.f32 v9, v8  }
0x137: {  	s23 =	sshll.u32 s17, $0x5;
	s24 =	simm.s32 $0x200;
	s22 =	sshll.u32 s21, $0xC;
	[tilespmem:s19+$0x10050] =	vst v14;
	v14 =	vld [tilespmem:s19+$0xD0];
	v10 =	vnsel vm1, $0x0, v10;
	vm1 =	vge.f32 v15, v7;
	v15 =	vmul.f32 v15, v8  }
0x138: {  	s25 =	simm.s32 $0xC00;
	s23 =	sand.u32 $0x60, s23;
	s22 =	sand.u32 $0x3F8000, s22;
	v17 =	vnsel vm2, $0x0, v16;
	vm2 =	vge.f32 v20, v7;
	v16 =	vmul.f32 v20, v8;
	[tilespmem:s19+$0x10060] =	vst v10;
	v10 =	vld [tilespmem:s19+$0xE0]  }
.LBB2_10:
0x139: {  	v15 =	vnsel vm1, $0x0, v15  }
0x13a: {  	p0 =	sne.s32 s25, $0x1FC00;
	v18 =	vld [tilespmem:s24+$0xF0];
	[tilespmem:s19+$0x10070] =	vst v17;
	vm1 =	vge.f32 v12, v7;
	v12 =	vmul.f32 v12, v8;
	vm3 =	vmmov vm0  }
0x13b: {  	v17 =	vld [tilespmem:s24+$0x0];
	[tilespmem:s19+$0x10080] =	vst v15;
	v15 =	vnsel vm2, $0x0, v16;
	vm0 =	vge.f32 v11, v7;
	v11 =	vmul.f32 v11, v8  }
0x13c: {  	v16 =	vld [tilespmem:s24+$0x10];
	[tilespmem:s19+$0x10090] =	vst v15;
	v12 =	vnsel vm1, $0x0, v12;
	vm1 =	vge.f32 v13, v7;
	v13 =	vmul.f32 v13, v8  }
0x13d: {  	v15 =	vld [tilespmem:s24+$0x20];
	[tilespmem:s19+$0x100A0] =	vst v12;
	v11 =	vnsel vm0, $0x0, v11;
	vm2 =	vge.f32 v14, v7;
	v12 =	vmul.f32 v14, v8  }
0x13e: {  	v14 =	vld [tilespmem:s24+$0x30];
	[tilespmem:s19+$0x100B0] =	vst v11;
	v11 =	vnsel vm1, $0x0, v13;
	vm0 =	vge.f32 v10, v7;
	v10 =	vmul.f32 v10, v8  }
0x13f: {  	v20 =	vnsel vm3, $0x0, v9;
	v13 =	vld [tilespmem:s24+$0x40];
	v19 =	vmul.f32 v18, v8;
	[tilespmem:s19+$0x100C0] =	vst v11;
	v11 =	vnsel vm2, $0x0, v12  }
0x140: {  	vm2 =	vge.f32 v18, v7;
	vm1 =	vge.f32 v17, v7;
	v12 =	vmul.f32 v17, v8;
	v17 =	vld [tilespmem:s24+$0x50];
	[tilespmem:s19+$0x100D0] =	vst v11  }
0x141: {  	v9 =	vmovc v10;
	vm3 =	vge.f32 v16, v7;
	v11 =	vmul.f32 v16, v8;
	v16 =	vld [tilespmem:s24+$0x60];
	v18 =	vnsel vm2, $0x0, v19;
	[tilespmem:s20+$0x100E0] =	vst v20;
	s20 =	smov.u32 s19;
	s19 =	smov.u32 s24  }
0x142: {  	v10 =	vnsel vm1, $0x0, v12;
	vm1 =	vge.f32 v15, v7;
	v12 =	vmul.f32 v15, v8;
	v15 =	vld [tilespmem:s19+$0x70];
	[tilespmem:s19+$0x100F0] =	vst v18  }
0x143: {  	[tilespmem:s19+$0x10000] =	vst v10;
	v10 =	vnsel vm3, $0x0, v11;
	vm2 =	vge.f32 v14, v7;
	v11 =	vmul.f32 v14, v8;
	v14 =	vld [tilespmem:s19+$0x80]  }
0x144: {  	[tilespmem:s19+$0x10010] =	vst v10;
	v10 =	vnsel vm1, $0x0, v12;
	vm1 =	vge.f32 v13, v7;
	v13 =	vmul.f32 v13, v8;
	v18 =	vld [tilespmem:s19+$0x90]  }
.Ltmp6:
0x145: {  	[tilespmem:s19+$0x10020] =	vst v10;
	v10 =	vnsel vm2, $0x0, v11;
	vm2 =	vge.f32 v17, v7;
	v17 =	vmul.f32 v17, v8;
	v12 =	vld [tilespmem:s19+$0xA0];
	(pc) =	sbr.rel @p0 .LBB2_10-.Ltmp6, $4  }
0x146: {  	[tilespmem:s19+$0x10030] =	vst v10;
	v10 =	vnsel vm1, $0x0, v13;
	vm1 =	vge.f32 v16, v7;
	v16 =	vmul.f32 v16, v8;
	v11 =	vld [tilespmem:s19+$0xB0]  }
0x147: {  	[tilespmem:s19+$0x10040] =	vst v10;
	v10 =	vnsel vm2, $0x0, v17;
	vm2 =	vge.f32 v15, v7;
	v17 =	vmul.f32 v15, v8;
	v13 =	vld [tilespmem:s19+$0xC0]  }
0x148: {  	[tilespmem:s19+$0x10050] =	vst v10;
	v10 =	vnsel vm1, $0x0, v16;
	vm1 =	vge.f32 v14, v7;
	v15 =	vmul.f32 v14, v8;
	v14 =	vld [tilespmem:s19+$0xD0]  }
0x149: {  	s24 =	sshra.s32 s25, $0x2;
	s25 =	sadd.s32 $0x400, s25;
	[tilespmem:s19+$0x10060] =	vst v10;
	v17 =	vnsel vm2, $0x0, v17;
	vm2 =	vge.f32 v18, v7;
	v16 =	vmul.f32 v18, v8;
	v10 =	vld [tilespmem:s19+$0xE0]  }
0x14a: {  	v18 =	vld [tilespmem:s24+$0xF0];
	[tilespmem:s19+$0x10070] =	vst v17;
	v15 =	vnsel vm1, $0x0, v15  }
0x14b: {  	v17 =	vld [tilespmem:s24+$0x0];
	[tilespmem:s19+$0x10080] =	vst v15;
	v15 =	vmul.f32 v12, v8  }
0x14c: {  	vm5 =	vge.f32 v12, v7;
	v16 =	vnsel vm2, $0x0, v16;
	v12 =	vmul.f32 v11, v8  }
0x14d: {  	vm6 =	vge.f32 v11, v7;
	v19 =	vld [tilespmem:s24+$0x10];
	[tilespmem:s19+$0x10090] =	vst v16;
	v15 =	vnsel vm5, $0x0, v15  }
0x14e: {  	v11 =	vmul.f32 v13, v8;
	v16 =	vld [tilespmem:s24+$0x20];
	v12 =	vnsel vm6, $0x0, v12;
	[tilespmem:s19+$0x100A0] =	vst v15  }
0x14f: {  	vm7 =	vge.f32 v13, v7;
	v15 =	vld [tilespmem:s24+$0x30];
	[tilespmem:s19+$0x100B0] =	vst v12;
	v12 =	vmul.f32 v14, v8  }
0x150: {  	vm8 =	vge.f32 v14, v7;
	v11 =	vnsel vm7, $0x0, v11  }
0x151: {  	v13 =	vld [tilespmem:s24+$0x40];
	[tilespmem:s19+$0x100C0] =	vst v11;
	v11 =	vnsel vm8, $0x0, v12  }
0x152: {  	vm0 =	vmmov vm0;
	v12 =	vld [tilespmem:s24+$0x50];
	[tilespmem:s19+$0x100D0] =	vst v11;
	v11 =	vmul.f32 v18, v8  }
0x153: {  	v9 =	vnsel vm0, $0x0, v9;
	vm9 =	vge.f32 v18, v7  }
0x154: {  	v20 =	vmul.f32 v17, v8;
	v14 =	vld [tilespmem:s24+$0x60];
	[tilespmem:s20+$0x100E0] =	vst v9;
	v9 =	vnsel vm9, $0x0, v11  }
0x155: {  	vm10 =	vge.f32 v17, v7;
	[tilespmem:s24+$0x100F0] =	vst v9;
	v9 =	vmul.f32 v16, v8  }
0x156: {  	v17 =	vmul.f32 v19, v8;
	v18 =	vnsel vm10, $0x0, v20;
	vm12 =	vge.f32 v16, v7  }
0x157: {  	vm11 =	vge.f32 v19, v7;
	v11 =	vld [tilespmem:s24+$0x70];
	[tilespmem:s24+$0x10000] =	vst v18;
	v16 =	vmul.f32 v15, v8;
	v9 =	vnsel vm12, $0x0, v9  }
0x158: {  	v17 =	vnsel vm11, $0x0, v17;
	v18 =	vld [tilespmem:s24+$0x80];
	vm13 =	vge.f32 v15, v7;
	[tilespmem:s24+$0x10020] =	vst v9;
	v9 =	vmul.f32 v13, v8  }
0x159: {  	[tilespmem:s24+$0x10010] =	vst v17;
	v17 =	vld [tilespmem:s24+$0x90];
	vm14 =	vge.f32 v13, v7;
	v15 =	vnsel vm13, $0x0, v16;
	v13 =	vmul.f32 v12, v8  }
0x15a: {  	vm15 =	vge.f32 v12, v7;
	v16 =	vld [tilespmem:s24+$0xA0];
	[tilespmem:s24+$0x10030] =	vst v15;
	v9 =	vnsel vm14, $0x0, v9  }
0x15b: {  	vm5 =	vge.f32 v10, v7;
	v15 =	vld [tilespmem:s24+$0xB0];
	v12 =	vnsel vm15, $0x0, v13;
	[tilespmem:s24+$0x10040] =	vst v9;
	v9 =	vmul.f32 v14, v8  }
0x15c: {  	v10 =	vmul.f32 v10, v8;
	vm4 =	vge.f32 v14, v7;
	v13 =	vld [tilespmem:s24+$0xC0];
	[tilespmem:s24+$0x10050] =	vst v12;
	v12 =	vmul.f32 v11, v8  }
0x15d: {  	vm6 =	vge.f32 v11, v7;
	v14 =	vld [tilespmem:s24+$0xD0];
	v11 =	vmul.f32 v18, v8;
	v9 =	vnsel vm4, $0x0, v9  }
0x15e: {  	vm7 =	vge.f32 v18, v7;
	[tilespmem:s24+$0x10060] =	vst v9;
	v9 =	vnsel vm6, $0x0, v12;
	v12 =	vmul.f32 v17, v8  }
0x15f: {  	vm8 =	vge.f32 v17, v7;
	v18 =	vld [tilespmem:s24+$0xE0];
	[tilespmem:s24+$0x10070] =	vst v9;
	v9 =	vnsel vm7, $0x0, v11;
	v11 =	vmul.f32 v16, v8  }
0x160: {  	vm9 =	vge.f32 v16, v7;
	[tilespmem:s24+$0x10080] =	vst v9;
	v9 =	vnsel vm8, $0x0, v12;
	v12 =	vmul.f32 v15, v8  }
0x161: {  	vm10 =	vge.f32 v15, v7;
	[tilespmem:s24+$0x10090] =	vst v9;
	v9 =	vnsel vm9, $0x0, v11;
	v11 =	vmul.f32 v13, v8  }
0x162: {  	vm11 =	vge.f32 v13, v7;
	[tilespmem:s24+$0x100A0] =	vst v9;
	v9 =	vnsel vm10, $0x0, v12;
	v12 =	vmul.f32 v14, v8  }
0x163: {  	vm12 =	vmmov vm5;
	vm13 =	vge.f32 v14, v7;
	[tilespmem:s24+$0x100B0] =	vst v9;
	v9 =	vnsel vm11, $0x0, v11  }
0x164: {  	vm14 =	vge.f32 v18, v7;
	v7 =	vmul.f32 v18, v8;
	[tilespmem:s24+$0x100C0] =	vst v9;
	v8 =	vnsel vm13, $0x0, v12  }
0x165: {  	vm15 =	vmmov vm14;
	v9 =	vnsel vm12, $0x0, v10;
	[tilespmem:s24+$0x100D0] =	vst v8  }
0x166: {  	s30 =	sadd.s32 s3, s23;
	v7 =	vnsel vm15, $0x0, v7;
	[tilespmem:s19+$0x100E0] =	vst v9  }
0x167: {  	p0 =	seq.s32 s17, $0xF;
	s19 =	sadd.s32 s22, s30;
	[tilespmem:s24+$0x100E0] =	vst v7  }
0x168: {  	[hbm4b:s19+s9] =	stream.strided.scatter [tilespmem:s13], [sflag:$0x3], $0x8000, s10, s9, $0x38;
	[tilespmem:$0x18080] =	vst v63  }
0x169: {  	s19 =	sadd.s32 @!p0 $0x2, s21  }
0x16a: {  	s20 =	sshll.u32 @!p0 s19, $0x4  }
0x16b: {  	s19 =	sshll.u32 @!p0 s19, $0xC;
	s20 =	sand.u32 @!p0 $0x60, s20  }
0x16c: {  	s22 =	simm.s32 @!p0 $0x0;
	s19 =	sand.u32 @!p0 $0xFFF8000, s19;
	s20 =	sadd.s32 @!p0 s1, s20  }
0x16d: {  	s21 =	simm.s32 @!p0 $0x400;
	s19 =	sadd.s32 @!p0 s19, s20;
	s20 =	simm.s32 @!p0 $0x80  }
0x16e: {  	[tilespmem:s22], [sflag:$0x1] =	stream.strided.gather @!p0 [hbm4b:s19+s20], $0x8000, s21, s20, $0x38;
	[tilespmem:$0x18080] =	vst v63  }
0x16f: {  	_ =	swait.ge [sflag:s14], $0x8000  }
0x170: {  	[sflag:s14] =	ssyncset.done $0x0  }
0x171: {  	s31 =	simm.s32 $0x0;
	[sflag:s14] =	ssyncadd.s32 $0xFFFF8000  }
0x172: {  	v7 =	vld [tilespmem:s31+$0x8020]  }
0x173: {  	v8 =	vld [tilespmem:s31+$0x8010]  }
0x174: {  	v9 =	vld [tilespmem:s31+$0x8000];
	_ =	sdelay $0x1  }
0x175: {  	v10 =	vld [tilespmem:s31+$0x8060]  }
0x176: {  	v12 =	vimm.f32 $-Inf;
	v11 =	vld [tilespmem:s31+$0x8050]  }
0x177: {  	v13 =	vmin.f32 v12, v7;
	v15 =	vmax.f32 v12, v8;
	v8 =	vmin.f32 v12, v8  }
0x178: {  	v14 =	vld [tilespmem:s31+$0x80A0];
	v7 =	vmax.f32 v12, v7;
	v19 =	vmax.f32 v12, v9;
	v21 =	vmin.f32 v12, v9  }
0x179: {  	v20 =	vld [tilespmem:s31+$0x80E0];
	v16 =	vmax.f32 v12, v8;
	v17 =	vmax.f32 v12, v13;
	v8 =	vmin.f32 v12, v8  }
0x17a: {  	v13 =	vmin.f32 v12, v13;
	v18 =	vmax.f32 v7, v10;
	v23 =	vmin.f32 v12, v21  }
0x17b: {  	v22 =	vld [tilespmem:s31+$0x8090];
	v10 =	vmin.f32 v7, v10;
	v9 =	vmax.f32 v12, v13;
	v13 =	vmin.f32 v15, v11  }
0x17c: {  	v8 =	vmax.f32 v12, v8;
	v24 =	vmax.f32 v16, v13;
	v13 =	vmin.f32 v16, v13;
	v16 =	vld [tilespmem:s31+$0x80D0]  }
0x17d: {  	v25 =	vmax.f32 v18, v14;
	v27 =	vmax.f32 v17, v10;
	v10 =	vmin.f32 v17, v10  }
0x17e: {  	v18 =	vmin.f32 v18, v14;
	v7 =	vmin.f32 v25, v20;
	v17 =	vmax.f32 v9, v10  }
0x17f: {  	v14 =	vmax.f32 v27, v18;
	v26 =	vmax.f32 v8, v13;
	v8 =	vmax.f32 v15, v11;
	v15 =	vld [tilespmem:s31+$0x8030]  }
0x180: {  	v13 =	vmax.f32 v12, v23;
	v11 =	vmax.f32 v8, v22;
	v8 =	vmin.f32 v8, v22  }
0x181: {  	v22 =	vld [tilespmem:s31+$0x8070];
	v9 =	vmax.f32 v24, v8;
	v23 =	vmin.f32 v11, v16;
	v10 =	vmax.f32 v11, v16  }
0x182: {  	v28 =	vld [tilespmem:s31+$0x8040];
	v11 =	vmin.f32 v24, v8;
	v16 =	vmax.f32 v12, v21;
	v29 =	vmin.f32 v9, v23  }
0x183: {  	v9 =	vmax.f32 v9, v23;
	v26 =	vmax.f32 v26, v11;
	v23 =	vld [tilespmem:s31+$0x80B0];
	v11 =	vmax.f32 v25, v20  }
0x184: {  	v21 =	vmax.f32 v12, v15;
	v15 =	vmin.f32 v12, v15;
	v20 =	vmin.f32 v27, v18  }
0x185: {  	v24 =	vmax.f32 v12, v15;
	v25 =	vmin.f32 v12, v15;
	v15 =	vmax.f32 v17, v20  }
0x186: {  	v18 =	vld [tilespmem:s31+$0x8080];
	v12 =	vmax.f32 v12, v25;
	v25 =	vmax.f32 v21, v22;
	v21 =	vmin.f32 v21, v22  }
0x187: {  	v17 =	vmin.f32 v19, v28;
	v27 =	vmax.f32 v24, v21;
	v22 =	vmin.f32 v24, v21;
	v21 =	vld [tilespmem:s31+$0x80F0]  }
0x188: {  	v20 =	vmax.f32 v19, v28;
	v28 =	vmin.f32 v25, v23;
	v23 =	vmax.f32 v25, v23;
	v25 =	vld [tilespmem:s31+$0x80C0]  }
0x189: {  	v8 =	vmax.f32 v14, v7  }
0x18a: {  	v19 =	vmin.f32 v16, v17;
	v24 =	vmax.f32 v12, v22;
	v12 =	vmax.f32 v26, v29  }
0x18b: {  	s19 =	simm.s32 $0x400;
	v26 =	vmin.f32 v20, v18;
	v22 =	vmax.f32 v27, v28;
	v27 =	vmin.f32 v27, v28  }
.LBB2_12:
0x18c: {  	s20 =	sshra.s32 s19, $0x2;
	p1 =	sne.s32 s19, $0x1FC00;
	s19 =	sadd.s32 $0x400, s19;
	v18 =	vmax.f32 v20, v18;
	v20 =	vmax.f32 v24, v27;
	v24 =	vmax.f32 v23, v21  }
0x18d: {  	v7 =	vmin.f32 v14, v7;
	v27 =	vld [tilespmem:s20+$0x8020];
	v28 =	vmax.f32 v18, v25;
	v18 =	vmin.f32 v18, v25  }
0x18e: {  	v16 =	vmax.f32 v16, v17;
	v13 =	vmax.f32 v13, v19;
	v17 =	vmin.f32 v23, v21;
	v14 =	vld [tilespmem:s20+$0x8010]  }
0x18f: {  	v21 =	vmax.f32 v16, v26;
	v16 =	vmin.f32 v16, v26;
	v23 =	vmin.f32 v22, v17;
	v19 =	vld [tilespmem:s20+$0x8000]  }
0x190: {  	v17 =	vmax.f32 v22, v17;
	v26 =	vmin.f32 v21, v18;
	v20 =	vmax.f32 v20, v23;
	v25 =	vld [tilespmem:s20+$0x8060]  }
0x191: {  	v7 =	vmax.f32 v15, v7;
	v13 =	vmax.f32 v13, v16;
	v16 =	vmax.f32 v21, v18;
	v22 =	vld [tilespmem:s20+$0x8050]  }
0x192: {  	v13 =	vmax.f32 v13, v26;
	v15 =	vmin.f32 v11, v27;
	v18 =	vld [tilespmem:s20+$0x80A0]  }
0x193: {  	v11 =	vmax.f32 v11, v27;
	v21 =	vmax.f32 v10, v14;
	v10 =	vmin.f32 v10, v14  }
0x194: {  	v26 =	vmax.f32 v8, v15;
	v23 =	vmax.f32 v28, v19;
	v14 =	vmax.f32 v9, v10  }
0x195: {  	v8 =	vmin.f32 v8, v15;
	v9 =	vmin.f32 v9, v10;
	v10 =	vmax.f32 v11, v25;
	v15 =	vld [tilespmem:s20+$0x80E0]  }
0x196: {  	v19 =	vmin.f32 v28, v19;
	v8 =	vmax.f32 v7, v8;
	v7 =	vmin.f32 v21, v22;
	v27 =	vld [tilespmem:s20+$0x8090]  }
0x197: {  	v28 =	vmin.f32 v16, v19;
	v29 =	vmax.f32 v14, v7;
	v7 =	vmin.f32 v14, v7;
	v30 =	vld [tilespmem:s20+$0x80D0]  }
0x198: {  	v9 =	vmax.f32 v12, v9;
	v11 =	vmin.f32 v11, v25;
	v12 =	vmax.f32 v10, v18  }
0x199: {  	v31 =	vmax.f32 v26, v11;
	v18 =	vmin.f32 v10, v18;
	v25 =	vmax.f32 v9, v7  }
0x19a: {  	v13 =	vmax.f32 v13, v28;
	v9 =	vmax.f32 v21, v22;
	v7 =	vmin.f32 v12, v15  }
0x19b: {  	v10 =	vmin.f32 v26, v11;
	v21 =	vld [tilespmem:s20+$0x8030];
	v11 =	vmax.f32 v9, v27;
	v9 =	vmin.f32 v9, v27  }
0x19c: {  	v22 =	vmax.f32 v8, v10;
	v26 =	vld [tilespmem:s20+$0x8070];
	v8 =	vmax.f32 v29, v9;
	v27 =	vmin.f32 v11, v30  }
0x19d: {  	v14 =	vmax.f32 v31, v18;
	v10 =	vmax.f32 v11, v30;
	v28 =	vld [tilespmem:s20+$0x8040];
	v30 =	vmin.f32 v8, v27  }
0x19e: {  	v11 =	vmin.f32 v29, v9;
	v9 =	vmax.f32 v8, v27;
	v8 =	vmax.f32 v14, v7  }
0x19f: {  	v16 =	vmax.f32 v16, v19;
	v27 =	vmax.f32 v25, v11;
	v11 =	vmax.f32 v12, v15;
	v29 =	vld [tilespmem:s20+$0x80B0]  }
0x1a0: {  	v19 =	vmin.f32 v31, v18;
	v12 =	vmax.f32 v24, v21;
	v15 =	vmin.f32 v24, v21;
	v21 =	vld [tilespmem:s20+$0x80F0]  }
0x1a1: {  	v24 =	vmax.f32 v17, v15;
	v17 =	vmin.f32 v17, v15;
	v18 =	vld [tilespmem:s20+$0x8080];
	v15 =	vmax.f32 v22, v19  }
.Ltmp7:
0x1a2: {  	v31 =	vmax.f32 v12, v26;
	v22 =	vmax.f32 v20, v17;
	v17 =	vmin.f32 v23, v28;
	v25 =	vld [tilespmem:s20+$0x80C0];
	(pc) =	sbr.rel @p1 .LBB2_12-.Ltmp7, $4  }
0x1a3: {  	v12 =	vmin.f32 v12, v26;
	v20 =	vmax.f32 v23, v28;
	v19 =	vmin.f32 v16, v17  }
0x1a4: {  	v28 =	vmax.f32 v24, v12;
	v12 =	vmin.f32 v24, v12;
	v32 =	vmin.f32 v31, v29  }
0x1a5: {  	v24 =	vmax.f32 v22, v12;
	v12 =	vmax.f32 v27, v30;
	v23 =	vmax.f32 v31, v29  }
0x1a6: {  	v22 =	vmax.f32 v28, v32;
	v27 =	vmin.f32 v28, v32;
	v26 =	vmin.f32 v20, v18  }
0x1a7: {  	v20 =	vmax.f32 v20, v18  }
0x1a8: {  	v16 =	vmax.f32 v16, v17;
	v13 =	vmax.f32 v13, v19;
	v18 =	vmax.f32 v20, v25  }
0x1a9: {  	v20 =	vmin.f32 v20, v25;
	v17 =	vmax.f32 v16, v26;
	v16 =	vmin.f32 v16, v26  }
0x1aa: {  	v19 =	vmin.f32 v17, v20;
	v13 =	vmax.f32 v13, v16;
	v20 =	vmax.f32 v17, v20  }
0x1ab: {  	v19 =	vmax.f32 v13, v19;
	v13 =	vmax.f32 v18, v20  }
0x1ac: {  	v13 =	vmax.f32 v13, v19  }
0x1ad: {  	v13 =	vmax.f32 v13, v10  }
0x1ae: {  	v13 =	vmax.f32 v13, v9  }
0x1af: {  	v13 =	vmax.f32 v13, v12  }
0x1b0: {  	v7 =	vmin.f32 v14, v7;
	v13 =	vmax.f32 v13, v11  }
0x1b1: {  	v24 =	vmax.f32 v24, v27;
	v17 =	vmax.f32 v15, v7;
	v7 =	vmax.f32 v13, v8  }
0x1b2: {  	v14 =	vmax.f32 v23, v21;
	v13 =	vmin.f32 v23, v21;
	v7 =	vmax.f32 v7, v17  }
0x1b3: {  	v15 =	vmin.f32 v22, v13;
	v16 =	vmax.f32 v22, v13;
	v7 =	vmax.f32 v7, v14  }
0x1b4: {  	v15 =	vmax.f32 v24, v15;
	v7 =	vmax.f32 v7, v16  }
0x1b5: {  	v7 =	vmax.f32 v7, v15  }
0x1b6: {  	v13 =	vperm.xlane v7, v3;
	_ =	sdelay $0x1  }
0x1b7: {  	v7 =	vmax.f32 v7, v13  }
0x1b8: {  	v13 =	vperm.xlane v7, v4;
	_ =	sdelay $0x1  }
0x1b9: {  	v7 =	vmax.f32 v7, v13  }
0x1ba: {  	v13 =	vperm.xlane v7, v5;
	_ =	sdelay $0x1  }
0x1bb: {  	v7 =	vmax.f32 v7, v13  }
0x1bc: {  	v13 =	vperm.xlane v7, v6;
	_ =	sdelay $0x1  }
0x1bd: {  	v7 =	vmax.f32 v7, v13  }
0x1be: {  	vm1 =	vlt.f32 v18, v7;
	vm2 =	vlt.f32 v20, v7  }
0x1bf: {  	vm14 =	vlt.f32 v19, v7;
	v21 =	vnsel vm1, $0xFF800000, v18;
	v22 =	vnsel vm2, $0xFF800000, v20  }
0x1c0: {  	vm15 =	vlt.f32 v10, v7;
	v23 =	vnsel vm14, $0xFF800000, v19;
	v61 =	vmax.f32 v21, v22  }
0x1c1: {  	vm4 =	vlt.f32 v9, v7;
	v62 =	vnsel vm15, $0xFF800000, v10;
	v24 =	vmax.f32 v61, v23  }
0x1c2: {  	vm5 =	vlt.f32 v12, v7;
	v63 =	vnsel vm4, $0xFF800000, v9;
	v24 =	vmax.f32 v24, v62  }
0x1c3: {  	vm6 =	vlt.f32 v11, v7;
	v40 =	vnsel vm5, $0xFF800000, v12;
	v24 =	vmax.f32 v24, v63  }
0x1c4: {  	vm7 =	vlt.f32 v8, v7;
	v28 =	vnsel vm6, $0xFF800000, v11;
	v24 =	vmax.f32 v24, v40  }
0x1c5: {  	vm8 =	vlt.f32 v17, v7;
	v29 =	vnsel vm7, $0xFF800000, v8;
	v24 =	vmax.f32 v24, v28  }
0x1c6: {  	vm9 =	vlt.f32 v14, v7;
	v30 =	vnsel vm8, $0xFF800000, v17;
	v24 =	vmax.f32 v24, v29  }
0x1c7: {  	vm10 =	vlt.f32 v16, v7;
	v31 =	vnsel vm9, $0xFF800000, v14;
	v24 =	vmax.f32 v24, v30  }
0x1c8: {  	vm11 =	vlt.f32 v15, v7;
	v32 =	vnsel vm10, $0xFF800000, v16;
	v24 =	vmax.f32 v24, v31  }
0x1c9: {  	v13 =	vimm.f32 $0.0e+00;
	v33 =	vnsel vm11, $0xFF800000, v15;
	v24 =	vmax.f32 v24, v32  }
0x1ca: {  	vm0 =	veq.f32 v18, v7;
	vm12 =	veq.f32 v20, v7;
	v24 =	vmax.f32 v24, v33  }
0x1cb: {  	v34 =	vsel vm0, $0x3F800000, v13;
	v35 =	vsel vm12, $0x3F800000, v13;
	v41 =	vperm.xlane v24, v3  }
0x1cc: {  	vm13 =	veq.f32 v19, v7;
	v34 =	vadd.f32 v35, v34  }
0x1cd: {  	v36 =	vsel vm13, $0x3F800000, v13;
	v24 =	vmax.f32 v24, v41  }
0x1ce: {  	vm14 =	veq.f32 v10, v7;
	v34 =	vadd.f32 v34, v36;
	v43 =	vperm.xlane v24, v4  }
0x1cf: {  	v42 =	vsel vm14, $0x3F800000, v13  }
0x1d0: {  	vm15 =	veq.f32 v9, v7;
	v34 =	vadd.f32 v34, v42;
	v24 =	vmax.f32 v24, v43  }
0x1d1: {  	v44 =	vsel vm15, $0x3F800000, v13;
	v45 =	vperm.xlane v24, v5  }
0x1d2: {  	vm4 =	veq.f32 v12, v7;
	v34 =	vadd.f32 v34, v44  }
0x1d3: {  	vm5 =	veq.f32 v11, v7;
	v46 =	vsel vm4, $0x3F800000, v13;
	v24 =	vmax.f32 v24, v45  }
0x1d4: {  	vm6 =	veq.f32 v8, v7;
	v34 =	vadd.f32 v34, v46;
	v48 =	vperm.xlane v24, v6  }
0x1d5: {  	vm9 =	veq.f32 v17, v7;
	vm11 =	veq.f32 v14, v7;
	v47 =	vsel vm5, $0x3F800000, v13  }
0x1d6: {  	vm13 =	veq.f32 v16, v7;
	v34 =	vadd.f32 v34, v47;
	v24 =	vmax.f32 v24, v48  }
0x1d7: {  	v49 =	vsel vm6, $0x3F800000, v13;
	vm7 =	veq.f32 v18, v24;
	vm8 =	veq.f32 v20, v24  }
0x1d8: {  	v34 =	vadd.f32 v34, v49;
	v50 =	vsel vm7, $0x3F800000, v13;
	v51 =	vsel vm8, $0x3F800000, v13  }
0x1d9: {  	v52 =	vsel vm9, $0x3F800000, v13;
	vm10 =	veq.f32 v19, v24;
	v35 =	vadd.f32 v51, v50  }
0x1da: {  	v54 =	vsel vm11, $0x3F800000, v13;
	v34 =	vadd.f32 v34, v52;
	v53 =	vsel vm10, $0x3F800000, v13  }
0x1db: {  	v56 =	vsel vm13, $0x3F800000, v13;
	vm12 =	veq.f32 v10, v24;
	v35 =	vadd.f32 v35, v53  }
0x1dc: {  	vm5 =	veq.f32 v15, v7;
	v34 =	vadd.f32 v34, v54;
	v55 =	vsel vm12, $0x3F800000, v13  }
0x1dd: {  	v59 =	vsel vm5, $0x3F800000, v13;
	vm14 =	veq.f32 v9, v24;
	v35 =	vadd.f32 v35, v55  }
0x1de: {  	v34 =	vadd.f32 v34, v56;
	vm4 =	vlt.f32 v22, v24;
	v57 =	vsel vm14, $0x3F800000, v13  }
0x1df: {  	vm15 =	veq.f32 v12, v24;
	v22 =	vnsel vm4, $0xFF800000, v22;
	v35 =	vadd.f32 v35, v57  }
0x1e0: {  	vm6 =	vlt.f32 v21, v24;
	v58 =	vsel vm15, $0x3F800000, v13;
	v21 =	vmax.f32 v21, v22  }
0x1e1: {  	vm7 =	veq.f32 v11, v24;
	v21 =	vsel vm6, v21, v22;
	v35 =	vadd.f32 v35, v58  }
0x1e2: {  	vm8 =	vlt.f32 v23, v24;
	v22 =	vsel vm7, $0x3F800000, v13;
	v23 =	vmax.f32 v21, v23  }
0x1e3: {  	vm9 =	veq.f32 v8, v24;
	v21 =	vsel vm8, v23, v21;
	v22 =	vadd.f32 v35, v22  }
0x1e4: {  	vm10 =	vlt.f32 v62, v24;
	v23 =	vsel vm9, $0x3F800000, v13;
	v25 =	vmax.f32 v21, v62  }
0x1e5: {  	vm11 =	veq.f32 v17, v24;
	v21 =	vsel vm10, v25, v21;
	v22 =	vadd.f32 v22, v23  }
0x1e6: {  	vm12 =	vlt.f32 v63, v24;
	v25 =	vmax.f32 v21, v63;
	v23 =	vsel vm11, $0x3F800000, v13  }
0x1e7: {  	vm13 =	veq.f32 v14, v24;
	v21 =	vsel vm12, v25, v21;
	v22 =	vadd.f32 v22, v23  }
0x1e8: {  	vm14 =	vlt.f32 v40, v24;
	v25 =	vmax.f32 v21, v40;
	v23 =	vsel vm13, $0x3F800000, v13  }
0x1e9: {  	vm15 =	veq.f32 v16, v24;
	v21 =	vsel vm14, v25, v21;
	v22 =	vadd.f32 v22, v23  }
0x1ea: {  	vm4 =	vlt.f32 v28, v24;
	v25 =	vmax.f32 v21, v28;
	v23 =	vsel vm15, $0x3F800000, v13  }
0x1eb: {  	vm5 =	veq.f32 v15, v24;
	v21 =	vsel vm4, v25, v21;
	v22 =	vadd.f32 v22, v23  }
0x1ec: {  	vm6 =	vlt.f32 v29, v24;
	v25 =	vmax.f32 v21, v29;
	v23 =	vsel vm5, $0x3F800000, v13  }
0x1ed: {  	v60 =	vadd.f32 v34, v59;
	v21 =	vsel vm6, v25, v21;
	v22 =	vadd.f32 v22, v23  }
0x1ee: {  	vm7 =	vlt.f32 v30, v24;
	v23 =	vmax.f32 v21, v30  }
0x1ef: {  	v61 =	vperm.xlane v60, v3;
	v21 =	vsel vm7, v23, v21;
	v62 =	vperm.xlane v22, v3  }
0x1f0: {  	vm8 =	vlt.f32 v31, v24;
	v23 =	vmax.f32 v21, v31  }
0x1f1: {  	v25 =	vadd.f32 v60, v61;
	v21 =	vsel vm8, v23, v21;
	v22 =	vadd.f32 v22, v62  }
0x1f2: {  	vm9 =	vlt.f32 v32, v24;
	v23 =	vmax.f32 v21, v32  }
0x1f3: {  	v26 =	vperm.xlane v25, v4;
	v21 =	vsel vm9, v23, v21;
	v27 =	vperm.xlane v22, v4  }
0x1f4: {  	vm10 =	vlt.f32 v33, v24;
	v23 =	vmax.f32 v21, v33  }
0x1f5: {  	v25 =	vadd.f32 v25, v26;
	v21 =	vsel vm10, v23, v21;
	v22 =	vadd.f32 v22, v27  }
0x1f6: {  	v23 =	vperm.xlane v21, v3  }
0x1f7: {  	v26 =	vperm.xlane v25, v5;
	v27 =	vperm.xlane v22, v5  }
0x1f8: {  	v21 =	vmax.f32 v21, v23  }
0x1f9: {  	v23 =	vadd.f32 v25, v26;
	v63 =	vperm.xlane v21, v4;
	v22 =	vadd.f32 v22, v27;
	_ =	sdelay $0x1  }
0x1fa: {  	v26 =	vperm.xlane v23, v6;
	v21 =	vmax.f32 v21, v63;
	v27 =	vperm.xlane v22, v6  }
0x1fb: {  	v25 =	vperm.xlane v21, v5  }
0x1fc: {  	v23 =	vadd.f32 v23, v26;
	v22 =	vadd.f32 v22, v27  }
0x1fd: {  	v21 =	vmax.f32 v21, v25  }
0x1fe: {  	v25 =	vperm.xlane v21, v6;
	v22 =	vadd.f32 v22, v23;
	_ =	sdelay $0x1  }
0x1ff: {  	v21 =	vmax.f32 v21, v25;
	vm11 =	vge.f32 v22, $3.000000000e+00  }
0x200: {  	vm12 =	vge.f32 v23, $3.000000000e+00;
	v21 =	vsel vm11, v24, v21  }
0x201: {  	v7 =	vsel vm12, v7, v21  }
0x202: {  	vm13 =	veq.f32 v19, v7;
	vm1 =	veq.f32 v12, v7  }
0x203: {  	vm14 =	veq.f32 v17, v7;
	v21 =	vsel vm13, $0x3F800000, v13;
	v22 =	vsel vm1, $0x3F800000, v13  }
0x204: {  	vm15 =	veq.f32 v15, v7;
	v21 =	vmax.f32 v21, v22;
	v22 =	vsel vm14, $0x3F800000, v13  }
0x205: {  	v21 =	vmax.f32 v21, v22;
	v22 =	vsel vm15, $0x3F800000, v13  }
0x206: {  	v21 =	vmax.f32 v21, v22  }
0x207: {  	v22 =	vperm.xlane v21, v3;
	_ =	sdelay $0x1  }
0x208: {  	v21 =	vmax.f32 v21, v22  }
0x209: {  	v22 =	vperm.xlane v21, v4;
	_ =	sdelay $0x1  }
0x20a: {  	v21 =	vmax.f32 v21, v22  }
0x20b: {  	v22 =	vperm.xlane v21, v5;
	_ =	sdelay $0x1  }
0x20c: {  	v21 =	vmax.f32 v21, v22  }
0x20d: {  	v22 =	vperm.xlane v21, v6;
	_ =	sdelay $0x1  }
0x20e: {  	v21 =	vmax.f32 v21, v22  }
0x20f: {  	(v2sf) =	vpush v21, $0x0;
	_ =	sdelay $0xe  }
0x210: {  	s19 =	spop (v2sf)  }
0x211: {  	p1 =	sgt.f32 s19, $0.0e+00  }
.Ltmp8:
0x212: {  	_ = 	snop;
	(pc) =	sbr.rel @!p1 .LBB2_17-.Ltmp8, $2  }
0x213: {  	_ =	sdelay $0x2  }
0x214: {  	s20 =	simm.s32 $0x0  }
0x215: {  	s19 =	sshra.s32 s20, $0x2  }
0x216: {  	v12 =	vld [tilespmem:s19+$0x8040]  }
0x217: {  	v9 =	vld [tilespmem:s19+$0x8070]  }
0x218: {  	v17 =	vld [tilespmem:s19+$0x8020]  }
0x219: {  	v14 =	vld [tilespmem:s19+$0x8010]  }
0x21a: {  	v10 =	vld [tilespmem:s19+$0x8060]  }
0x21b: {  	v18 =	vld [tilespmem:s19+$0x8030]  }
0x21c: {  	v8 =	vld [tilespmem:s19+$0x8000]  }
0x21d: {  	v19 =	vld [tilespmem:s19+$0x8050]  }
0x21e: {  	v16 =	vld [tilespmem:s19+$0x80A0];
	vm0 =	vge.f32 v9, v7;
	vm1 =	vge.f32 v17, v7;
	vm2 =	vge.f32 v14, v7  }
0x21f: {  	v11 =	vld [tilespmem:s19+$0x80B0];
	v15 =	vnsel vm0, $0x0, v9;
	vm0 =	vge.f32 v10, v7;
	v14 =	vnsel vm2, $0x0, v14  }
0x220: {  	vm2 =	vge.f32 v18, v7;
	v9 =	vld [tilespmem:s19+$0x80E0];
	v17 =	vnsel vm1, $0x0, v17;
	vm1 =	vge.f32 v12, v7  }
0x221: {  	v20 =	vnsel vm0, $0x0, v10;
	vm0 =	vge.f32 v8, v7;
	v10 =	vld [tilespmem:s19+$0x80F0];
	v22 =	vadd.f32 v17, v13  }
0x222: {  	v17 =	vnsel vm2, $0x0, v18;
	v12 =	vnsel vm1, $0x0, v12;
	v18 =	vld [tilespmem:s19+$0x8080];
	vm1 =	vge.f32 v19, v7  }
0x223: {  	vm2 =	vge.f32 v16, v7;
	v23 =	vadd.f32 v17, v13;
	v17 =	vld [tilespmem:s19+$0x8090];
	v21 =	vnsel vm1, $0x0, v19  }
0x224: {  	s20 =	sadd.s32 $0x400, s20;
	vm1 =	vge.f32 v11, v7;
	v19 =	vld [tilespmem:s19+$0x80C0];
	v22 =	vadd.f32 v20, v22;
	v20 =	vimm.f32 $0.0e+00  }
.LBB2_15:
0x225: {  	p1 =	sne.s32 s20, $0x1FC00;
	v15 =	vadd.f32 v15, v23;
	v16 =	vnsel vm2, $0x0, v16;
	v23 =	vld [tilespmem:s19+$0x80D0];
	s19 =	sshra.s32 s20, $0x2;
	s20 =	sadd.s32 $0x400, s20;
	vm2 =	vge.f32 v9, v7  }
0x226: {  	v11 =	vnsel vm1, $0x0, v11;
	v24 =	vld [tilespmem:s19+$0x8040];
	v16 =	vadd.f32 v16, v22;
	vm1 =	vge.f32 v10, v7  }
0x227: {  	v8 =	vnsel vm0, $0x0, v8;
	v9 =	vnsel vm2, $0x0, v9;
	v22 =	vld [tilespmem:s19+$0x8070];
	v11 =	vadd.f32 v11, v15  }
0x228: {  	v25 =	vld [tilespmem:s19+$0x8060];
	vm0 =	vge.f32 v17, v7;
	v26 =	vadd.f32 v9, v16;
	v9 =	vnsel vm1, $0x0, v10  }
0x229: {  	v13 =	vadd.f32 v14, v13;
	vm1 =	vge.f32 v18, v7;
	v10 =	vld [tilespmem:s19+$0x8020];
	v27 =	vadd.f32 v9, v11  }
0x22a: {  	v11 =	vadd.f32 v8, v20;
	v14 =	vnsel vm1, $0x0, v18;
	v9 =	vld [tilespmem:s19+$0x8010];
	vm1 =	vge.f32 v23, v7  }
0x22b: {  	v13 =	vadd.f32 v21, v13;
	v16 =	vnsel vm0, $0x0, v17;
	vm0 =	vge.f32 v19, v7;
	v18 =	vld [tilespmem:s19+$0x8030]  }
0x22c: {  	v11 =	vadd.f32 v12, v11;
	v12 =	vnsel vm0, $0x0, v19;
	v8 =	vld [tilespmem:s19+$0x8000];
	vm2 =	vge.f32 v22, v7  }
0x22d: {  	v13 =	vadd.f32 v16, v13;
	v17 =	vnsel vm1, $0x0, v23;
	v19 =	vld [tilespmem:s19+$0x8050];
	v15 =	vnsel vm2, $0x0, v22  }
0x22e: {  	vm0 =	vge.f32 v25, v7;
	v20 =	vadd.f32 v14, v11;
	vm1 =	vge.f32 v10, v7;
	v16 =	vld [tilespmem:s19+$0x80A0]  }
0x22f: {  	v13 =	vadd.f32 v17, v13;
	v22 =	vnsel vm0, $0x0, v25;
	vm2 =	vge.f32 v9, v7;
	v11 =	vld [tilespmem:s19+$0x80B0]  }
.Ltmp9:
0x230: {  	v20 =	vadd.f32 v12, v20;
	v14 =	vnsel vm2, $0x0, v9;
	vm2 =	vge.f32 v18, v7;
	v9 =	vld [tilespmem:s19+$0x80E0];
	(pc) =	sbr.rel @p1 .LBB2_15-.Ltmp9, $4  }
0x231: {  	v12 =	vnsel vm1, $0x0, v10;
	vm1 =	vge.f32 v24, v7;
	vm0 =	vge.f32 v8, v7;
	v10 =	vld [tilespmem:s19+$0x80F0]  }
0x232: {  	v25 =	vadd.f32 v12, v26;
	v12 =	vnsel vm1, $0x0, v24;
	v17 =	vnsel vm2, $0x0, v18;
	v18 =	vld [tilespmem:s19+$0x8080]  }
0x233: {  	v23 =	vadd.f32 v17, v27;
	vm1 =	vge.f32 v19, v7;
	v17 =	vld [tilespmem:s19+$0x8090];
	vm2 =	vge.f32 v16, v7  }
0x234: {  	v22 =	vadd.f32 v22, v25;
	v21 =	vnsel vm1, $0x0, v19;
	vm1 =	vge.f32 v11, v7;
	v19 =	vld [tilespmem:s19+$0x80C0]  }
0x235: {  	v24 =	vld [tilespmem:s19+$0x80D0];
	v15 =	vadd.f32 v15, v23;
	v8 =	vnsel vm0, $0x0, v8  }
0x236: {  	v13 =	vadd.f32 v14, v13;
	v8 =	vadd.f32 v8, v20  }
0x237: {  	v58 =	vnsel vm2, $0x0, v16;
	vm14 =	vge.f32 v9, v7;
	vm11 =	vge.f32 v18, v7  }
0x238: {  	v13 =	vadd.f32 v21, v13;
	vm10 =	vge.f32 v17, v7;
	v8 =	vadd.f32 v12, v8  }
0x239: {  	v59 =	vnsel vm11, $0x0, v18;
	v60 =	vnsel vm10, $0x0, v17;
	vm13 =	vge.f32 v19, v7  }
0x23a: {  	vm12 =	vge.f32 v24, v7;
	v12 =	vadd.f32 v60, v13;
	v8 =	vadd.f32 v59, v8  }
0x23b: {  	v62 =	vadd.f32 v58, v22;
	v61 =	vnsel vm13, $0x0, v19;
	v63 =	vnsel vm12, $0x0, v24  }
0x23c: {  	v11 =	vnsel vm1, $0x0, v11;
	v12 =	vadd.f32 v63, v12;
	v8 =	vadd.f32 v61, v8  }
0x23d: {  	v9 =	vnsel vm14, $0x0, v9;
	v11 =	vadd.f32 v11, v15  }
.Ltmp10:
0x23e: {  	vm15 =	vge.f32 v10, v7;
	v9 =	vadd.f32 v9, v62;
	v8 =	vadd.f32 v12, v8;
	(pc) =	sbr.rel .LBB2_18-.Ltmp10, $3  }
0x23f: {  	v10 =	vnsel vm15, $0x0, v10  }
0x240: {  	v10 =	vadd.f32 v10, v11;
	v8 =	vadd.f32 v9, v8;
	_ =	sdelay $0x1  }
0x241: {  	v8 =	vadd.f32 v10, v8  }
.LBB2_17:
0x242: {  	v13 =	vadd.f32 $0.0e+00, v18  }
0x243: {  	vm0 =	vge.f32 v18, v7;
	vm1 =	vge.f32 v20, v7  }
0x244: {  	v62 =	vnsel vm1, $0x0, v20;
	v13 =	vnsel vm0, $0x0, v13  }
0x245: {  	vm6 =	vge.f32 v19, v7;
	v13 =	vadd.f32 v62, v13  }
0x246: {  	v63 =	vnsel vm6, $0x0, v19  }
0x247: {  	vm7 =	vge.f32 v10, v7;
	v13 =	vadd.f32 v13, v63  }
0x248: {  	v10 =	vnsel vm7, $0x0, v10  }
0x249: {  	vm8 =	vge.f32 v9, v7;
	v10 =	vadd.f32 v13, v10  }
0x24a: {  	v9 =	vnsel vm8, $0x0, v9  }
0x24b: {  	vm9 =	vge.f32 v12, v7;
	v9 =	vadd.f32 v10, v9  }
0x24c: {  	v10 =	vnsel vm9, $0x0, v12  }
0x24d: {  	vm10 =	vge.f32 v11, v7;
	v9 =	vadd.f32 v9, v10  }
0x24e: {  	v10 =	vnsel vm10, $0x0, v11  }
0x24f: {  	vm11 =	vge.f32 v8, v7;
	v9 =	vadd.f32 v9, v10  }
0x250: {  	v8 =	vnsel vm11, $0x0, v8  }
0x251: {  	vm12 =	vge.f32 v17, v7;
	v8 =	vadd.f32 v9, v8  }
0x252: {  	v9 =	vnsel vm12, $0x0, v17  }
0x253: {  	vm13 =	vge.f32 v14, v7;
	v8 =	vadd.f32 v8, v9  }
0x254: {  	v9 =	vnsel vm13, $0x0, v14  }
0x255: {  	vm14 =	vge.f32 v16, v7;
	v8 =	vadd.f32 v8, v9  }
0x256: {  	v9 =	vnsel vm14, $0x0, v16  }
0x257: {  	vm15 =	vge.f32 v15, v7;
	v8 =	vadd.f32 v8, v9  }
0x258: {  	v9 =	vnsel vm15, $0x0, v15  }
0x259: {  	v8 =	vadd.f32 v8, v9  }
.LBB2_18:
0x25a: {  	_ = 	snop  }
0x25b: {  	v9 =	vperm.xlane v8, v3;
	_ =	sdelay $0x1  }
0x25c: {  	v9 =	vadd.f32 v9, v8;
	_ =	sdelay $0x1  }
0x25d: {  	v10 =	vperm.xlane v9, v0;
	_ =	sdelay $0x1  }
0x25e: {  	v9 =	vadd.f32 v10, v9;
	_ =	sdelay $0x1  }
0x25f: {  	v10 =	vperm.xlane v9, v1;
	_ =	sdelay $0x1  }
0x260: {  	v9 =	vadd.f32 v10, v9;
	_ =	sdelay $0x1  }
0x261: {  	v10 =	vperm.xlane v9, v2;
	_ =	sdelay $0x1  }
0x262: {  	v9 =	vadd.f32 v10, v9;
	_ =	sdelay $0x1  }
0x263: {  	(erf) = vrcp.f32 v9;
	_ =	sdelay $0x8  }
0x264: {  	[tilespmem:$0x18000] =	vst v8;
	v8 =	vpop (erf)  }
0x265: {  	_ =	swait.ge [sflag:s15], $0x8000  }
0x266: {  	[sflag:s15] =	ssyncset.done $0x0  }
0x267: {  	s20 =	simm.s32 $0x0;
	[sflag:s15] =	ssyncadd.s32 $0xFFFF8000  }
0x268: {  	v9 =	vld [tilespmem:s20+$0x80F0]  }
0x269: {  	v10 =	vld [tilespmem:s20+$0x8000]  }
0x26a: {  	v11 =	vld [tilespmem:s20+$0x8010];
	_ =	sdelay $0x1  }
0x26b: {  	v12 =	vld [tilespmem:s20+$0x8020]  }
0x26c: {  	v13 =	vld [tilespmem:s20+$0x8030]  }
0x26d: {  	v15 =	vmul.f32 v9, v8  }
0x26e: {  	v14 =	vld [tilespmem:s20+$0x8040];
	v17 =	vmul.f32 v10, v8;
	vm0 =	vge.f32 v9, v7;
	v18 =	vmul.f32 v11, v8  }
0x26f: {  	v16 =	vld [tilespmem:s20+$0x8050];
	vm1 =	vge.f32 v10, v7;
	v10 =	vnsel vm0, $0x0, v15;
	vm0 =	vge.f32 v11, v7  }
0x270: {  	[tilespmem:s20+$0x100F0] =	vst v10;
	v10 =	vmul.f32 v12, v8;
	v11 =	vnsel vm0, $0x0, v18  }
0x271: {  	v9 =	vld [tilespmem:s20+$0x8060];
	v17 =	vnsel vm1, $0x0, v17;
	vm0 =	vge.f32 v12, v7;
	[tilespmem:s20+$0x10010] =	vst v11;
	v11 =	vmul.f32 v13, v8  }
0x272: {  	v15 =	vld [tilespmem:s20+$0x8070];
	[tilespmem:s20+$0x10000] =	vst v17;
	v10 =	vnsel vm0, $0x0, v10;
	vm0 =	vge.f32 v13, v7  }
0x273: {  	[tilespmem:s20+$0x10020] =	vst v10;
	v10 =	vmul.f32 v14, v8;
	v11 =	vnsel vm0, $0x0, v11  }
0x274: {  	v17 =	vld [tilespmem:s20+$0x8080];
	vm0 =	vge.f32 v14, v7;
	[tilespmem:s20+$0x10030] =	vst v11;
	v11 =	vmul.f32 v16, v8  }
0x275: {  	v12 =	vld [tilespmem:s20+$0x8090];
	v10 =	vnsel vm0, $0x0, v10;
	vm0 =	vge.f32 v16, v7  }
0x276: {  	[tilespmem:s20+$0x10040] =	vst v10;
	v10 =	vmul.f32 v9, v8;
	v11 =	vnsel vm0, $0x0, v11  }
0x277: {  	v13 =	vld [tilespmem:s20+$0x80A0];
	vm0 =	vge.f32 v9, v7;
	[tilespmem:s20+$0x10050] =	vst v11;
	v11 =	vmul.f32 v15, v8  }
0x278: {  	v14 =	vld [tilespmem:s20+$0x80B0];
	v9 =	vnsel vm0, $0x0, v10;
	vm0 =	vge.f32 v15, v7  }
0x279: {  	s19 =	simm.s32 $0x100;
	v16 =	vld [tilespmem:s20+$0x80C0];
	v15 =	vmul.f32 v17, v8;
	[tilespmem:s20+$0x10060] =	vst v9;
	v11 =	vnsel vm0, $0x0, v11  }
0x27a: {  	vm0 =	vge.f32 v17, v7;
	v18 =	vld [tilespmem:s19+$0x80F0];
	[tilespmem:s20+$0x10070] =	vst v11;
	v11 =	vmul.f32 v12, v8  }
0x27b: {  	v10 =	vld [tilespmem:s20+$0x80D0];
	v15 =	vnsel vm0, $0x0, v15;
	vm0 =	vge.f32 v12, v7  }
0x27c: {  	v12 =	vmul.f32 v13, v8;
	v17 =	vld [tilespmem:s19+$0x8000];
	[tilespmem:s20+$0x10080] =	vst v15;
	v11 =	vnsel vm0, $0x0, v11  }
0x27d: {  	v15 =	vld [tilespmem:s19+$0x8010];
	vm0 =	vge.f32 v13, v7;
	[tilespmem:s20+$0x10090] =	vst v11;
	v11 =	vmul.f32 v14, v8  }
0x27e: {  	v12 =	vnsel vm0, $0x0, v12;
	vm0 =	vge.f32 v14, v7  }
0x27f: {  	v13 =	vld [tilespmem:s19+$0x8020];
	[tilespmem:s20+$0x100A0] =	vst v12;
	v12 =	vmul.f32 v16, v8;
	v11 =	vnsel vm0, $0x0, v11  }
0x280: {  	v14 =	vld [tilespmem:s19+$0x8030];
	vm0 =	vge.f32 v16, v7;
	[tilespmem:s20+$0x100B0] =	vst v11;
	v11 =	vmul.f32 v10, v8  }
0x281: {  	v12 =	vnsel vm0, $0x0, v12;
	vm0 =	vge.f32 v10, v7  }
0x282: {  	v16 =	vld [tilespmem:s19+$0x8040];
	[tilespmem:s20+$0x100C0] =	vst v12;
	v10 =	vnsel vm0, $0x0, v11;
	v11 =	vmul.f32 v18, v8  }
0x283: {  	v19 =	vld [tilespmem:s19+$0x8050];
	vm0 =	vge.f32 v18, v7;
	[tilespmem:s20+$0x100D0] =	vst v10;
	v10 =	vmul.f32 v17, v8  }
0x284: {  	v9 =	vld [tilespmem:s20+$0x80E0];
	vm1 =	vge.f32 v17, v7;
	v11 =	vnsel vm0, $0x0, v11  }
0x285: {  	v18 =	vld [tilespmem:s19+$0x8060];
	[tilespmem:s19+$0x100F0] =	vst v11;
	v11 =	vmul.f32 v15, v8;
	v10 =	vnsel vm1, $0x0, v10  }
0x286: {  	v17 =	vld [tilespmem:s19+$0x8070];
	vm0 =	vge.f32 v15, v7;
	[tilespmem:s19+$0x10000] =	vst v10;
	v10 =	vmul.f32 v13, v8  }
0x287: {  	v11 =	vnsel vm0, $0x0, v11;
	vm0 =	vge.f32 v13, v7  }
0x288: {  	[tilespmem:s19+$0x10010] =	vst v11;
	v11 =	vmul.f32 v14, v8;
	v10 =	vnsel vm0, $0x0, v10  }
0x289: {  	v15 =	vld [tilespmem:s19+$0x8080];
	vm0 =	vge.f32 v14, v7;
	[tilespmem:s19+$0x10020] =	vst v10;
	v10 =	vmul.f32 v16, v8  }
0x28a: {  	v20 =	vld [tilespmem:s19+$0x8090];
	v13 =	vmul.f32 v19, v8;
	v11 =	vnsel vm0, $0x0, v11;
	vm0 =	vge.f32 v16, v7  }
0x28b: {  	v12 =	vld [tilespmem:s19+$0x80A0];
	vm1 =	vge.f32 v18, v7;
	vm2 =	vge.f32 v17, v7;
	[tilespmem:s19+$0x10030] =	vst v11;
	v10 =	vnsel vm0, $0x0, v10  }
0x28c: {  	s22 =	sor.u32 $0x1, s18;
	v16 =	vmul.f32 v17, v8;
	v11 =	vld [tilespmem:s19+$0x80B0];
	vm0 =	vge.f32 v19, v7;
	[tilespmem:s19+$0x10040] =	vst v10;
	v10 =	vmul.f32 v18, v8  }
0x28d: {  	s18 =	sor.u32 s4, s22;
	v14 =	vnsel vm0, $0x0, v13;
	v13 =	vld [tilespmem:s19+$0x80C0];
	vm0 =	vge.f32 v9, v7;
	v9 =	vmul.f32 v9, v8  }
0x28e: {  	s23 =	simm.s32 $0x200;
	s22 =	sshll.u32 s22, $0x4;
	s21 =	sshll.u32 s18, $0xC;
	[tilespmem:s19+$0x10050] =	vst v14;
	v14 =	vld [tilespmem:s19+$0x80D0];
	v10 =	vnsel vm1, $0x0, v10;
	vm1 =	vge.f32 v15, v7;
	v15 =	vmul.f32 v15, v8  }
0x28f: {  	s24 =	simm.s32 $0xC00;
	s22 =	sand.u32 $0x70, s22;
	s21 =	sand.u32 $0x3F8000, s21;
	v17 =	vnsel vm2, $0x0, v16;
	vm2 =	vge.f32 v20, v7;
	v16 =	vmul.f32 v20, v8;
	[tilespmem:s19+$0x10060] =	vst v10;
	v10 =	vld [tilespmem:s19+$0x80E0]  }
.LBB2_19:
0x290: {  	v15 =	vnsel vm1, $0x0, v15  }
0x291: {  	p1 =	sne.s32 s24, $0x1FC00;
	v18 =	vld [tilespmem:s23+$0x80F0];
	[tilespmem:s19+$0x10070] =	vst v17;
	vm1 =	vge.f32 v12, v7;
	v12 =	vmul.f32 v12, v8;
	vm3 =	vmmov vm0  }
0x292: {  	v17 =	vld [tilespmem:s23+$0x8000];
	[tilespmem:s19+$0x10080] =	vst v15;
	v15 =	vnsel vm2, $0x0, v16;
	vm0 =	vge.f32 v11, v7;
	v11 =	vmul.f32 v11, v8  }
0x293: {  	v16 =	vld [tilespmem:s23+$0x8010];
	[tilespmem:s19+$0x10090] =	vst v15;
	v12 =	vnsel vm1, $0x0, v12;
	vm1 =	vge.f32 v13, v7;
	v13 =	vmul.f32 v13, v8  }
0x294: {  	v15 =	vld [tilespmem:s23+$0x8020];
	[tilespmem:s19+$0x100A0] =	vst v12;
	v11 =	vnsel vm0, $0x0, v11;
	vm2 =	vge.f32 v14, v7;
	v12 =	vmul.f32 v14, v8  }
0x295: {  	v14 =	vld [tilespmem:s23+$0x8030];
	[tilespmem:s19+$0x100B0] =	vst v11;
	v11 =	vnsel vm1, $0x0, v13;
	vm0 =	vge.f32 v10, v7;
	v10 =	vmul.f32 v10, v8  }
0x296: {  	v20 =	vnsel vm3, $0x0, v9;
	v13 =	vld [tilespmem:s23+$0x8040];
	v19 =	vmul.f32 v18, v8;
	[tilespmem:s19+$0x100C0] =	vst v11;
	v11 =	vnsel vm2, $0x0, v12  }
0x297: {  	vm2 =	vge.f32 v18, v7;
	vm1 =	vge.f32 v17, v7;
	v12 =	vmul.f32 v17, v8;
	v17 =	vld [tilespmem:s23+$0x8050];
	[tilespmem:s19+$0x100D0] =	vst v11  }
0x298: {  	v9 =	vmovc v10;
	vm3 =	vge.f32 v16, v7;
	v11 =	vmul.f32 v16, v8;
	v16 =	vld [tilespmem:s23+$0x8060];
	v18 =	vnsel vm2, $0x0, v19;
	[tilespmem:s20+$0x100E0] =	vst v20;
	s20 =	smov.u32 s19;
	s19 =	smov.u32 s23  }
0x299: {  	v10 =	vnsel vm1, $0x0, v12;
	vm1 =	vge.f32 v15, v7;
	v12 =	vmul.f32 v15, v8;
	v15 =	vld [tilespmem:s19+$0x8070];
	[tilespmem:s19+$0x100F0] =	vst v18  }
0x29a: {  	[tilespmem:s19+$0x10000] =	vst v10;
	v10 =	vnsel vm3, $0x0, v11;
	vm2 =	vge.f32 v14, v7;
	v11 =	vmul.f32 v14, v8;
	v14 =	vld [tilespmem:s19+$0x8080]  }
0x29b: {  	[tilespmem:s19+$0x10010] =	vst v10;
	v10 =	vnsel vm1, $0x0, v12;
	vm1 =	vge.f32 v13, v7;
	v13 =	vmul.f32 v13, v8;
	v18 =	vld [tilespmem:s19+$0x8090]  }
.Ltmp11:
0x29c: {  	[tilespmem:s19+$0x10020] =	vst v10;
	v10 =	vnsel vm2, $0x0, v11;
	vm2 =	vge.f32 v17, v7;
	v17 =	vmul.f32 v17, v8;
	v12 =	vld [tilespmem:s19+$0x80A0];
	(pc) =	sbr.rel @p1 .LBB2_19-.Ltmp11, $4  }
0x29d: {  	[tilespmem:s19+$0x10030] =	vst v10;
	v10 =	vnsel vm1, $0x0, v13;
	vm1 =	vge.f32 v16, v7;
	v16 =	vmul.f32 v16, v8;
	v11 =	vld [tilespmem:s19+$0x80B0]  }
0x29e: {  	[tilespmem:s19+$0x10040] =	vst v10;
	v10 =	vnsel vm2, $0x0, v17;
	vm2 =	vge.f32 v15, v7;
	v17 =	vmul.f32 v15, v8;
	v13 =	vld [tilespmem:s19+$0x80C0]  }
0x29f: {  	[tilespmem:s19+$0x10050] =	vst v10;
	v10 =	vnsel vm1, $0x0, v16;
	vm1 =	vge.f32 v14, v7;
	v15 =	vmul.f32 v14, v8;
	v14 =	vld [tilespmem:s19+$0x80D0]  }
0x2a0: {  	s23 =	sshra.s32 s24, $0x2;
	s24 =	sadd.s32 $0x400, s24;
	[tilespmem:s19+$0x10060] =	vst v10;
	v17 =	vnsel vm2, $0x0, v17;
	vm2 =	vge.f32 v18, v7;
	v16 =	vmul.f32 v18, v8;
	v10 =	vld [tilespmem:s19+$0x80E0]  }
0x2a1: {  	v18 =	vld [tilespmem:s23+$0x80F0];
	[tilespmem:s19+$0x10070] =	vst v17;
	v15 =	vnsel vm1, $0x0, v15;
	v24 =	vmul.f32 v12, v8;
	vm5 =	vge.f32 v12, v7  }
0x2a2: {  	vm0 =	vmmov vm0;
	v17 =	vld [tilespmem:s23+$0x8000];
	[tilespmem:s19+$0x10080] =	vst v15;
	v16 =	vnsel vm2, $0x0, v16;
	v25 =	vmul.f32 v11, v8  }
0x2a3: {  	vm6 =	vge.f32 v11, v7;
	v19 =	vld [tilespmem:s23+$0x8010];
	[tilespmem:s19+$0x10090] =	vst v16;
	v15 =	vnsel vm5, $0x0, v24;
	v26 =	vmul.f32 v13, v8  }
0x2a4: {  	vm7 =	vge.f32 v13, v7;
	v16 =	vld [tilespmem:s23+$0x8020];
	[tilespmem:s19+$0x100A0] =	vst v15;
	v12 =	vnsel vm6, $0x0, v25;
	v27 =	vmul.f32 v14, v8  }
0x2a5: {  	v9 =	vnsel vm0, $0x0, v9;
	vm8 =	vge.f32 v14, v7;
	v15 =	vld [tilespmem:s23+$0x8030];
	[tilespmem:s19+$0x100B0] =	vst v12;
	v11 =	vnsel vm7, $0x0, v26  }
0x2a6: {  	vm5 =	vge.f32 v10, v7;
	v28 =	vld [tilespmem:s23+$0x8040];
	[tilespmem:s19+$0x100C0] =	vst v11;
	v29 =	vnsel vm8, $0x0, v27;
	v31 =	vmul.f32 v18, v8  }
0x2a7: {  	v49 =	vmul.f32 v10, v8;
	vm9 =	vge.f32 v18, v7;
	v30 =	vld [tilespmem:s23+$0x8050];
	[tilespmem:s19+$0x100D0] =	vst v29;
	v33 =	vmul.f32 v17, v8  }
0x2a8: {  	vm10 =	vge.f32 v17, v7;
	v32 =	vld [tilespmem:s23+$0x8060];
	[tilespmem:s20+$0x100E0] =	vst v9;
	v34 =	vnsel vm9, $0x0, v31;
	v36 =	vmul.f32 v19, v8  }
0x2a9: {  	vm11 =	vge.f32 v19, v7;
	v35 =	vld [tilespmem:s23+$0x8070];
	v18 =	vnsel vm10, $0x0, v33;
	[tilespmem:s23+$0x100F0] =	vst v34;
	v37 =	vmul.f32 v16, v8  }
0x2aa: {  	v38 =	vld [tilespmem:s23+$0x8080];
	vm12 =	vge.f32 v16, v7;
	[tilespmem:s23+$0x10000] =	vst v18;
	v17 =	vnsel vm11, $0x0, v36;
	v39 =	vmul.f32 v15, v8  }
0x2ab: {  	v40 =	vld [tilespmem:s23+$0x8090];
	vm13 =	vge.f32 v15, v7;
	[tilespmem:s23+$0x10010] =	vst v17;
	v9 =	vnsel vm12, $0x0, v37;
	v41 =	vmul.f32 v28, v8  }
0x2ac: {  	v42 =	vld [tilespmem:s23+$0x80A0];
	vm14 =	vge.f32 v28, v7;
	[tilespmem:s23+$0x10020] =	vst v9;
	v15 =	vnsel vm13, $0x0, v39;
	v43 =	vmul.f32 v30, v8  }
0x2ad: {  	v44 =	vld [tilespmem:s23+$0x80B0];
	vm15 =	vge.f32 v30, v7;
	[tilespmem:s23+$0x10030] =	vst v15;
	v9 =	vnsel vm14, $0x0, v41;
	v45 =	vmul.f32 v32, v8  }
0x2ae: {  	v46 =	vld [tilespmem:s23+$0x80C0];
	vm4 =	vge.f32 v32, v7;
	[tilespmem:s23+$0x10040] =	vst v9;
	v12 =	vnsel vm15, $0x0, v43;
	v47 =	vmul.f32 v35, v8  }
0x2af: {  	v48 =	vld [tilespmem:s23+$0x80D0];
	vm6 =	vge.f32 v35, v7;
	v50 =	vmul.f32 v38, v8;
	[tilespmem:s23+$0x10050] =	vst v12;
	v9 =	vnsel vm4, $0x0, v45  }
0x2b0: {  	vm7 =	vge.f32 v38, v7;
	v52 =	vmul.f32 v40, v8;
	[tilespmem:s23+$0x10060] =	vst v9;
	v51 =	vnsel vm6, $0x0, v47  }
0x2b1: {  	v53 =	vld [tilespmem:s23+$0x80E0];
	vm8 =	vge.f32 v40, v7;
	v55 =	vmul.f32 v42, v8;
	v54 =	vnsel vm7, $0x0, v50;
	[tilespmem:s23+$0x10070] =	vst v51  }
0x2b2: {  	vm9 =	vge.f32 v42, v7;
	v57 =	vmul.f32 v44, v8;
	v56 =	vnsel vm8, $0x0, v52;
	[tilespmem:s23+$0x10080] =	vst v54  }
0x2b3: {  	vm10 =	vge.f32 v44, v7;
	v59 =	vmul.f32 v46, v8;
	v58 =	vnsel vm9, $0x0, v55;
	[tilespmem:s23+$0x10090] =	vst v56  }
0x2b4: {  	vm11 =	vge.f32 v46, v7;
	v61 =	vmul.f32 v48, v8;
	v60 =	vnsel vm10, $0x0, v57;
	[tilespmem:s23+$0x100A0] =	vst v58  }
0x2b5: {  	vm12 =	vmmov vm5;
	vm13 =	vge.f32 v48, v7;
	v62 =	vnsel vm11, $0x0, v59;
	[tilespmem:s23+$0x100B0] =	vst v60  }
.Ltmp12:
0x2b6: {  	vm14 =	vge.f32 v53, v7;
	v7 =	vmul.f32 v53, v8;
	v8 =	vnsel vm13, $0x0, v61;
	[tilespmem:s23+$0x100C0] =	vst v62;
	(pc) =	sbr.rel @p0 .LBB2_22-.Ltmp12, $4  }
0x2b7: {  	v63 =	vnsel vm12, $0x0, v49;
	vm15 =	vmmov vm14;
	[tilespmem:s23+$0x100D0] =	vst v8  }
0x2b8: {  	s31 =	sadd.s32 s3, s22;
	v7 =	vnsel vm15, $0x0, v7;
	[tilespmem:s19+$0x100E0] =	vst v63  }
0x2b9: {  	s19 =	sadd.s32 s21, s31;
	[tilespmem:s23+$0x100E0] =	vst v7  }
0x2ba: {  	[hbm4b:s19+s9] =	stream.strided.scatter [tilespmem:s13], [sflag:$0x3], $0x8000, s10, s9, $0x38;
	[tilespmem:$0x18080] =	vst v63  }
0x2bb: {  	s18 =	sadd.s32 $0x2, s18  }
.Ltmp13:
0x2bc: {  	s19 =	sshll.u32 s18, $0x4;
	(pc) =	sbr.rel .LBB2_2-.Ltmp13, $4  }
0x2bd: {  	s18 =	sshll.u32 s18, $0xC;
	s19 =	sand.u32 $0x70, s19  }
0x2be: {  	s18 =	sand.u32 $0xFFF8000, s18;
	s19 =	sadd.s32 s1, s19  }
0x2bf: {  	s17 =	sadd.s32 $0x1, s17;
	s18 =	sadd.s32 s18, s19  }
0x2c0: {  	[tilespmem:s11], [sflag:$0x2] =	stream.strided.gather [hbm4b:s18+s9], $0x8000, s10, s9, $0x38;
	[tilespmem:$0x18080] =	vst v63  }
.LBB2_23:
0x2c1: {  	_ =	sfence.sel $0x180000  }
0x2c2: {  	[bflag:$0x0] =	sbarrier.arrive $0xFFFF  }
0x2c3: {  	p0 =	sne.s32 s0, $0x0;
	_ =	strace $0x90000047  }
0x2c4: {  	s0 =	sadd.s32 @!p0 $0x100000, s2;
	[bflag:$0x2] =	sbarrier.arrive $0xFFFF  }
0x2c5: {  	[sflag:s0] =	ssyncadd.tile.s32 @!p0 $0x1;
	_ =	shalt  }
.Lfunc_end2:
_tile_overlayer_lowered:
.L_overlay_start_2:
0x2c6: {  	(tag) =	ssettag $0x2  }
0x2c7: {  	s0 =	rddreg [dreg:$0x0];
	s2 =	stileid.u32  }
0x2c8: {  	s1 =	rddreg [dreg:$0x1];
	p0 =	sne.s32 s2, $0x0  }
0x2c9: {  	s3 =	rddreg [dreg:$0x2];
	[bflag:$0x3] =	sbarrier.arrive $0xFFFF;
	s2 =	simm.s32 @!p0 $0x1C04  }
0x2ca: {  	[timem:s3], [sflag:s2] =	dma.local @!p0 [hbm:s0], s1  }
0x2cb: {  	s0 =	simm.s32 @!p0 $0x4  }
0x2cc: {  	_ =	swait.ge @!p0 [sflag:s0], s1  }
0x2cd: {  	s1 =	ssub.s32 @!p0 $0x0, s1;
	[sflag:s0] =	ssyncset.done @!p0 $0x0  }
0x2ce: {  	[sflag:s0] =	ssyncadd.s32 @!p0 s1  }
0x2cf: {  	[bflag:$0x3] =	sbarrier.arrive $0xFFFF  }
0x2d0: {  	_ =	shalt  }

</sc_bundles>
